<compile_context>
chip_gen: v7x
topology: tpu7x:2x2x1
jax: 0.10.2.dev20260603
libtpu: 0.0.44.dev20260713+nightly
codegen_flags: <defaults>
</compile_context>

<pallas_src>
import functools

import jax
import jax.numpy as jnp
from jax import lax
from jax.experimental import pallas as pl
from jax.experimental.pallas import tpu as pltpu
from jax.experimental.pallas import tpu_sc as plsc

NC = 2
NS = 16
L = 16
NW = NC * NS

BATCH = 16384
D = 128
BPW = BATCH // NW
CHUNK = 64
NCHUNK = BPW // CHUNK

_mesh = plsc.VectorSubcoreMesh(
    core_axis_name="c", subcore_axis_name="s", num_cores=NC, num_subcores=NS
)


@functools.partial(
    pl.kernel,
    out_type=jax.ShapeDtypeStruct((BATCH,), jnp.float32),
    mesh=_mesh,
    compiler_params=pltpu.CompilerParams(needs_layout_passes=False),
    scratch_types=[
        pltpu.VMEM((BPW,), jnp.int32),
        pltpu.VMEM((BPW,), jnp.int32),
        pltpu.VMEM((2, CHUNK, D), jnp.float32),
        pltpu.VMEM((2, CHUNK, D), jnp.float32),
        pltpu.VMEM((BPW,), jnp.float32),
        pltpu.VMEM((L, L + 1), jnp.float32),
        pltpu.SemaphoreType.DMA((2,)),
        pltpu.SemaphoreType.DMA((2,)),
    ],
)
def _mf_sc_kernel(
    uids_hbm, iids_hbm, utab_hbm, itab_hbm, out_hbm,
    uidx, iidx, ubuf, ibuf, outv, part,
    usem, isem,
):
    wid = lax.axis_index("s") * NC + lax.axis_index("c")
    base_row = wid * BPW
    hu = pltpu.async_copy(uids_hbm.at[pl.ds(base_row, BPW)], uidx, usem.at[0])
    hi = pltpu.async_copy(iids_hbm.at[pl.ds(base_row, BPW)], iidx, isem.at[0])
    hu.wait()
    hi.wait()

    def start(coff, p):
        pltpu.async_copy(
            utab_hbm.at[uidx.at[pl.ds(coff, CHUNK)]], ubuf.at[p], usem.at[p]
        )
        pltpu.async_copy(
            itab_hbm.at[iidx.at[pl.ds(coff, CHUNK)]], ibuf.at[p], isem.at[p]
        )

    def wait(p):
        pltpu.make_async_copy(
            utab_hbm.at[uidx.at[pl.ds(0, CHUNK)]], ubuf.at[p], usem.at[p]
        ).wait()
        pltpu.make_async_copy(
            itab_hbm.at[iidx.at[pl.ds(0, CHUNK)]], ibuf.at[p], isem.at[p]
        ).wait()

    lane = lax.iota(jnp.int32, L)
    col_last = jnp.full((L,), L - 1, jnp.int32)

    def compute_chunk(ub, ib, base):
        def group(g, _, ub=ub, ib=ib, base=base):
            SUB = 2
            DEPTH = 1
            pending = []
            for h in range(L // SUB):
                sums_by_row = []
                for j in range(SUB):
                    r = g * L + h * SUB + j
                    prods = [
                        ub[r, pl.ds(k * L, L)] * ib[r, pl.ds(k * L, L)]
                        for k in range(D // L)
                    ]
                    while len(prods) > 1:
                        prods = [
                            prods[i] + prods[i + 1] if i + 1 < len(prods) else prods[i]
                            for i in range(0, len(prods), 2)
                        ]
                    sums_by_row.append(plsc.cumsum(prods[0]))
                pending.append((h * SUB, sums_by_row))
                if len(pending) > DEPTH:
                    off, vals = pending.pop(0)
                    for j in range(SUB):
                        part[off + j, pl.ds(0, L)] = vals[j]
            for off, vals in pending:
                for j in range(SUB):
                    part[off + j, pl.ds(0, L)] = vals[j]
            sums = plsc.load_gather(part, [lane, col_last])
            outv[pl.ds(base + g * L, L)] = sums
            return 0

        lax.fori_loop(0, CHUNK // L, group, 0)

    start(0, 0)
    start(CHUNK, 1)

    def chunk_step(c, _):
        p = lax.rem(c, 2)
        base = c * CHUNK
        wait(p)
        compute_chunk(ubuf.at[p], ibuf.at[p], base)

        @pl.when(c < NCHUNK - 2)
        def _():
            start(base + 2 * CHUNK, p)

        return 0

    lax.fori_loop(0, NCHUNK, chunk_step, 0)

    pltpu.sync_copy(outv, out_hbm.at[pl.ds(base_row, BPW)])


def kernel(user_ids, item_ids, user_table, item_table):
    return _mf_sc_kernel(user_ids, item_ids, user_table, item_table)

# --- scband reference (transcript-rebuilt; emitter-appended) ---
"""Pipeline reference for scband-matrix-factorization-15109694947781 (READ-ONLY COPY).

The authoritative reference and input builder live on the scoring server;
editing this copy changes nothing except your own understanding.
"""

import jax, jax.numpy as jnp
import numpy as np

NUM_USERS = 100000
NUM_ITEMS = 1000000
NUM_FEATURES = 128
BATCH = 16384


def setup_inputs(seed: int = 0) -> dict:
    key = jax.random.key(seed)
    k1, k2, k3, k4 = jax.random.split(key, 4)
    user_ids = jax.random.randint(k1, (BATCH,), 0, NUM_USERS, dtype=jnp.int64 if jax.config.jax_enable_x64 else jnp.int32).astype(jnp.int32)
    item_ids = jax.random.randint(k2, (BATCH,), 0, NUM_ITEMS, dtype=jnp.int64 if jax.config.jax_enable_x64 else jnp.int32).astype(jnp.int32)
    user_table = jax.random.normal(k3, (NUM_USERS, NUM_FEATURES), dtype=jnp.float32) * 0.01
    item_table = jax.random.normal(k4, (NUM_ITEMS, NUM_FEATURES), dtype=jnp.float32) * 0.01
    return {"user_ids": user_ids, "item_ids": item_ids, "user_table": user_table, "item_table": item_table}


def reference(user_ids, item_ids, user_table, item_table):
    user_embedding = jnp.take(user_table, user_ids, axis=0)
    item_embedding = jnp.take(item_table, item_ids, axis=0)
    output = jnp.sum(user_embedding * item_embedding, axis=1)
    return output

if __name__ == "__main__":
    import jax
    _d = setup_inputs()
    print(jax.jit(kernel)(*tuple(_d.values())))

</pallas_src>

<mosaic_0001>
#map = affine_map<(d0, d1) -> (0)>
#map1 = affine_map<(d0, d1) -> (0, 0)>
module attributes {stable_mosaic.version = 14 : i64} {
  func.func @_mf_sc_kernel(%arg0: i32, %arg1: i32, %arg2: memref<16384xi32, #tpu.memory_space<hbm>>, %arg3: memref<16384xi32, #tpu.memory_space<hbm>>, %arg4: memref<100000x128xf32, #tpu.memory_space<hbm>>, %arg5: memref<1000000x128xf32, #tpu.memory_space<hbm>>, %arg6: memref<16384xf32, #tpu.memory_space<hbm>>, %arg7: memref<512xi32, #tpu.memory_space<vmem>>, %arg8: memref<512xi32, #tpu.memory_space<vmem>>, %arg9: memref<2x64x128xf32, #tpu.memory_space<vmem>>, %arg10: memref<2x64x128xf32, #tpu.memory_space<vmem>>, %arg11: memref<512xf32, #tpu.memory_space<vmem>>, %arg12: memref<16x17xf32, #tpu.memory_space<vmem>>, %arg13: memref<2x!tpu.dma_semaphore, #tpu.memory_space<semaphore_mem>>, %arg14: memref<2x!tpu.dma_semaphore, #tpu.memory_space<semaphore_mem>>) attributes {dimension_semantics = [#tpu.dimension_semantics<core_parallel>, #tpu.dimension_semantics<subcore_parallel>], iteration_bounds = array<i64: 2, 16>, scalar_prefetch = 0 : i64, scratch_operands = 8 : i64, tpu.core_type = #tpu.core_type<sc_vector_subcore>, window_params = [{transform_indices = #map}, {transform_indices = #map}, {transform_indices = #map1}, {transform_indices = #map1}, {transform_indices = #map}]} {
    %mul3A = arith.constant 2 : i32
    %mul3A_0 = arith.muli %arg1, %mul3A : i32
    %add3A = arith.addi %mul3A_0, %arg0 : i32
    %mul3A_1 = arith.constant 512 : i32
    %mul3A_2 = arith.muli %add3A, %mul3A_1 : i32
    %dma_start3A = arith.constant 0 : i32
    %dma_start3A_3 = tpu.memref_slice %arg2[%mul3A_2] : memref<16384xi32, #tpu.memory_space<hbm>> -> memref<512xi32, #tpu.memory_space<hbm>>
    %dma_start3A_4 = tpu.memref_slice %arg13[%dma_start3A] : memref<2x!tpu.dma_semaphore, #tpu.memory_space<semaphore_mem>> -> memref<1x!tpu.dma_semaphore, #tpu.memory_space<semaphore_mem>>
    %dma_start3A_5 = tpu.memref_squeeze %dma_start3A_4 : memref<1x!tpu.dma_semaphore, #tpu.memory_space<semaphore_mem>> -> memref<!tpu.dma_semaphore, #tpu.memory_space<semaphore_mem>>
    %dma_start3A_6 = tpu.memref_slice %arg2[%mul3A_2] : memref<16384xi32, #tpu.memory_space<hbm>> -> memref<512xi32, #tpu.memory_space<hbm>>
    tpu.enqueue_dma source(%dma_start3A_6 : memref<512xi32, #tpu.memory_space<hbm>>) target(%arg7 : memref<512xi32, #tpu.memory_space<vmem>>) target_semaphore(%dma_start3A_5 : memref<!tpu.dma_semaphore, #tpu.memory_space<semaphore_mem>>)
    %dma_start3A_7 = arith.constant 0 : i32
    %dma_start3A_8 = tpu.memref_slice %arg3[%mul3A_2] : memref<16384xi32, #tpu.memory_space<hbm>> -> memref<512xi32, #tpu.memory_space<hbm>>
    %dma_start3A_9 = tpu.memref_slice %arg14[%dma_start3A_7] : memref<2x!tpu.dma_semaphore, #tpu.memory_space<semaphore_mem>> -> memref<1x!tpu.dma_semaphore, #tpu.memory_space<semaphore_mem>>
    %dma_start3A_10 = tpu.memref_squeeze %dma_start3A_9 : memref<1x!tpu.dma_semaphore, #tpu.memory_space<semaphore_mem>> -> memref<!tpu.dma_semaphore, #tpu.memory_space<semaphore_mem>>
    %dma_start3A_11 = tpu.memref_slice %arg3[%mul3A_2] : memref<16384xi32, #tpu.memory_space<hbm>> -> memref<512xi32, #tpu.memory_space<hbm>>
    tpu.enqueue_dma source(%dma_start3A_11 : memref<512xi32, #tpu.memory_space<hbm>>) target(%arg8 : memref<512xi32, #tpu.memory_space<vmem>>) target_semaphore(%dma_start3A_10 : memref<!tpu.dma_semaphore, #tpu.memory_space<semaphore_mem>>)
    %dma_wait3A = arith.constant 0 : i32
    %dma_wait3A_12 = tpu.memref_slice %arg2[%mul3A_2] : memref<16384xi32, #tpu.memory_space<hbm>> -> memref<512xi32, #tpu.memory_space<hbm>>
    %dma_wait3A_13 = tpu.memref_slice %arg13[%dma_wait3A] : memref<2x!tpu.dma_semaphore, #tpu.memory_space<semaphore_mem>> -> memref<1x!tpu.dma_semaphore, #tpu.memory_space<semaphore_mem>>
    %dma_wait3A_14 = tpu.memref_squeeze %dma_wait3A_13 : memref<1x!tpu.dma_semaphore, #tpu.memory_space<semaphore_mem>> -> memref<!tpu.dma_semaphore, #tpu.memory_space<semaphore_mem>>
    %dma_wait3A_15 = tpu.memref_slice %arg2[%mul3A_2] : memref<16384xi32, #tpu.memory_space<hbm>> -> memref<512xi32, #tpu.memory_space<hbm>>
    tpu.wait_dma2 semaphore(%dma_wait3A_14 : memref<!tpu.dma_semaphore, #tpu.memory_space<semaphore_mem>>) src(%dma_wait3A_15 : memref<512xi32, #tpu.memory_space<hbm>>) dst(%arg7 : memref<512xi32, #tpu.memory_space<vmem>>)
    %dma_wait3A_16 = arith.constant 0 : i32
    %dma_wait3A_17 = tpu.memref_slice %arg3[%mul3A_2] : memref<16384xi32, #tpu.memory_space<hbm>> -> memref<512xi32, #tpu.memory_space<hbm>>
    %dma_wait3A_18 = tpu.memref_slice %arg14[%dma_wait3A_16] : memref<2x!tpu.dma_semaphore, #tpu.memory_space<semaphore_mem>> -> memref<1x!tpu.dma_semaphore, #tpu.memory_space<semaphore_mem>>
    %dma_wait3A_19 = tpu.memref_squeeze %dma_wait3A_18 : memref<1x!tpu.dma_semaphore, #tpu.memory_space<semaphore_mem>> -> memref<!tpu.dma_semaphore, #tpu.memory_space<semaphore_mem>>
    %dma_wait3A_20 = tpu.memref_slice %arg3[%mul3A_2] : memref<16384xi32, #tpu.memory_space<hbm>> -> memref<512xi32, #tpu.memory_space<hbm>>
    tpu.wait_dma2 semaphore(%dma_wait3A_19 : memref<!tpu.dma_semaphore, #tpu.memory_space<semaphore_mem>>) src(%dma_wait3A_20 : memref<512xi32, #tpu.memory_space<hbm>>) dst(%arg8 : memref<512xi32, #tpu.memory_space<vmem>>)
    %iota3A = tpu.iota {dimensions = array<i32: 0>} : vector<16xi32>
    %broadcast_in_dim3A = arith.constant 15 : i32
    %broadcast_in_dim3A_21 = vector.broadcast %broadcast_in_dim3A : i32 to vector<16xi32>
    %dma_start3A_22 = arith.constant 0 : i32
    %dma_start3A_23 = arith.constant 0 : i32
    %dma_start3A_24 = arith.constant 0 : i32
    %dma_start3A_25 = arith.constant 0 : i32
    %dma_start3A_26 = tpu.memref_slice %arg9[%dma_start3A_22, %dma_start3A_24, %dma_start3A_25] : memref<2x64x128xf32, #tpu.memory_space<vmem>> -> memref<1x64x128xf32, #tpu.memory_space<vmem>>
    %dma_start3A_27 = tpu.memref_squeeze %dma_start3A_26 : memref<1x64x128xf32, #tpu.memory_space<vmem>> -> memref<64x128xf32, #tpu.memory_space<vmem>>
    %dma_start3A_28 = arith.constant 0 : i32
    %dma_start3A_29 = tpu.memref_slice %arg7[%dma_start3A_28] : memref<512xi32, #tpu.memory_space<vmem>> -> memref<64xi32, #tpu.memory_space<vmem>>
    %dma_start3A_30 = arith.constant 0 : i32
    %dma_start3A_31 = arith.constant 0 : i32
    %dma_start3A_32 = tpu.memref_slice %arg4[%dma_start3A_30, %dma_start3A_31] : memref<100000x128xf32, #tpu.memory_space<hbm>> -> memref<100000x128xf32, #tpu.memory_space<hbm>>
    %dma_start3A_33 = tpu.memref_slice %arg13[%dma_start3A_23] : memref<2x!tpu.dma_semaphore, #tpu.memory_space<semaphore_mem>> -> memref<1x!tpu.dma_semaphore, #tpu.memory_space<semaphore_mem>>
    %dma_start3A_34 = tpu.memref_squeeze %dma_start3A_33 : memref<1x!tpu.dma_semaphore, #tpu.memory_space<semaphore_mem>> -> memref<!tpu.dma_semaphore, #tpu.memory_space<semaphore_mem>>
    tpu.enqueue_indirect_dma source(%dma_start3A_32 : memref<100000x128xf32, #tpu.memory_space<hbm>>) target(%dma_start3A_27 : memref<64x128xf32, #tpu.memory_space<vmem>>) offsets(%dma_start3A_29 : memref<64xi32, #tpu.memory_space<vmem>>) semaphore(%dma_start3A_34 : memref<!tpu.dma_semaphore, #tpu.memory_space<semaphore_mem>>)
    %dma_start3A_35 = arith.constant 0 : i32
    %dma_start3A_36 = arith.constant 0 : i32
    %dma_start3A_37 = arith.constant 0 : i32
    %dma_start3A_38 = arith.constant 0 : i32
    %dma_start3A_39 = tpu.memref_slice %arg10[%dma_start3A_35, %dma_start3A_37, %dma_start3A_38] : memref<2x64x128xf32, #tpu.memory_space<vmem>> -> memref<1x64x128xf32, #tpu.memory_space<vmem>>
    %dma_start3A_40 = tpu.memref_squeeze %dma_start3A_39 : memref<1x64x128xf32, #tpu.memory_space<vmem>> -> memref<64x128xf32, #tpu.memory_space<vmem>>
    %dma_start3A_41 = arith.constant 0 : i32
    %dma_start3A_42 = tpu.memref_slice %arg8[%dma_start3A_41] : memref<512xi32, #tpu.memory_space<vmem>> -> memref<64xi32, #tpu.memory_space<vmem>>
    %dma_start3A_43 = arith.constant 0 : i32
    %dma_start3A_44 = arith.constant 0 : i32
    %dma_start3A_45 = tpu.memref_slice %arg5[%dma_start3A_43, %dma_start3A_44] : memref<1000000x128xf32, #tpu.memory_space<hbm>> -> memref<1000000x128xf32, #tpu.memory_space<hbm>>
    %dma_start3A_46 = tpu.memref_slice %arg14[%dma_start3A_36] : memref<2x!tpu.dma_semaphore, #tpu.memory_space<semaphore_mem>> -> memref<1x!tpu.dma_semaphore, #tpu.memory_space<semaphore_mem>>
    %dma_start3A_47 = tpu.memref_squeeze %dma_start3A_46 : memref<1x!tpu.dma_semaphore, #tpu.memory_space<semaphore_mem>> -> memref<!tpu.dma_semaphore, #tpu.memory_space<semaphore_mem>>
    tpu.enqueue_indirect_dma source(%dma_start3A_45 : memref<1000000x128xf32, #tpu.memory_space<hbm>>) target(%dma_start3A_40 : memref<64x128xf32, #tpu.memory_space<vmem>>) offsets(%dma_start3A_42 : memref<64xi32, #tpu.memory_space<vmem>>) semaphore(%dma_start3A_47 : memref<!tpu.dma_semaphore, #tpu.memory_space<semaphore_mem>>)
    %dma_start3A_48 = arith.constant 1 : i32
    %dma_start3A_49 = arith.constant 1 : i32
    %dma_start3A_50 = arith.constant 0 : i32
    %dma_start3A_51 = arith.constant 0 : i32
    %dma_start3A_52 = tpu.memref_slice %arg9[%dma_start3A_48, %dma_start3A_50, %dma_start3A_51] : memref<2x64x128xf32, #tpu.memory_space<vmem>> -> memref<1x64x128xf32, #tpu.memory_space<vmem>>
    %dma_start3A_53 = tpu.memref_squeeze %dma_start3A_52 : memref<1x64x128xf32, #tpu.memory_space<vmem>> -> memref<64x128xf32, #tpu.memory_space<vmem>>
    %dma_start3A_54 = arith.constant 64 : i32
    %dma_start3A_55 = tpu.memref_slice %arg7[%dma_start3A_54] : memref<512xi32, #tpu.memory_space<vmem>> -> memref<64xi32, #tpu.memory_space<vmem>>
    %dma_start3A_56 = arith.constant 0 : i32
    %dma_start3A_57 = arith.constant 0 : i32
    %dma_start3A_58 = tpu.memref_slice %arg4[%dma_start3A_56, %dma_start3A_57] : memref<100000x128xf32, #tpu.memory_space<hbm>> -> memref<100000x128xf32, #tpu.memory_space<hbm>>
    %dma_start3A_59 = tpu.memref_slice %arg13[%dma_start3A_49] : memref<2x!tpu.dma_semaphore, #tpu.memory_space<semaphore_mem>> -> memref<1x!tpu.dma_semaphore, #tpu.memory_space<semaphore_mem>>
    %dma_start3A_60 = tpu.memref_squeeze %dma_start3A_59 : memref<1x!tpu.dma_semaphore, #tpu.memory_space<semaphore_mem>> -> memref<!tpu.dma_semaphore, #tpu.memory_space<semaphore_mem>>
    tpu.enqueue_indirect_dma source(%dma_start3A_58 : memref<100000x128xf32, #tpu.memory_space<hbm>>) target(%dma_start3A_53 : memref<64x128xf32, #tpu.memory_space<vmem>>) offsets(%dma_start3A_55 : memref<64xi32, #tpu.memory_space<vmem>>) semaphore(%dma_start3A_60 : memref<!tpu.dma_semaphore, #tpu.memory_space<semaphore_mem>>)
    %dma_start3A_61 = arith.constant 1 : i32
    %dma_start3A_62 = arith.constant 1 : i32
    %dma_start3A_63 = arith.constant 0 : i32
    %dma_start3A_64 = arith.constant 0 : i32
    %dma_start3A_65 = tpu.memref_slice %arg10[%dma_start3A_61, %dma_start3A_63, %dma_start3A_64] : memref<2x64x128xf32, #tpu.memory_space<vmem>> -> memref<1x64x128xf32, #tpu.memory_space<vmem>>
    %dma_start3A_66 = tpu.memref_squeeze %dma_start3A_65 : memref<1x64x128xf32, #tpu.memory_space<vmem>> -> memref<64x128xf32, #tpu.memory_space<vmem>>
    %dma_start3A_67 = arith.constant 64 : i32
    %dma_start3A_68 = tpu.memref_slice %arg8[%dma_start3A_67] : memref<512xi32, #tpu.memory_space<vmem>> -> memref<64xi32, #tpu.memory_space<vmem>>
    %dma_start3A_69 = arith.constant 0 : i32
    %dma_start3A_70 = arith.constant 0 : i32
    %dma_start3A_71 = tpu.memref_slice %arg5[%dma_start3A_69, %dma_start3A_70] : memref<1000000x128xf32, #tpu.memory_space<hbm>> -> memref<1000000x128xf32, #tpu.memory_space<hbm>>
    %dma_start3A_72 = tpu.memref_slice %arg14[%dma_start3A_62] : memref<2x!tpu.dma_semaphore, #tpu.memory_space<semaphore_mem>> -> memref<1x!tpu.dma_semaphore, #tpu.memory_space<semaphore_mem>>
    %dma_start3A_73 = tpu.memref_squeeze %dma_start3A_72 : memref<1x!tpu.dma_semaphore, #tpu.memory_space<semaphore_mem>> -> memref<!tpu.dma_semaphore, #tpu.memory_space<semaphore_mem>>
    tpu.enqueue_indirect_dma source(%dma_start3A_71 : memref<1000000x128xf32, #tpu.memory_space<hbm>>) target(%dma_start3A_66 : memref<64x128xf32, #tpu.memory_space<vmem>>) offsets(%dma_start3A_68 : memref<64xi32, #tpu.memory_space<vmem>>) semaphore(%dma_start3A_73 : memref<!tpu.dma_semaphore, #tpu.memory_space<semaphore_mem>>)
    %scan3A = arith.constant 0 : i32
    %scan3A_74 = arith.constant 0 : i32
    %scan3A_75 = arith.constant 8 : i32
    %scan3A_76 = arith.addi %scan3A_74, %scan3A_75 : i32
    %scan3A_77 = arith.constant 1 : i32
    %scan3A_78 = scf.for %scan3A_80 = %scan3A_74 to %scan3A_76 step %scan3A_77 iter_args(%scan3A_81 = %scan3A) -> (i32)  : i32 {
      %rem3A = arith.constant 2 : i32
      %rem3A_82 = arith.remsi %scan3A_80, %rem3A : i32
      %mul3A_83 = arith.constant 64 : i32
      %mul3A_84 = arith.muli %scan3A_80, %mul3A_83 : i32
      %dma_wait3A_85 = arith.constant 0 : i32
      %dma_wait3A_86 = arith.constant 0 : i32
      %dma_wait3A_87 = tpu.memref_slice %arg9[%rem3A_82, %dma_wait3A_85, %dma_wait3A_86] : memref<2x64x128xf32, #tpu.memory_space<vmem>> -> memref<1x64x128xf32, #tpu.memory_space<vmem>>
      %dma_wait3A_88 = tpu.memref_squeeze %dma_wait3A_87 : memref<1x64x128xf32, #tpu.memory_space<vmem>> -> memref<64x128xf32, #tpu.memory_space<vmem>>
      %dma_wait3A_89 = arith.constant 0 : i32
      %dma_wait3A_90 = tpu.memref_slice %arg7[%dma_wait3A_89] : memref<512xi32, #tpu.memory_space<vmem>> -> memref<64xi32, #tpu.memory_space<vmem>>
      %dma_wait3A_91 = arith.constant 0 : i32
      %dma_wait3A_92 = arith.constant 0 : i32
      %dma_wait3A_93 = tpu.memref_slice %arg4[%dma_wait3A_91, %dma_wait3A_92] : memref<100000x128xf32, #tpu.memory_space<hbm>> -> memref<100000x128xf32, #tpu.memory_space<hbm>>
      %dma_wait3A_94 = tpu.memref_slice %arg13[%rem3A_82] : memref<2x!tpu.dma_semaphore, #tpu.memory_space<semaphore_mem>> -> memref<1x!tpu.dma_semaphore, #tpu.memory_space<semaphore_mem>>
      %dma_wait3A_95 = tpu.memref_squeeze %dma_wait3A_94 : memref<1x!tpu.dma_semaphore, #tpu.memory_space<semaphore_mem>> -> memref<!tpu.dma_semaphore, #tpu.memory_space<semaphore_mem>>
      tpu.wait_indirect_dma semaphore(%dma_wait3A_95 : memref<!tpu.dma_semaphore, #tpu.memory_space<semaphore_mem>>) src(%dma_wait3A_93 : memref<100000x128xf32, #tpu.memory_space<hbm>>) dst(%dma_wait3A_88 : memref<64x128xf32, #tpu.memory_space<vmem>>)
      %dma_wait3A_96 = arith.constant 0 : i32
      %dma_wait3A_97 = arith.constant 0 : i32
      %dma_wait3A_98 = tpu.memref_slice %arg10[%rem3A_82, %dma_wait3A_96, %dma_wait3A_97] : memref<2x64x128xf32, #tpu.memory_space<vmem>> -> memref<1x64x128xf32, #tpu.memory_space<vmem>>
      %dma_wait3A_99 = tpu.memref_squeeze %dma_wait3A_98 : memref<1x64x128xf32, #tpu.memory_space<vmem>> -> memref<64x128xf32, #tpu.memory_space<vmem>>
      %dma_wait3A_100 = arith.constant 0 : i32
      %dma_wait3A_101 = tpu.memref_slice %arg8[%dma_wait3A_100] : memref<512xi32, #tpu.memory_space<vmem>> -> memref<64xi32, #tpu.memory_space<vmem>>
      %dma_wait3A_102 = arith.constant 0 : i32
      %dma_wait3A_103 = arith.constant 0 : i32
      %dma_wait3A_104 = tpu.memref_slice %arg5[%dma_wait3A_102, %dma_wait3A_103] : memref<1000000x128xf32, #tpu.memory_space<hbm>> -> memref<1000000x128xf32, #tpu.memory_space<hbm>>
      %dma_wait3A_105 = tpu.memref_slice %arg14[%rem3A_82] : memref<2x!tpu.dma_semaphore, #tpu.memory_space<semaphore_mem>> -> memref<1x!tpu.dma_semaphore, #tpu.memory_space<semaphore_mem>>
      %dma_wait3A_106 = tpu.memref_squeeze %dma_wait3A_105 : memref<1x!tpu.dma_semaphore, #tpu.memory_space<semaphore_mem>> -> memref<!tpu.dma_semaphore, #tpu.memory_space<semaphore_mem>>
      tpu.wait_indirect_dma semaphore(%dma_wait3A_106 : memref<!tpu.dma_semaphore, #tpu.memory_space<semaphore_mem>>) src(%dma_wait3A_104 : memref<1000000x128xf32, #tpu.memory_space<hbm>>) dst(%dma_wait3A_99 : memref<64x128xf32, #tpu.memory_space<vmem>>)
      %scan3A_107 = arith.constant 0 : i32
      %scan3A_108 = arith.constant 0 : i32
      %scan3A_109 = arith.constant 4 : i32
      %scan3A_110 = arith.addi %scan3A_108, %scan3A_109 : i32
      %scan3A_111 = arith.constant 1 : i32
      %scan3A_112 = scf.for %scan3A_117 = %scan3A_108 to %scan3A_110 step %scan3A_111 iter_args(%scan3A_118 = %scan3A_107) -> (i32)  : i32 {
        %mul3A_119 = arith.constant 16 : i32
        %mul3A_120 = arith.muli %scan3A_117, %mul3A_119 : i32
        %add3A_121 = arith.constant 0 : i32
        %add3A_122 = arith.addi %mul3A_120, %add3A_121 : i32
        %add3A_123 = arith.constant 0 : i32
        %add3A_124 = arith.addi %add3A_122, %add3A_123 : i32
        %get3A = arith.constant 0 : i32
        %get3A_125 = arith.constant 0 : i32
        %get3A_126 = tpu.memref_slice %arg9[%rem3A_82, %get3A, %get3A_125] : memref<2x64x128xf32, #tpu.memory_space<vmem>> -> memref<1x64x128xf32, #tpu.memory_space<vmem>>
        %get3A_127 = tpu.memref_squeeze %get3A_126 : memref<1x64x128xf32, #tpu.memory_space<vmem>> -> memref<64x128xf32, #tpu.memory_space<vmem>>
        %get3A_128 = arith.index_cast %add3A_124 : i32 to index
        %get3A_129 = arith.constant 0 : index
        %get3A_130 = tpu.vector_load %get3A_127[%get3A_128, %get3A_129] {strides = array<i32>} : memref<64x128xf32, #tpu.memory_space<vmem>>, vector<16xf32>,
        %get3A_131 = arith.constant 0 : i32
        %get3A_132 = arith.constant 0 : i32
        %get3A_133 = tpu.memref_slice %arg10[%rem3A_82, %get3A_131, %get3A_132] : memref<2x64x128xf32, #tpu.memory_space<vmem>> -> memref<1x64x128xf32, #tpu.memory_space<vmem>>
        %get3A_134 = tpu.memref_squeeze %get3A_133 : memref<1x64x128xf32, #tpu.memory_space<vmem>> -> memref<64x128xf32, #tpu.memory_space<vmem>>
        %get3A_135 = arith.index_cast %add3A_124 : i32 to index
        %get3A_136 = arith.constant 0 : index
        %get3A_137 = tpu.vector_load %get3A_134[%get3A_135, %get3A_136] {strides = array<i32>} : memref<64x128xf32, #tpu.memory_space<vmem>>, vector<16xf32>,
        %mul3A_138 = arith.mulf %get3A_130, %get3A_137 : vector<16xf32>
        %get3A_139 = arith.constant 0 : i32
        %get3A_140 = arith.constant 0 : i32
        %get3A_141 = tpu.memref_slice %arg9[%rem3A_82, %get3A_139, %get3A_140] : memref<2x64x128xf32, #tpu.memory_space<vmem>> -> memref<1x64x128xf32, #tpu.memory_space<vmem>>
        %get3A_142 = tpu.memref_squeeze %get3A_141 : memref<1x64x128xf32, #tpu.memory_space<vmem>> -> memref<64x128xf32, #tpu.memory_space<vmem>>
        %get3A_143 = arith.index_cast %add3A_124 : i32 to index
        %get3A_144 = arith.constant 16 : index
        %get3A_145 = tpu.vector_load %get3A_142[%get3A_143, %get3A_144] {strides = array<i32>} : memref<64x128xf32, #tpu.memory_space<vmem>>, vector<16xf32>,
        %get3A_146 = arith.constant 0 : i32
        %get3A_147 = arith.constant 0 : i32
        %get3A_148 = tpu.memref_slice %arg10[%rem3A_82, %get3A_146, %get3A_147] : memref<2x64x128xf32, #tpu.memory_space<vmem>> -> memref<1x64x128xf32, #tpu.memory_space<vmem>>
        %get3A_149 = tpu.memref_squeeze %get3A_148 : memref<1x64x128xf32, #tpu.memory_space<vmem>> -> memref<64x128xf32, #tpu.memory_space<vmem>>
        %get3A_150 = arith.index_cast %add3A_124 : i32 to index
        %get3A_151 = arith.constant 16 : index
        %get3A_152 = tpu.vector_load %get3A_149[%get3A_150, %get3A_151] {strides = array<i32>} : memref<64x128xf32, #tpu.memory_space<vmem>>, vector<16xf32>,
        %mul3A_153 = arith.mulf %get3A_145, %get3A_152 : vector<16xf32>
        %get3A_154 = arith.constant 0 : i32
        %get3A_155 = arith.constant 0 : i32
        %get3A_156 = tpu.memref_slice %arg9[%rem3A_82, %get3A_154, %get3A_155] : memref<2x64x128xf32, #tpu.memory_space<vmem>> -> memref<1x64x128xf32, #tpu.memory_space<vmem>>
        %get3A_157 = tpu.memref_squeeze %get3A_156 : memref<1x64x128xf32, #tpu.memory_space<vmem>> -> memref<64x128xf32, #tpu.memory_space<vmem>>
        %get3A_158 = arith.index_cast %add3A_124 : i32 to index
        %get3A_159 = arith.constant 32 : index
        %get3A_160 = tpu.vector_load %get3A_157[%get3A_158, %get3A_159] {strides = array<i32>} : memref<64x128xf32, #tpu.memory_space<vmem>>, vector<16xf32>,
        %get3A_161 = arith.constant 0 : i32
        %get3A_162 = arith.constant 0 : i32
        %get3A_163 = tpu.memref_slice %arg10[%rem3A_82, %get3A_161, %get3A_162] : memref<2x64x128xf32, #tpu.memory_space<vmem>> -> memref<1x64x128xf32, #tpu.memory_space<vmem>>
        %get3A_164 = tpu.memref_squeeze %get3A_163 : memref<1x64x128xf32, #tpu.memory_space<vmem>> -> memref<64x128xf32, #tpu.memory_space<vmem>>
        %get3A_165 = arith.index_cast %add3A_124 : i32 to index
        %get3A_166 = arith.constant 32 : index
        %get3A_167 = tpu.vector_load %get3A_164[%get3A_165, %get3A_166] {strides = array<i32>} : memref<64x128xf32, #tpu.memory_space<vmem>>, vector<16xf32>,
        %mul3A_168 = arith.mulf %get3A_160, %get3A_167 : vector<16xf32>
        %get3A_169 = arith.constant 0 : i32
        %get3A_170 = arith.constant 0 : i32
        %get3A_171 = tpu.memref_slice %arg9[%rem3A_82, %get3A_169, %get3A_170] : memref<2x64x128xf32, #tpu.memory_space<vmem>> -> memref<1x64x128xf32, #tpu.memory_space<vmem>>
        %get3A_172 = tpu.memref_squeeze %get3A_171 : memref<1x64x128xf32, #tpu.memory_space<vmem>> -> memref<64x128xf32, #tpu.memory_space<vmem>>
        %get3A_173 = arith.index_cast %add3A_124 : i32 to index
        %get3A_174 = arith.constant 48 : index
        %get3A_175 = tpu.vector_load %get3A_172[%get3A_173, %get3A_174] {strides = array<i32>} : memref<64x128xf32, #tpu.memory_space<vmem>>, vector<16xf32>,
        %get3A_176 = arith.constant 0 : i32
        %get3A_177 = arith.constant 0 : i32
        %get3A_178 = tpu.memref_slice %arg10[%rem3A_82, %get3A_176, %get3A_177] : memref<2x64x128xf32, #tpu.memory_space<vmem>> -> memref<1x64x128xf32, #tpu.memory_space<vmem>>
        %get3A_179 = tpu.memref_squeeze %get3A_178 : memref<1x64x128xf32, #tpu.memory_space<vmem>> -> memref<64x128xf32, #tpu.memory_space<vmem>>
        %get3A_180 = arith.index_cast %add3A_124 : i32 to index
        %get3A_181 = arith.constant 48 : index
        %get3A_182 = tpu.vector_load %get3A_179[%get3A_180, %get3A_181] {strides = array<i32>} : memref<64x128xf32, #tpu.memory_space<vmem>>, vector<16xf32>,
        %mul3A_183 = arith.mulf %get3A_175, %get3A_182 : vector<16xf32>
        %get3A_184 = arith.constant 0 : i32
        %get3A_185 = arith.constant 0 : i32
        %get3A_186 = tpu.memref_slice %arg9[%rem3A_82, %get3A_184, %get3A_185] : memref<2x64x128xf32, #tpu.memory_space<vmem>> -> memref<1x64x128xf32, #tpu.memory_space<vmem>>
        %get3A_187 = tpu.memref_squeeze %get3A_186 : memref<1x64x128xf32, #tpu.memory_space<vmem>> -> memref<64x128xf32, #tpu.memory_space<vmem>>
        %get3A_188 = arith.index_cast %add3A_124 : i32 to index
        %get3A_189 = arith.constant 64 : index
        %get3A_190 = tpu.vector_load %get3A_187[%get3A_188, %get3A_189] {strides = array<i32>} : memref<64x128xf32, #tpu.memory_space<vmem>>, vector<16xf32>,
        %get3A_191 = arith.constant 0 : i32
        %get3A_192 = arith.constant 0 : i32
        %get3A_193 = tpu.memref_slice %arg10[%rem3A_82, %get3A_191, %get3A_192] : memref<2x64x128xf32, #tpu.memory_space<vmem>> -> memref<1x64x128xf32, #tpu.memory_space<vmem>>
        %get3A_194 = tpu.memref_squeeze %get3A_193 : memref<1x64x128xf32, #tpu.memory_space<vmem>> -> memref<64x128xf32, #tpu.memory_space<vmem>>
        %get3A_195 = arith.index_cast %add3A_124 : i32 to index
        %get3A_196 = arith.constant 64 : index
        %get3A_197 = tpu.vector_load %get3A_194[%get3A_195, %get3A_196] {strides = array<i32>} : memref<64x128xf32, #tpu.memory_space<vmem>>, vector<16xf32>,
        %mul3A_198 = arith.mulf %get3A_190, %get3A_197 : vector<16xf32>
        %get3A_199 = arith.constant 0 : i32
        %get3A_200 = arith.constant 0 : i32
        %get3A_201 = tpu.memref_slice %arg9[%rem3A_82, %get3A_199, %get3A_200] : memref<2x64x128xf32, #tpu.memory_space<vmem>> -> memref<1x64x128xf32, #tpu.memory_space<vmem>>
        %get3A_202 = tpu.memref_squeeze %get3A_201 : memref<1x64x128xf32, #tpu.memory_space<vmem>> -> memref<64x128xf32, #tpu.memory_space<vmem>>
        %get3A_203 = arith.index_cast %add3A_124 : i32 to index
        %get3A_204 = arith.constant 80 : index
        %get3A_205 = tpu.vector_load %get3A_202[%get3A_203, %get3A_204] {strides = array<i32>} : memref<64x128xf32, #tpu.memory_space<vmem>>, vector<16xf32>,
        %get3A_206 = arith.constant 0 : i32
        %get3A_207 = arith.constant 0 : i32
        %get3A_208 = tpu.memref_slice %arg10[%rem3A_82, %get3A_206, %get3A_207] : memref<2x64x128xf32, #tpu.memory_space<vmem>> -> memref<1x64x128xf32, #tpu.memory_space<vmem>>
        %get3A_209 = tpu.memref_squeeze %get3A_208 : memref<1x64x128xf32, #tpu.memory_space<vmem>> -> memref<64x128xf32, #tpu.memory_space<vmem>>
        %get3A_210 = arith.index_cast %add3A_124 : i32 to index
        %get3A_211 = arith.constant 80 : index
        %get3A_212 = tpu.vector_load %get3A_209[%get3A_210, %get3A_211] {strides = array<i32>} : memref<64x128xf32, #tpu.memory_space<vmem>>, vector<16xf32>,
        %mul3A_213 = arith.mulf %get3A_205, %get3A_212 : vector<16xf32>
        %get3A_214 = arith.constant 0 : i32
        %get3A_215 = arith.constant 0 : i32
        %get3A_216 = tpu.memref_slice %arg9[%rem3A_82, %get3A_214, %get3A_215] : memref<2x64x128xf32, #tpu.memory_space<vmem>> -> memref<1x64x128xf32, #tpu.memory_space<vmem>>
        %get3A_217 = tpu.memref_squeeze %get3A_216 : memref<1x64x128xf32, #tpu.memory_space<vmem>> -> memref<64x128xf32, #tpu.memory_space<vmem>>
        %get3A_218 = arith.index_cast %add3A_124 : i32 to index
        %get3A_219 = arith.constant 96 : index
        %get3A_220 = tpu.vector_load %get3A_217[%get3A_218, %get3A_219] {strides = array<i32>} : memref<64x128xf32, #tpu.memory_space<vmem>>, vector<16xf32>,
        %get3A_221 = arith.constant 0 : i32
        %get3A_222 = arith.constant 0 : i32
        %get3A_223 = tpu.memref_slice %arg10[%rem3A_82, %get3A_221, %get3A_222] : memref<2x64x128xf32, #tpu.memory_space<vmem>> -> memref<1x64x128xf32, #tpu.memory_space<vmem>>
        %get3A_224 = tpu.memref_squeeze %get3A_223 : memref<1x64x128xf32, #tpu.memory_space<vmem>> -> memref<64x128xf32, #tpu.memory_space<vmem>>
        %get3A_225 = arith.index_cast %add3A_124 : i32 to index
        %get3A_226 = arith.constant 96 : index
        %get3A_227 = tpu.vector_load %get3A_224[%get3A_225, %get3A_226] {strides = array<i32>} : memref<64x128xf32, #tpu.memory_space<vmem>>, vector<16xf32>,
        %mul3A_228 = arith.mulf %get3A_220, %get3A_227 : vector<16xf32>
        %get3A_229 = arith.constant 0 : i32
        %get3A_230 = arith.constant 0 : i32
        %get3A_231 = tpu.memref_slice %arg9[%rem3A_82, %get3A_229, %get3A_230] : memref<2x64x128xf32, #tpu.memory_space<vmem>> -> memref<1x64x128xf32, #tpu.memory_space<vmem>>
        %get3A_232 = tpu.memref_squeeze %get3A_231 : memref<1x64x128xf32, #tpu.memory_space<vmem>> -> memref<64x128xf32, #tpu.memory_space<vmem>>
        %get3A_233 = arith.index_cast %add3A_124 : i32 to index
        %get3A_234 = arith.constant 112 : index
        %get3A_235 = tpu.vector_load %get3A_232[%get3A_233, %get3A_234] {strides = array<i32>} : memref<64x128xf32, #tpu.memory_space<vmem>>, vector<16xf32>,
        %get3A_236 = arith.constant 0 : i32
        %get3A_237 = arith.constant 0 : i32
        %get3A_238 = tpu.memref_slice %arg10[%rem3A_82, %get3A_236, %get3A_237] : memref<2x64x128xf32, #tpu.memory_space<vmem>> -> memref<1x64x128xf32, #tpu.memory_space<vmem>>
        %get3A_239 = tpu.memref_squeeze %get3A_238 : memref<1x64x128xf32, #tpu.memory_space<vmem>> -> memref<64x128xf32, #tpu.memory_space<vmem>>
        %get3A_240 = arith.index_cast %add3A_124 : i32 to index
        %get3A_241 = arith.constant 112 : index
        %get3A_242 = tpu.vector_load %get3A_239[%get3A_240, %get3A_241] {strides = array<i32>} : memref<64x128xf32, #tpu.memory_space<vmem>>, vector<16xf32>,
        %mul3A_243 = arith.mulf %get3A_235, %get3A_242 : vector<16xf32>
        %add3A_244 = arith.addf %mul3A_138, %mul3A_153 : vector<16xf32>
        %add3A_245 = arith.addf %mul3A_168, %mul3A_183 : vector<16xf32>
        %add3A_246 = arith.addf %mul3A_198, %mul3A_213 : vector<16xf32>
        %add3A_247 = arith.addf %mul3A_228, %mul3A_243 : vector<16xf32>
        %add3A_248 = arith.addf %add3A_244, %add3A_245 : vector<16xf32>
        %add3A_249 = arith.addf %add3A_246, %add3A_247 : vector<16xf32>
        %add3A_250 = arith.addf %add3A_248, %add3A_249 : vector<16xf32>
        %broadcast_in_dim3A_251 = arith.constant true
        %broadcast_in_dim3A_252 = vector.broadcast %broadcast_in_dim3A_251 : i1 to vector<16xi1>
        %masked_cumsum3A = tpu.scan <sum>, %add3A_250 masked %broadcast_in_dim3A_252 : vector<16xf32>, vector<16xi1> -> vector<16xf32>
        %mul3A_253 = arith.constant 16 : i32
        %mul3A_254 = arith.muli %scan3A_117, %mul3A_253 : i32
        %add3A_255 = arith.constant 0 : i32
        %add3A_256 = arith.addi %mul3A_254, %add3A_255 : i32
        %add3A_257 = arith.constant 1 : i32
        %add3A_258 = arith.addi %add3A_256, %add3A_257 : i32
        %get3A_259 = arith.constant 0 : i32
        %get3A_260 = arith.constant 0 : i32
        %get3A_261 = tpu.memref_slice %arg9[%rem3A_82, %get3A_259, %get3A_260] : memref<2x64x128xf32, #tpu.memory_space<vmem>> -> memref<1x64x128xf32, #tpu.memory_space<vmem>>
        %get3A_262 = tpu.memref_squeeze %get3A_261 : memref<1x64x128xf32, #tpu.memory_space<vmem>> -> memref<64x128xf32, #tpu.memory_space<vmem>>
        %get3A_263 = arith.index_cast %add3A_258 : i32 to index
        %get3A_264 = arith.constant 0 : index
        %get3A_265 = tpu.vector_load %get3A_262[%get3A_263, %get3A_264] {strides = array<i32>} : memref<64x128xf32, #tpu.memory_space<vmem>>, vector<16xf32>,
        %get3A_266 = arith.constant 0 : i32
        %get3A_267 = arith.constant 0 : i32
        %get3A_268 = tpu.memref_slice %arg10[%rem3A_82, %get3A_266, %get3A_267] : memref<2x64x128xf32, #tpu.memory_space<vmem>> -> memref<1x64x128xf32, #tpu.memory_space<vmem>>
        %get3A_269 = tpu.memref_squeeze %get3A_268 : memref<1x64x128xf32, #tpu.memory_space<vmem>> -> memref<64x128xf32, #tpu.memory_space<vmem>>
        %get3A_270 = arith.index_cast %add3A_258 : i32 to index
        %get3A_271 = arith.constant 0 : index
        %get3A_272 = tpu.vector_load %get3A_269[%get3A_270, %get3A_271] {strides = array<i32>} : memref<64x128xf32, #tpu.memory_space<vmem>>, vector<16xf32>,
        %mul3A_273 = arith.mulf %get3A_265, %get3A_272 : vector<16xf32>
        %get3A_274 = arith.constant 0 : i32
        %get3A_275 = arith.constant 0 : i32
        %get3A_276 = tpu.memref_slice %arg9[%rem3A_82, %get3A_274, %get3A_275] : memref<2x64x128xf32, #tpu.memory_space<vmem>> -> memref<1x64x128xf32, #tpu.memory_space<vmem>>
        %get3A_277 = tpu.memref_squeeze %get3A_276 : memref<1x64x128xf32, #tpu.memory_space<vmem>> -> memref<64x128xf32, #tpu.memory_space<vmem>>
        %get3A_278 = arith.index_cast %add3A_258 : i32 to index
        %get3A_279 = arith.constant 16 : index
        %get3A_280 = tpu.vector_load %get3A_277[%get3A_278, %get3A_279] {strides = array<i32>} : memref<64x128xf32, #tpu.memory_space<vmem>>, vector<16xf32>,
        %get3A_281 = arith.constant 0 : i32
        %get3A_282 = arith.constant 0 : i32
        %get3A_283 = tpu.memref_slice %arg10[%rem3A_82, %get3A_281, %get3A_282] : memref<2x64x128xf32, #tpu.memory_space<vmem>> -> memref<1x64x128xf32, #tpu.memory_space<vmem>>
        %get3A_284 = tpu.memref_squeeze %get3A_283 : memref<1x64x128xf32, #tpu.memory_space<vmem>> -> memref<64x128xf32, #tpu.memory_space<vmem>>
        %get3A_285 = arith.index_cast %add3A_258 : i32 to index
        %get3A_286 = arith.constant 16 : index
        %get3A_287 = tpu.vector_load %get3A_284[%get3A_285, %get3A_286] {strides = array<i32>} : memref<64x128xf32, #tpu.memory_space<vmem>>, vector<16xf32>,
        %mul3A_288 = arith.mulf %get3A_280, %get3A_287 : vector<16xf32>
        %get3A_289 = arith.constant 0 : i32
        %get3A_290 = arith.constant 0 : i32
        %get3A_291 = tpu.memref_slice %arg9[%rem3A_82, %get3A_289, %get3A_290] : memref<2x64x128xf32, #tpu.memory_space<vmem>> -> memref<1x64x128xf32, #tpu.memory_space<vmem>>
        %get3A_292 = tpu.memref_squeeze %get3A_291 : memref<1x64x128xf32, #tpu.memory_space<vmem>> -> memref<64x128xf32, #tpu.memory_space<vmem>>
        %get3A_293 = arith.index_cast %add3A_258 : i32 to index
        %get3A_294 = arith.constant 32 : index
        %get3A_295 = tpu.vector_load %get3A_292[%get3A_293, %get3A_294] {strides = array<i32>} : memref<64x128xf32, #tpu.memory_space<vmem>>, vector<16xf32>,
        %get3A_296 = arith.constant 0 : i32
        %get3A_297 = arith.constant 0 : i32
        %get3A_298 = tpu.memref_slice %arg10[%rem3A_82, %get3A_296, %get3A_297] : memref<2x64x128xf32, #tpu.memory_space<vmem>> -> memref<1x64x128xf32, #tpu.memory_space<vmem>>
        %get3A_299 = tpu.memref_squeeze %get3A_298 : memref<1x64x128xf32, #tpu.memory_space<vmem>> -> memref<64x128xf32, #tpu.memory_space<vmem>>
        %get3A_300 = arith.index_cast %add3A_258 : i32 to index
        %get3A_301 = arith.constant 32 : index
        %get3A_302 = tpu.vector_load %get3A_299[%get3A_300, %get3A_301] {strides = array<i32>} : memref<64x128xf32, #tpu.memory_space<vmem>>, vector<16xf32>,
        %mul3A_303 = arith.mulf %get3A_295, %get3A_302 : vector<16xf32>
        %get3A_304 = arith.constant 0 : i32
        %get3A_305 = arith.constant 0 : i32
        %get3A_306 = tpu.memref_slice %arg9[%rem3A_82, %get3A_304, %get3A_305] : memref<2x64x128xf32, #tpu.memory_space<vmem>> -> memref<1x64x128xf32, #tpu.memory_space<vmem>>
        %get3A_307 = tpu.memref_squeeze %get3A_306 : memref<1x64x128xf32, #tpu.memory_space<vmem>> -> memref<64x128xf32, #tpu.memory_space<vmem>>
        %get3A_308 = arith.index_cast %add3A_258 : i32 to index
        %get3A_309 = arith.constant 48 : index
        %get3A_310 = tpu.vector_load %get3A_307[%get3A_308, %get3A_309] {strides = array<i32>} : memref<64x128xf32, #tpu.memory_space<vmem>>, vector<16xf32>,
        %get3A_311 = arith.constant 0 : i32
        %get3A_312 = arith.constant 0 : i32
        %get3A_313 = tpu.memref_slice %arg10[%rem3A_82, %get3A_311, %get3A_312] : memref<2x64x128xf32, #tpu.memory_space<vmem>> -> memref<1x64x128xf32, #tpu.memory_space<vmem>>
        %get3A_314 = tpu.memref_squeeze %get3A_313 : memref<1x64x128xf32, #tpu.memory_space<vmem>> -> memref<64x128xf32, #tpu.memory_space<vmem>>
        %get3A_315 = arith.index_cast %add3A_258 : i32 to index
        %get3A_316 = arith.constant 48 : index
        %get3A_317 = tpu.vector_load %get3A_314[%get3A_315, %get3A_316] {strides = array<i32>} : memref<64x128xf32, #tpu.memory_space<vmem>>, vector<16xf32>,
        %mul3A_318 = arith.mulf %get3A_310, %get3A_317 : vector<16xf32>
        %get3A_319 = arith.constant 0 : i32
        %get3A_320 = arith.constant 0 : i32
        %get3A_321 = tpu.memref_slice %arg9[%rem3A_82, %get3A_319, %get3A_320] : memref<2x64x128xf32, #tpu.memory_space<vmem>> -> memref<1x64x128xf32, #tpu.memory_space<vmem>>
        %get3A_322 = tpu.memref_squeeze %get3A_321 : memref<1x64x128xf32, #tpu.memory_space<vmem>> -> memref<64x128xf32, #tpu.memory_space<vmem>>
        %get3A_323 = arith.index_cast %add3A_258 : i32 to index
        %get3A_324 = arith.constant 64 : index
        %get3A_325 = tpu.vector_load %get3A_322[%get3A_323, %get3A_324] {strides = array<i32>} : memref<64x128xf32, #tpu.memory_space<vmem>>, vector<16xf32>,
        %get3A_326 = arith.constant 0 : i32
        %get3A_327 = arith.constant 0 : i32
        %get3A_328 = tpu.memref_slice %arg10[%rem3A_82, %get3A_326, %get3A_327] : memref<2x64x128xf32, #tpu.memory_space<vmem>> -> memref<1x64x128xf32, #tpu.memory_space<vmem>>
        %get3A_329 = tpu.memref_squeeze %get3A_328 : memref<1x64x128xf32, #tpu.memory_space<vmem>> -> memref<64x128xf32, #tpu.memory_space<vmem>>
        %get3A_330 = arith.index_cast %add3A_258 : i32 to index
        %get3A_331 = arith.constant 64 : index
        %get3A_332 = tpu.vector_load %get3A_329[%get3A_330, %get3A_331] {strides = array<i32>} : memref<64x128xf32, #tpu.memory_space<vmem>>, vector<16xf32>,
        %mul3A_333 = arith.mulf %get3A_325, %get3A_332 : vector<16xf32>
        %get3A_334 = arith.constant 0 : i32
        %get3A_335 = arith.constant 0 : i32
        %get3A_336 = tpu.memref_slice %arg9[%rem3A_82, %get3A_334, %get3A_335] : memref<2x64x128xf32, #tpu.memory_space<vmem>> -> memref<1x64x128xf32, #tpu.memory_space<vmem>>
        %get3A_337 = tpu.memref_squeeze %get3A_336 : memref<1x64x128xf32, #tpu.memory_space<vmem>> -> memref<64x128xf32, #tpu.memory_space<vmem>>
        %get3A_338 = arith.index_cast %add3A_258 : i32 to index
        %get3A_339 = arith.constant 80 : index
        %get3A_340 = tpu.vector_load %get3A_337[%get3A_338, %get3A_339] {strides = array<i32>} : memref<64x128xf32, #tpu.memory_space<vmem>>, vector<16xf32>,
        %get3A_341 = arith.constant 0 : i32
        %get3A_342 = arith.constant 0 : i32
        %get3A_343 = tpu.memref_slice %arg10[%rem3A_82, %get3A_341, %get3A_342] : memref<2x64x128xf32, #tpu.memory_space<vmem>> -> memref<1x64x128xf32, #tpu.memory_space<vmem>>
        %get3A_344 = tpu.memref_squeeze %get3A_343 : memref<1x64x128xf32, #tpu.memory_space<vmem>> -> memref<64x128xf32, #tpu.memory_space<vmem>>
        %get3A_345 = arith.index_cast %add3A_258 : i32 to index
        %get3A_346 = arith.constant 80 : index
        %get3A_347 = tpu.vector_load %get3A_344[%get3A_345, %get3A_346] {strides = array<i32>} : memref<64x128xf32, #tpu.memory_space<vmem>>, vector<16xf32>,
        %mul3A_348 = arith.mulf %get3A_340, %get3A_347 : vector<16xf32>
        %get3A_349 = arith.constant 0 : i32
        %get3A_350 = arith.constant 0 : i32
        %get3A_351 = tpu.memref_slice %arg9[%rem3A_82, %get3A_349, %get3A_350] : memref<2x64x128xf32, #tpu.memory_space<vmem>> -> memref<1x64x128xf32, #tpu.memory_space<vmem>>
        %get3A_352 = tpu.memref_squeeze %get3A_351 : memref<1x64x128xf32, #tpu.memory_space<vmem>> -> memref<64x128xf32, #tpu.memory_space<vmem>>
        %get3A_353 = arith.index_cast %add3A_258 : i32 to index
        %get3A_354 = arith.constant 96 : index
        %get3A_355 = tpu.vector_load %get3A_352[%get3A_353, %get3A_354] {strides = array<i32>} : memref<64x128xf32, #tpu.memory_space<vmem>>, vector<16xf32>,
        %get3A_356 = arith.constant 0 : i32
        %get3A_357 = arith.constant 0 : i32
        %get3A_358 = tpu.memref_slice %arg10[%rem3A_82, %get3A_356, %get3A_357] : memref<2x64x128xf32, #tpu.memory_space<vmem>> -> memref<1x64x128xf32, #tpu.memory_space<vmem>>
        %get3A_359 = tpu.memref_squeeze %get3A_358 : memref<1x64x128xf32, #tpu.memory_space<vmem>> -> memref<64x128xf32, #tpu.memory_space<vmem>>
        %get3A_360 = arith.index_cast %add3A_258 : i32 to index
        %get3A_361 = arith.constant 96 : index
        %get3A_362 = tpu.vector_load %get3A_359[%get3A_360, %get3A_361] {strides = array<i32>} : memref<64x128xf32, #tpu.memory_space<vmem>>, vector<16xf32>,
        %mul3A_363 = arith.mulf %get3A_355, %get3A_362 : vector<16xf32>
        %get3A_364 = arith.constant 0 : i32
        %get3A_365 = arith.constant 0 : i32
        %get3A_366 = tpu.memref_slice %arg9[%rem3A_82, %get3A_364, %get3A_365] : memref<2x64x128xf32, #tpu.memory_space<vmem>> -> memref<1x64x128xf32, #tpu.memory_space<vmem>>
        %get3A_367 = tpu.memref_squeeze %get3A_366 : memref<1x64x128xf32, #tpu.memory_space<vmem>> -> memref<64x128xf32, #tpu.memory_space<vmem>>
        %get3A_368 = arith.index_cast %add3A_258 : i32 to index
        %get3A_369 = arith.constant 112 : index
        %get3A_370 = tpu.vector_load %get3A_367[%get3A_368, %get3A_369] {strides = array<i32>} : memref<64x128xf32, #tpu.memory_space<vmem>>, vector<16xf32>,
        %get3A_371 = arith.constant 0 : i32
        %get3A_372 = arith.constant 0 : i32
        %get3A_373 = tpu.memref_slice %arg10[%rem3A_82, %get3A_371, %get3A_372] : memref<2x64x128xf32, #tpu.memory_space<vmem>> -> memref<1x64x128xf32, #tpu.memory_space<vmem>>
        %get3A_374 = tpu.memref_squeeze %get3A_373 : memref<1x64x128xf32, #tpu.memory_space<vmem>> -> memref<64x128xf32, #tpu.memory_space<vmem>>
        %get3A_375 = arith.index_cast %add3A_258 : i32 to index
        %get3A_376 = arith.constant 112 : index
        %get3A_377 = tpu.vector_load %get3A_374[%get3A_375, %get3A_376] {strides = array<i32>} : memref<64x128xf32, #tpu.memory_space<vmem>>, vector<16xf32>,
        %mul3A_378 = arith.mulf %get3A_370, %get3A_377 : vector<16xf32>
        %add3A_379 = arith.addf %mul3A_273, %mul3A_288 : vector<16xf32>
        %add3A_380 = arith.addf %mul3A_303, %mul3A_318 : vector<16xf32>
        %add3A_381 = arith.addf %mul3A_333, %mul3A_348 : vector<16xf32>
        %add3A_382 = arith.addf %mul3A_363, %mul3A_378 : vector<16xf32>
        %add3A_383 = arith.addf %add3A_379, %add3A_380 : vector<16xf32>
        %add3A_384 = arith.addf %add3A_381, %add3A_382 : vector<16xf32>
        %add3A_385 = arith.addf %add3A_383, %add3A_384 : vector<16xf32>
        %broadcast_in_dim3A_386 = arith.constant true
        %broadcast_in_dim3A_387 = vector.broadcast %broadcast_in_dim3A_386 : i1 to vector<16xi1>
        %masked_cumsum3A_388 = tpu.scan <sum>, %add3A_385 masked %broadcast_in_dim3A_387 : vector<16xf32>, vector<16xi1> -> vector<16xf32>
        %mul3A_389 = arith.constant 16 : i32
        %mul3A_390 = arith.muli %scan3A_117, %mul3A_389 : i32
        %add3A_391 = arith.constant 2 : i32
        %add3A_392 = arith.addi %mul3A_390, %add3A_391 : i32
        %add3A_393 = arith.constant 0 : i32
        %add3A_394 = arith.addi %add3A_392, %add3A_393 : i32
        %get3A_395 = arith.constant 0 : i32
        %get3A_396 = arith.constant 0 : i32
        %get3A_397 = tpu.memref_slice %arg9[%rem3A_82, %get3A_395, %get3A_396] : memref<2x64x128xf32, #tpu.memory_space<vmem>> -> memref<1x64x128xf32, #tpu.memory_space<vmem>>
        %get3A_398 = tpu.memref_squeeze %get3A_397 : memref<1x64x128xf32, #tpu.memory_space<vmem>> -> memref<64x128xf32, #tpu.memory_space<vmem>>
        %get3A_399 = arith.index_cast %add3A_394 : i32 to index
        %get3A_400 = arith.constant 0 : index
        %get3A_401 = tpu.vector_load %get3A_398[%get3A_399, %get3A_400] {strides = array<i32>} : memref<64x128xf32, #tpu.memory_space<vmem>>, vector<16xf32>,
        %get3A_402 = arith.constant 0 : i32
        %get3A_403 = arith.constant 0 : i32
        %get3A_404 = tpu.memref_slice %arg10[%rem3A_82, %get3A_402, %get3A_403] : memref<2x64x128xf32, #tpu.memory_space<vmem>> -> memref<1x64x128xf32, #tpu.memory_space<vmem>>
        %get3A_405 = tpu.memref_squeeze %get3A_404 : memref<1x64x128xf32, #tpu.memory_space<vmem>> -> memref<64x128xf32, #tpu.memory_space<vmem>>
        %get3A_406 = arith.index_cast %add3A_394 : i32 to index
        %get3A_407 = arith.constant 0 : index
        %get3A_408 = tpu.vector_load %get3A_405[%get3A_406, %get3A_407] {strides = array<i32>} : memref<64x128xf32, #tpu.memory_space<vmem>>, vector<16xf32>,
        %mul3A_409 = arith.mulf %get3A_401, %get3A_408 : vector<16xf32>
        %get3A_410 = arith.constant 0 : i32
        %get3A_411 = arith.constant 0 : i32
        %get3A_412 = tpu.memref_slice %arg9[%rem3A_82, %get3A_410, %get3A_411] : memref<2x64x128xf32, #tpu.memory_space<vmem>> -> memref<1x64x128xf32, #tpu.memory_space<vmem>>
        %get3A_413 = tpu.memref_squeeze %get3A_412 : memref<1x64x128xf32, #tpu.memory_space<vmem>> -> memref<64x128xf32, #tpu.memory_space<vmem>>
        %get3A_414 = arith.index_cast %add3A_394 : i32 to index
        %get3A_415 = arith.constant 16 : index
        %get3A_416 = tpu.vector_load %get3A_413[%get3A_414, %get3A_415] {strides = array<i32>} : memref<64x128xf32, #tpu.memory_space<vmem>>, vector<16xf32>,
        %get3A_417 = arith.constant 0 : i32
        %get3A_418 = arith.constant 0 : i32
        %get3A_419 = tpu.memref_slice %arg10[%rem3A_82, %get3A_417, %get3A_418] : memref<2x64x128xf32, #tpu.memory_space<vmem>> -> memref<1x64x128xf32, #tpu.memory_space<vmem>>
        %get3A_420 = tpu.memref_squeeze %get3A_419 : memref<1x64x128xf32, #tpu.memory_space<vmem>> -> memref<64x128xf32, #tpu.memory_space<vmem>>
        %get3A_421 = arith.index_cast %add3A_394 : i32 to index
        %get3A_422 = arith.constant 16 : index
        %get3A_423 = tpu.vector_load %get3A_420[%get3A_421, %get3A_422] {strides = array<i32>} : memref<64x128xf32, #tpu.memory_space<vmem>>, vector<16xf32>,
        %mul3A_424 = arith.mulf %get3A_416, %get3A_423 : vector<16xf32>
        %get3A_425 = arith.constant 0 : i32
        %get3A_426 = arith.constant 0 : i32
        %get3A_427 = tpu.memref_slice %arg9[%rem3A_82, %get3A_425, %get3A_426] : memref<2x64x128xf32, #tpu.memory_space<vmem>> -> memref<1x64x128xf32, #tpu.memory_space<vmem>>
        %get3A_428 = tpu.memref_squeeze %get3A_427 : memref<1x64x128xf32, #tpu.memory_space<vmem>> -> memref<64x128xf32, #tpu.memory_space<vmem>>
        %get3A_429 = arith.index_cast %add3A_394 : i32 to index
        %get3A_430 = arith.constant 32 : index
        %get3A_431 = tpu.vector_load %get3A_428[%get3A_429, %get3A_430] {strides = array<i32>} : memref<64x128xf32, #tpu.memory_space<vmem>>, vector<16xf32>,
        %get3A_432 = arith.constant 0 : i32
        %get3A_433 = arith.constant 0 : i32
        %get3A_434 = tpu.memref_slice %arg10[%rem3A_82, %get3A_432, %get3A_433] : memref<2x64x128xf32, #tpu.memory_space<vmem>> -> memref<1x64x128xf32, #tpu.memory_space<vmem>>
        %get3A_435 = tpu.memref_squeeze %get3A_434 : memref<1x64x128xf32, #tpu.memory_space<vmem>> -> memref<64x128xf32, #tpu.memory_space<vmem>>
        %get3A_436 = arith.index_cast %add3A_394 : i32 to index
        %get3A_437 = arith.constant 32 : index
        %get3A_438 = tpu.vector_load %get3A_435[%get3A_436, %get3A_437] {strides = array<i32>} : memref<64x128xf32, #tpu.memory_space<vmem>>, vector<16xf32>,
        %mul3A_439 = arith.mulf %get3A_431, %get3A_438 : vector<16xf32>
        %get3A_440 = arith.constant 0 : i32
        %get3A_441 = arith.constant 0 : i32
        %get3A_442 = tpu.memref_slice %arg9[%rem3A_82, %get3A_440, %get3A_441] : memref<2x64x128xf32, #tpu.memory_space<vmem>> -> memref<1x64x128xf32, #tpu.memory_space<vmem>>
        %get3A_443 = tpu.memref_squeeze %get3A_442 : memref<1x64x128xf32, #tpu.memory_space<vmem>> -> memref<64x128xf32, #tpu.memory_space<vmem>>
        %get3A_444 = arith.index_cast %add3A_394 : i32 to index
        %get3A_445 = arith.constant 48 : index
        %get3A_446 = tpu.vector_load %get3A_443[%get3A_444, %get3A_445] {strides = array<i32>} : memref<64x128xf32, #tpu.memory_space<vmem>>, vector<16xf32>,
        %get3A_447 = arith.constant 0 : i32
        %get3A_448 = arith.constant 0 : i32
        %get3A_449 = tpu.memref_slice %arg10[%rem3A_82, %get3A_447, %get3A_448] : memref<2x64x128xf32, #tpu.memory_space<vmem>> -> memref<1x64x128xf32, #tpu.memory_space<vmem>>
        %get3A_450 = tpu.memref_squeeze %get3A_449 : memref<1x64x128xf32, #tpu.memory_space<vmem>> -> memref<64x128xf32, #tpu.memory_space<vmem>>
        %get3A_451 = arith.index_cast %add3A_394 : i32 to index
        %get3A_452 = arith.constant 48 : index
        %get3A_453 = tpu.vector_load %get3A_450[%get3A_451, %get3A_452] {strides = array<i32>} : memref<64x128xf32, #tpu.memory_space<vmem>>, vector<16xf32>,
        %mul3A_454 = arith.mulf %get3A_446, %get3A_453 : vector<16xf32>
        %get3A_455 = arith.constant 0 : i32
        %get3A_456 = arith.constant 0 : i32
        %get3A_457 = tpu.memref_slice %arg9[%rem3A_82, %get3A_455, %get3A_456] : memref<2x64x128xf32, #tpu.memory_space<vmem>> -> memref<1x64x128xf32, #tpu.memory_space<vmem>>
        %get3A_458 = tpu.memref_squeeze %get3A_457 : memref<1x64x128xf32, #tpu.memory_space<vmem>> -> memref<64x128xf32, #tpu.memory_space<vmem>>
        %get3A_459 = arith.index_cast %add3A_394 : i32 to index
        %get3A_460 = arith.constant 64 : index
        %get3A_461 = tpu.vector_load %get3A_458[%get3A_459, %get3A_460] {strides = array<i32>} : memref<64x128xf32, #tpu.memory_space<vmem>>, vector<16xf32>,
        %get3A_462 = arith.constant 0 : i32
        %get3A_463 = arith.constant 0 : i32
        %get3A_464 = tpu.memref_slice %arg10[%rem3A_82, %get3A_462, %get3A_463] : memref<2x64x128xf32, #tpu.memory_space<vmem>> -> memref<1x64x128xf32, #tpu.memory_space<vmem>>
        %get3A_465 = tpu.memref_squeeze %get3A_464 : memref<1x64x128xf32, #tpu.memory_space<vmem>> -> memref<64x128xf32, #tpu.memory_space<vmem>>
        %get3A_466 = arith.index_cast %add3A_394 : i32 to index
        %get3A_467 = arith.constant 64 : index
        %get3A_468 = tpu.vector_load %get3A_465[%get3A_466, %get3A_467] {strides = array<i32>} : memref<64x128xf32, #tpu.memory_space<vmem>>, vector<16xf32>,
        %mul3A_469 = arith.mulf %get3A_461, %get3A_468 : vector<16xf32>
        %get3A_470 = arith.constant 0 : i32
        %get3A_471 = arith.constant 0 : i32
        %get3A_472 = tpu.memref_slice %arg9[%rem3A_82, %get3A_470, %get3A_471] : memref<2x64x128xf32, #tpu.memory_space<vmem>> -> memref<1x64x128xf32, #tpu.memory_space<vmem>>
        %get3A_473 = tpu.memref_squeeze %get3A_472 : memref<1x64x128xf32, #tpu.memory_space<vmem>> -> memref<64x128xf32, #tpu.memory_space<vmem>>
        %get3A_474 = arith.index_cast %add3A_394 : i32 to index
        %get3A_475 = arith.constant 80 : index
        %get3A_476 = tpu.vector_load %get3A_473[%get3A_474, %get3A_475] {strides = array<i32>} : memref<64x128xf32, #tpu.memory_space<vmem>>, vector<16xf32>,
        %get3A_477 = arith.constant 0 : i32
        %get3A_478 = arith.constant 0 : i32
        %get3A_479 = tpu.memref_slice %arg10[%rem3A_82, %get3A_477, %get3A_478] : memref<2x64x128xf32, #tpu.memory_space<vmem>> -> memref<1x64x128xf32, #tpu.memory_space<vmem>>
        %get3A_480 = tpu.memref_squeeze %get3A_479 : memref<1x64x128xf32, #tpu.memory_space<vmem>> -> memref<64x128xf32, #tpu.memory_space<vmem>>
        %get3A_481 = arith.index_cast %add3A_394 : i32 to index
        %get3A_482 = arith.constant 80 : index
        %get3A_483 = tpu.vector_load %get3A_480[%get3A_481, %get3A_482] {strides = array<i32>} : memref<64x128xf32, #tpu.memory_space<vmem>>, vector<16xf32>,
        %mul3A_484 = arith.mulf %get3A_476, %get3A_483 : vector<16xf32>
        %get3A_485 = arith.constant 0 : i32
        %get3A_486 = arith.constant 0 : i32
        %get3A_487 = tpu.memref_slice %arg9[%rem3A_82, %get3A_485, %get3A_486] : memref<2x64x128xf32, #tpu.memory_space<vmem>> -> memref<1x64x128xf32, #tpu.memory_space<vmem>>
        %get3A_488 = tpu.memref_squeeze %get3A_487 : memref<1x64x128xf32, #tpu.memory_space<vmem>> -> memref<64x128xf32, #tpu.memory_space<vmem>>
        %get3A_489 = arith.index_cast %add3A_394 : i32 to index
        %get3A_490 = arith.constant 96 : index
        %get3A_491 = tpu.vector_load %get3A_488[%get3A_489, %get3A_490] {strides = array<i32>} : memref<64x128xf32, #tpu.memory_space<vmem>>, vector<16xf32>,
        %get3A_492 = arith.constant 0 : i32
        %get3A_493 = arith.constant 0 : i32
        %get3A_494 = tpu.memref_slice %arg10[%rem3A_82, %get3A_492, %get3A_493] : memref<2x64x128xf32, #tpu.memory_space<vmem>> -> memref<1x64x128xf32, #tpu.memory_space<vmem>>
        %get3A_495 = tpu.memref_squeeze %get3A_494 : memref<1x64x128xf32, #tpu.memory_space<vmem>> -> memref<64x128xf32, #tpu.memory_space<vmem>>
        %get3A_496 = arith.index_cast %add3A_394 : i32 to index
        %get3A_497 = arith.constant 96 : index
        %get3A_498 = tpu.vector_load %get3A_495[%get3A_496, %get3A_497] {strides = array<i32>} : memref<64x128xf32, #tpu.memory_space<vmem>>, vector<16xf32>,
        %mul3A_499 = arith.mulf %get3A_491, %get3A_498 : vector<16xf32>
        %get3A_500 = arith.constant 0 : i32
        %get3A_501 = arith.constant 0 : i32
        %get3A_502 = tpu.memref_slice %arg9[%rem3A_82, %get3A_500, %get3A_501] : memref<2x64x128xf32, #tpu.memory_space<vmem>> -> memref<1x64x128xf32, #tpu.memory_space<vmem>>
        %get3A_503 = tpu.memref_squeeze %get3A_502 : memref<1x64x128xf32, #tpu.memory_space<vmem>> -> memref<64x128xf32, #tpu.memory_space<vmem>>
        %get3A_504 = arith.index_cast %add3A_394 : i32 to index
        %get3A_505 = arith.constant 112 : index
        %get3A_506 = tpu.vector_load %get3A_503[%get3A_504, %get3A_505] {strides = array<i32>} : memref<64x128xf32, #tpu.memory_space<vmem>>, vector<16xf32>,
        %get3A_507 = arith.constant 0 : i32
        %get3A_508 = arith.constant 0 : i32
        %get3A_509 = tpu.memref_slice %arg10[%rem3A_82, %get3A_507, %get3A_508] : memref<2x64x128xf32, #tpu.memory_space<vmem>> -> memref<1x64x128xf32, #tpu.memory_space<vmem>>
        %get3A_510 = tpu.memref_squeeze %get3A_509 : memref<1x64x128xf32, #tpu.memory_space<vmem>> -> memref<64x128xf32, #tpu.memory_space<vmem>>
        %get3A_511 = arith.index_cast %add3A_394 : i32 to index
        %get3A_512 = arith.constant 112 : index
        %get3A_513 = tpu.vector_load %get3A_510[%get3A_511, %get3A_512] {strides = array<i32>} : memref<64x128xf32, #tpu.memory_space<vmem>>, vector<16xf32>,
        %mul3A_514 = arith.mulf %get3A_506, %get3A_513 : vector<16xf32>
        %add3A_515 = arith.addf %mul3A_409, %mul3A_424 : vector<16xf32>
        %add3A_516 = arith.addf %mul3A_439, %mul3A_454 : vector<16xf32>
        %add3A_517 = arith.addf %mul3A_469, %mul3A_484 : vector<16xf32>
        %add3A_518 = arith.addf %mul3A_499, %mul3A_514 : vector<16xf32>
        %add3A_519 = arith.addf %add3A_515, %add3A_516 : vector<16xf32>
        %add3A_520 = arith.addf %add3A_517, %add3A_518 : vector<16xf32>
        %add3A_521 = arith.addf %add3A_519, %add3A_520 : vector<16xf32>
        %broadcast_in_dim3A_522 = arith.constant true
        %broadcast_in_dim3A_523 = vector.broadcast %broadcast_in_dim3A_522 : i1 to vector<16xi1>
        %masked_cumsum3A_524 = tpu.scan <sum>, %add3A_521 masked %broadcast_in_dim3A_523 : vector<16xf32>, vector<16xi1> -> vector<16xf32>
        %mul3A_525 = arith.constant 16 : i32
        %mul3A_526 = arith.muli %scan3A_117, %mul3A_525 : i32
        %add3A_527 = arith.constant 2 : i32
        %add3A_528 = arith.addi %mul3A_526, %add3A_527 : i32
        %add3A_529 = arith.constant 1 : i32
        %add3A_530 = arith.addi %add3A_528, %add3A_529 : i32
        %get3A_531 = arith.constant 0 : i32
        %get3A_532 = arith.constant 0 : i32
        %get3A_533 = tpu.memref_slice %arg9[%rem3A_82, %get3A_531, %get3A_532] : memref<2x64x128xf32, #tpu.memory_space<vmem>> -> memref<1x64x128xf32, #tpu.memory_space<vmem>>
        %get3A_534 = tpu.memref_squeeze %get3A_533 : memref<1x64x128xf32, #tpu.memory_space<vmem>> -> memref<64x128xf32, #tpu.memory_space<vmem>>
        %get3A_535 = arith.index_cast %add3A_530 : i32 to index
        %get3A_536 = arith.constant 0 : index
        %get3A_537 = tpu.vector_load %get3A_534[%get3A_535, %get3A_536] {strides = array<i32>} : memref<64x128xf32, #tpu.memory_space<vmem>>, vector<16xf32>,
        %get3A_538 = arith.constant 0 : i32
        %get3A_539 = arith.constant 0 : i32
        %get3A_540 = tpu.memref_slice %arg10[%rem3A_82, %get3A_538, %get3A_539] : memref<2x64x128xf32, #tpu.memory_space<vmem>> -> memref<1x64x128xf32, #tpu.memory_space<vmem>>
        %get3A_541 = tpu.memref_squeeze %get3A_540 : memref<1x64x128xf32, #tpu.memory_space<vmem>> -> memref<64x128xf32, #tpu.memory_space<vmem>>
        %get3A_542 = arith.index_cast %add3A_530 : i32 to index
        %get3A_543 = arith.constant 0 : index
        %get3A_544 = tpu.vector_load %get3A_541[%get3A_542, %get3A_543] {strides = array<i32>} : memref<64x128xf32, #tpu.memory_space<vmem>>, vector<16xf32>,
        %mul3A_545 = arith.mulf %get3A_537, %get3A_544 : vector<16xf32>
        %get3A_546 = arith.constant 0 : i32
        %get3A_547 = arith.constant 0 : i32
        %get3A_548 = tpu.memref_slice %arg9[%rem3A_82, %get3A_546, %get3A_547] : memref<2x64x128xf32, #tpu.memory_space<vmem>> -> memref<1x64x128xf32, #tpu.memory_space<vmem>>
        %get3A_549 = tpu.memref_squeeze %get3A_548 : memref<1x64x128xf32, #tpu.memory_space<vmem>> -> memref<64x128xf32, #tpu.memory_space<vmem>>
        %get3A_550 = arith.index_cast %add3A_530 : i32 to index
        %get3A_551 = arith.constant 16 : index
        %get3A_552 = tpu.vector_load %get3A_549[%get3A_550, %get3A_551] {strides = array<i32>} : memref<64x128xf32, #tpu.memory_space<vmem>>, vector<16xf32>,
        %get3A_553 = arith.constant 0 : i32
        %get3A_554 = arith.constant 0 : i32
        %get3A_555 = tpu.memref_slice %arg10[%rem3A_82, %get3A_553, %get3A_554] : memref<2x64x128xf32, #tpu.memory_space<vmem>> -> memref<1x64x128xf32, #tpu.memory_space<vmem>>
        %get3A_556 = tpu.memref_squeeze %get3A_555 : memref<1x64x128xf32, #tpu.memory_space<vmem>> -> memref<64x128xf32, #tpu.memory_space<vmem>>
        %get3A_557 = arith.index_cast %add3A_530 : i32 to index
        %get3A_558 = arith.constant 16 : index
        %get3A_559 = tpu.vector_load %get3A_556[%get3A_557, %get3A_558] {strides = array<i32>} : memref<64x128xf32, #tpu.memory_space<vmem>>, vector<16xf32>,
        %mul3A_560 = arith.mulf %get3A_552, %get3A_559 : vector<16xf32>
        %get3A_561 = arith.constant 0 : i32
        %get3A_562 = arith.constant 0 : i32
        %get3A_563 = tpu.memref_slice %arg9[%rem3A_82, %get3A_561, %get3A_562] : memref<2x64x128xf32, #tpu.memory_space<vmem>> -> memref<1x64x128xf32, #tpu.memory_space<vmem>>
        %get3A_564 = tpu.memref_squeeze %get3A_563 : memref<1x64x128xf32, #tpu.memory_space<vmem>> -> memref<64x128xf32, #tpu.memory_space<vmem>>
        %get3A_565 = arith.index_cast %add3A_530 : i32 to index
        %get3A_566 = arith.constant 32 : index
        %get3A_567 = tpu.vector_load %get3A_564[%get3A_565, %get3A_566] {strides = array<i32>} : memref<64x128xf32, #tpu.memory_space<vmem>>, vector<16xf32>,
        %get3A_568 = arith.constant 0 : i32
        %get3A_569 = arith.constant 0 : i32
        %get3A_570 = tpu.memref_slice %arg10[%rem3A_82, %get3A_568, %get3A_569] : memref<2x64x128xf32, #tpu.memory_space<vmem>> -> memref<1x64x128xf32, #tpu.memory_space<vmem>>
        %get3A_571 = tpu.memref_squeeze %get3A_570 : memref<1x64x128xf32, #tpu.memory_space<vmem>> -> memref<64x128xf32, #tpu.memory_space<vmem>>
        %get3A_572 = arith.index_cast %add3A_530 : i32 to index
        %get3A_573 = arith.constant 32 : index
        %get3A_574 = tpu.vector_load %get3A_571[%get3A_572, %get3A_573] {strides = array<i32>} : memref<64x128xf32, #tpu.memory_space<vmem>>, vector<16xf32>,
        %mul3A_575 = arith.mulf %get3A_567, %get3A_574 : vector<16xf32>
        %get3A_576 = arith.constant 0 : i32
        %get3A_577 = arith.constant 0 : i32
        %get3A_578 = tpu.memref_slice %arg9[%rem3A_82, %get3A_576, %get3A_577] : memref<2x64x128xf32, #tpu.memory_space<vmem>> -> memref<1x64x128xf32, #tpu.memory_space<vmem>>
        %get3A_579 = tpu.memref_squeeze %get3A_578 : memref<1x64x128xf32, #tpu.memory_space<vmem>> -> memref<64x128xf32, #tpu.memory_space<vmem>>
        %get3A_580 = arith.index_cast %add3A_530 : i32 to index
        %get3A_581 = arith.constant 48 : index
        %get3A_582 = tpu.vector_load %get3A_579[%get3A_580, %get3A_581] {strides = array<i32>} : memref<64x128xf32, #tpu.memory_space<vmem>>, vector<16xf32>,
        %get3A_583 = arith.constant 0 : i32
        %get3A_584 = arith.constant 0 : i32
        %get3A_585 = tpu.memref_slice %arg10[%rem3A_82, %get3A_583, %get3A_584] : memref<2x64x128xf32, #tpu.memory_space<vmem>> -> memref<1x64x128xf32, #tpu.memory_space<vmem>>
        %get3A_586 = tpu.memref_squeeze %get3A_585 : memref<1x64x128xf32, #tpu.memory_space<vmem>> -> memref<64x128xf32, #tpu.memory_space<vmem>>
        %get3A_587 = arith.index_cast %add3A_530 : i32 to index
        %get3A_588 = arith.constant 48 : index
        %get3A_589 = tpu.vector_load %get3A_586[%get3A_587, %get3A_588] {strides = array<i32>} : memref<64x128xf32, #tpu.memory_space<vmem>>, vector<16xf32>,
        %mul3A_590 = arith.mulf %get3A_582, %get3A_589 : vector<16xf32>
        %get3A_591 = arith.constant 0 : i32
        %get3A_592 = arith.constant 0 : i32
        %get3A_593 = tpu.memref_slice %arg9[%rem3A_82, %get3A_591, %get3A_592] : memref<2x64x128xf32, #tpu.memory_space<vmem>> -> memref<1x64x128xf32, #tpu.memory_space<vmem>>
        %get3A_594 = tpu.memref_squeeze %get3A_593 : memref<1x64x128xf32, #tpu.memory_space<vmem>> -> memref<64x128xf32, #tpu.memory_space<vmem>>
        %get3A_595 = arith.index_cast %add3A_530 : i32 to index
        %get3A_596 = arith.constant 64 : index
        %get3A_597 = tpu.vector_load %get3A_594[%get3A_595, %get3A_596] {strides = array<i32>} : memref<64x128xf32, #tpu.memory_space<vmem>>, vector<16xf32>,
        %get3A_598 = arith.constant 0 : i32
        %get3A_599 = arith.constant 0 : i32
        %get3A_600 = tpu.memref_slice %arg10[%rem3A_82, %get3A_598, %get3A_599] : memref<2x64x128xf32, #tpu.memory_space<vmem>> -> memref<1x64x128xf32, #tpu.memory_space<vmem>>
        %get3A_601 = tpu.memref_squeeze %get3A_600 : memref<1x64x128xf32, #tpu.memory_space<vmem>> -> memref<64x128xf32, #tpu.memory_space<vmem>>
        %get3A_602 = arith.index_cast %add3A_530 : i32 to index
        %get3A_603 = arith.constant 64 : index
        %get3A_604 = tpu.vector_load %get3A_601[%get3A_602, %get3A_603] {strides = array<i32>} : memref<64x128xf32, #tpu.memory_space<vmem>>, vector<16xf32>,
        %mul3A_605 = arith.mulf %get3A_597, %get3A_604 : vector<16xf32>
        %get3A_606 = arith.constant 0 : i32
        %get3A_607 = arith.constant 0 : i32
        %get3A_608 = tpu.memref_slice %arg9[%rem3A_82, %get3A_606, %get3A_607] : memref<2x64x128xf32, #tpu.memory_space<vmem>> -> memref<1x64x128xf32, #tpu.memory_space<vmem>>
        %get3A_609 = tpu.memref_squeeze %get3A_608 : memref<1x64x128xf32, #tpu.memory_space<vmem>> -> memref<64x128xf32, #tpu.memory_space<vmem>>
        %get3A_610 = arith.index_cast %add3A_530 : i32 to index
        %get3A_611 = arith.constant 80 : index
        %get3A_612 = tpu.vector_load %get3A_609[%get3A_610, %get3A_611] {strides = array<i32>} : memref<64x128xf32, #tpu.memory_space<vmem>>, vector<16xf32>,
        %get3A_613 = arith.constant 0 : i32
        %get3A_614 = arith.constant 0 : i32
        %get3A_615 = tpu.memref_slice %arg10[%rem3A_82, %get3A_613, %get3A_614] : memref<2x64x128xf32, #tpu.memory_space<vmem>> -> memref<1x64x128xf32, #tpu.memory_space<vmem>>
        %get3A_616 = tpu.memref_squeeze %get3A_615 : memref<1x64x128xf32, #tpu.memory_space<vmem>> -> memref<64x128xf32, #tpu.memory_space<vmem>>
        %get3A_617 = arith.index_cast %add3A_530 : i32 to index
        %get3A_618 = arith.constant 80 : index
        %get3A_619 = tpu.vector_load %get3A_616[%get3A_617, %get3A_618] {strides = array<i32>} : memref<64x128xf32, #tpu.memory_space<vmem>>, vector<16xf32>,
        %mul3A_620 = arith.mulf %get3A_612, %get3A_619 : vector<16xf32>
        %get3A_621 = arith.constant 0 : i32
        %get3A_622 = arith.constant 0 : i32
        %get3A_623 = tpu.memref_slice %arg9[%rem3A_82, %get3A_621, %get3A_622] : memref<2x64x128xf32, #tpu.memory_space<vmem>> -> memref<1x64x128xf32, #tpu.memory_space<vmem>>
        %get3A_624 = tpu.memref_squeeze %get3A_623 : memref<1x64x128xf32, #tpu.memory_space<vmem>> -> memref<64x128xf32, #tpu.memory_space<vmem>>
        %get3A_625 = arith.index_cast %add3A_530 : i32 to index
        %get3A_626 = arith.constant 96 : index
        %get3A_627 = tpu.vector_load %get3A_624[%get3A_625, %get3A_626] {strides = array<i32>} : memref<64x128xf32, #tpu.memory_space<vmem>>, vector<16xf32>,
        %get3A_628 = arith.constant 0 : i32
        %get3A_629 = arith.constant 0 : i32
        %get3A_630 = tpu.memref_slice %arg10[%rem3A_82, %get3A_628, %get3A_629] : memref<2x64x128xf32, #tpu.memory_space<vmem>> -> memref<1x64x128xf32, #tpu.memory_space<vmem>>
        %get3A_631 = tpu.memref_squeeze %get3A_630 : memref<1x64x128xf32, #tpu.memory_space<vmem>> -> memref<64x128xf32, #tpu.memory_space<vmem>>
        %get3A_632 = arith.index_cast %add3A_530 : i32 to index
        %get3A_633 = arith.constant 96 : index
        %get3A_634 = tpu.vector_load %get3A_631[%get3A_632, %get3A_633] {strides = array<i32>} : memref<64x128xf32, #tpu.memory_space<vmem>>, vector<16xf32>,
        %mul3A_635 = arith.mulf %get3A_627, %get3A_634 : vector<16xf32>
        %get3A_636 = arith.constant 0 : i32
        %get3A_637 = arith.constant 0 : i32
        %get3A_638 = tpu.memref_slice %arg9[%rem3A_82, %get3A_636, %get3A_637] : memref<2x64x128xf32, #tpu.memory_space<vmem>> -> memref<1x64x128xf32, #tpu.memory_space<vmem>>
        %get3A_639 = tpu.memref_squeeze %get3A_638 : memref<1x64x128xf32, #tpu.memory_space<vmem>> -> memref<64x128xf32, #tpu.memory_space<vmem>>
        %get3A_640 = arith.index_cast %add3A_530 : i32 to index
        %get3A_641 = arith.constant 112 : index
        %get3A_642 = tpu.vector_load %get3A_639[%get3A_640, %get3A_641] {strides = array<i32>} : memref<64x128xf32, #tpu.memory_space<vmem>>, vector<16xf32>,
        %get3A_643 = arith.constant 0 : i32
        %get3A_644 = arith.constant 0 : i32
        %get3A_645 = tpu.memref_slice %arg10[%rem3A_82, %get3A_643, %get3A_644] : memref<2x64x128xf32, #tpu.memory_space<vmem>> -> memref<1x64x128xf32, #tpu.memory_space<vmem>>
        %get3A_646 = tpu.memref_squeeze %get3A_645 : memref<1x64x128xf32, #tpu.memory_space<vmem>> -> memref<64x128xf32, #tpu.memory_space<vmem>>
        %get3A_647 = arith.index_cast %add3A_530 : i32 to index
        %get3A_648 = arith.constant 112 : index
        %get3A_649 = tpu.vector_load %get3A_646[%get3A_647, %get3A_648] {strides = array<i32>} : memref<64x128xf32, #tpu.memory_space<vmem>>, vector<16xf32>,
        %mul3A_650 = arith.mulf %get3A_642, %get3A_649 : vector<16xf32>
        %add3A_651 = arith.addf %mul3A_545, %mul3A_560 : vector<16xf32>
        %add3A_652 = arith.addf %mul3A_575, %mul3A_590 : vector<16xf32>
        %add3A_653 = arith.addf %mul3A_605, %mul3A_620 : vector<16xf32>
        %add3A_654 = arith.addf %mul3A_635, %mul3A_650 : vector<16xf32>
        %add3A_655 = arith.addf %add3A_651, %add3A_652 : vector<16xf32>
        %add3A_656 = arith.addf %add3A_653, %add3A_654 : vector<16xf32>
        %add3A_657 = arith.addf %add3A_655, %add3A_656 : vector<16xf32>
        %broadcast_in_dim3A_658 = arith.constant true
        %broadcast_in_dim3A_659 = vector.broadcast %broadcast_in_dim3A_658 : i1 to vector<16xi1>
        %masked_cumsum3A_660 = tpu.scan <sum>, %add3A_657 masked %broadcast_in_dim3A_659 : vector<16xf32>, vector<16xi1> -> vector<16xf32>
        %swap3A = arith.constant 0 : i32
        %swap3A_661 = arith.index_cast %swap3A : i32 to index
        %swap3A_662 = arith.constant 0 : index
        %swap3A_663 = tpu.vector_load %arg12[%swap3A_661, %swap3A_662] {strides = array<i32>} : memref<16x17xf32, #tpu.memory_space<vmem>>, vector<16xf32>,
        tpu.vector_store %arg12[%swap3A_661, %swap3A_662], %masked_cumsum3A {strides = array<i32>} : memref<16x17xf32, #tpu.memory_space<vmem>>, vector<16xf32>,
        %swap3A_664 = arith.constant 1 : i32
        %swap3A_665 = arith.index_cast %swap3A_664 : i32 to index
        %swap3A_666 = arith.constant 0 : index
        %swap3A_667 = tpu.vector_load %arg12[%swap3A_665, %swap3A_666] {strides = array<i32>} : memref<16x17xf32, #tpu.memory_space<vmem>>, vector<16xf32>,
        tpu.vector_store %arg12[%swap3A_665, %swap3A_666], %masked_cumsum3A_388 {strides = array<i32>} : memref<16x17xf32, #tpu.memory_space<vmem>>, vector<16xf32>,
        %mul3A_668 = arith.constant 16 : i32
        %mul3A_669 = arith.muli %scan3A_117, %mul3A_668 : i32
        %add3A_670 = arith.constant 4 : i32
        %add3A_671 = arith.addi %mul3A_669, %add3A_670 : i32
        %add3A_672 = arith.constant 0 : i32
        %add3A_673 = arith.addi %add3A_671, %add3A_672 : i32
        %get3A_674 = arith.constant 0 : i32
        %get3A_675 = arith.constant 0 : i32
        %get3A_676 = tpu.memref_slice %arg9[%rem3A_82, %get3A_674, %get3A_675] : memref<2x64x128xf32, #tpu.memory_space<vmem>> -> memref<1x64x128xf32, #tpu.memory_space<vmem>>
        %get3A_677 = tpu.memref_squeeze %get3A_676 : memref<1x64x128xf32, #tpu.memory_space<vmem>> -> memref<64x128xf32, #tpu.memory_space<vmem>>
        %get3A_678 = arith.index_cast %add3A_673 : i32 to index
        %get3A_679 = arith.constant 0 : index
        %get3A_680 = tpu.vector_load %get3A_677[%get3A_678, %get3A_679] {strides = array<i32>} : memref<64x128xf32, #tpu.memory_space<vmem>>, vector<16xf32>,
        %get3A_681 = arith.constant 0 : i32
        %get3A_682 = arith.constant 0 : i32
        %get3A_683 = tpu.memref_slice %arg10[%rem3A_82, %get3A_681, %get3A_682] : memref<2x64x128xf32, #tpu.memory_space<vmem>> -> memref<1x64x128xf32, #tpu.memory_space<vmem>>
        %get3A_684 = tpu.memref_squeeze %get3A_683 : memref<1x64x128xf32, #tpu.memory_space<vmem>> -> memref<64x128xf32, #tpu.memory_space<vmem>>
        %get3A_685 = arith.index_cast %add3A_673 : i32 to index
        %get3A_686 = arith.constant 0 : index
        %get3A_687 = tpu.vector_load %get3A_684[%get3A_685, %get3A_686] {strides = array<i32>} : memref<64x128xf32, #tpu.memory_space<vmem>>, vector<16xf32>,
        %mul3A_688 = arith.mulf %get3A_680, %get3A_687 : vector<16xf32>
        %get3A_689 = arith.constant 0 : i32
        %get3A_690 = arith.constant 0 : i32
        %get3A_691 = tpu.memref_slice %arg9[%rem3A_82, %get3A_689, %get3A_690] : memref<2x64x128xf32, #tpu.memory_space<vmem>> -> memref<1x64x128xf32, #tpu.memory_space<vmem>>
        %get3A_692 = tpu.memref_squeeze %get3A_691 : memref<1x64x128xf32, #tpu.memory_space<vmem>> -> memref<64x128xf32, #tpu.memory_space<vmem>>
        %get3A_693 = arith.index_cast %add3A_673 : i32 to index
        %get3A_694 = arith.constant 16 : index
        %get3A_695 = tpu.vector_load %get3A_692[%get3A_693, %get3A_694] {strides = array<i32>} : memref<64x128xf32, #tpu.memory_space<vmem>>, vector<16xf32>,
        %get3A_696 = arith.constant 0 : i32
        %get3A_697 = arith.constant 0 : i32
        %get3A_698 = tpu.memref_slice %arg10[%rem3A_82, %get3A_696, %get3A_697] : memref<2x64x128xf32, #tpu.memory_space<vmem>> -> memref<1x64x128xf32, #tpu.memory_space<vmem>>
        %get3A_699 = tpu.memref_squeeze %get3A_698 : memref<1x64x128xf32, #tpu.memory_space<vmem>> -> memref<64x128xf32, #tpu.memory_space<vmem>>
        %get3A_700 = arith.index_cast %add3A_673 : i32 to index
        %get3A_701 = arith.constant 16 : index
        %get3A_702 = tpu.vector_load %get3A_699[%get3A_700, %get3A_701] {strides = array<i32>} : memref<64x128xf32, #tpu.memory_space<vmem>>, vector<16xf32>,
        %mul3A_703 = arith.mulf %get3A_695, %get3A_702 : vector<16xf32>
        %get3A_704 = arith.constant 0 : i32
        %get3A_705 = arith.constant 0 : i32
        %get3A_706 = tpu.memref_slice %arg9[%rem3A_82, %get3A_704, %get3A_705] : memref<2x64x128xf32, #tpu.memory_space<vmem>> -> memref<1x64x128xf32, #tpu.memory_space<vmem>>
        %get3A_707 = tpu.memref_squeeze %get3A_706 : memref<1x64x128xf32, #tpu.memory_space<vmem>> -> memref<64x128xf32, #tpu.memory_space<vmem>>
        %get3A_708 = arith.index_cast %add3A_673 : i32 to index
        %get3A_709 = arith.constant 32 : index
        %get3A_710 = tpu.vector_load %get3A_707[%get3A_708, %get3A_709] {strides = array<i32>} : memref<64x128xf32, #tpu.memory_space<vmem>>, vector<16xf32>,
        %get3A_711 = arith.constant 0 : i32
        %get3A_712 = arith.constant 0 : i32
        %get3A_713 = tpu.memref_slice %arg10[%rem3A_82, %get3A_711, %get3A_712] : memref<2x64x128xf32, #tpu.memory_space<vmem>> -> memref<1x64x128xf32, #tpu.memory_space<vmem>>
        %get3A_714 = tpu.memref_squeeze %get3A_713 : memref<1x64x128xf32, #tpu.memory_space<vmem>> -> memref<64x128xf32, #tpu.memory_space<vmem>>
        %get3A_715 = arith.index_cast %add3A_673 : i32 to index
        %get3A_716 = arith.constant 32 : index
        %get3A_717 = tpu.vector_load %get3A_714[%get3A_715, %get3A_716] {strides = array<i32>} : memref<64x128xf32, #tpu.memory_space<vmem>>, vector<16xf32>,
        %mul3A_718 = arith.mulf %get3A_710, %get3A_717 : vector<16xf32>
        %get3A_719 = arith.constant 0 : i32
        %get3A_720 = arith.constant 0 : i32
        %get3A_721 = tpu.memref_slice %arg9[%rem3A_82, %get3A_719, %get3A_720] : memref<2x64x128xf32, #tpu.memory_space<vmem>> -> memref<1x64x128xf32, #tpu.memory_space<vmem>>
        %get3A_722 = tpu.memref_squeeze %get3A_721 : memref<1x64x128xf32, #tpu.memory_space<vmem>> -> memref<64x128xf32, #tpu.memory_space<vmem>>
        %get3A_723 = arith.index_cast %add3A_673 : i32 to index
        %get3A_724 = arith.constant 48 : index
        %get3A_725 = tpu.vector_load %get3A_722[%get3A_723, %get3A_724] {strides = array<i32>} : memref<64x128xf32, #tpu.memory_space<vmem>>, vector<16xf32>,
        %get3A_726 = arith.constant 0 : i32
        %get3A_727 = arith.constant 0 : i32
        %get3A_728 = tpu.memref_slice %arg10[%rem3A_82, %get3A_726, %get3A_727] : memref<2x64x128xf32, #tpu.memory_space<vmem>> -> memref<1x64x128xf32, #tpu.memory_space<vmem>>
        %get3A_729 = tpu.memref_squeeze %get3A_728 : memref<1x64x128xf32, #tpu.memory_space<vmem>> -> memref<64x128xf32, #tpu.memory_space<vmem>>
        %get3A_730 = arith.index_cast %add3A_673 : i32 to index
        %get3A_731 = arith.constant 48 : index
        %get3A_732 = tpu.vector_load %get3A_729[%get3A_730, %get3A_731] {strides = array<i32>} : memref<64x128xf32, #tpu.memory_space<vmem>>, vector<16xf32>,
        %mul3A_733 = arith.mulf %get3A_725, %get3A_732 : vector<16xf32>
        %get3A_734 = arith.constant 0 : i32
        %get3A_735 = arith.constant 0 : i32
        %get3A_736 = tpu.memref_slice %arg9[%rem3A_82, %get3A_734, %get3A_735] : memref<2x64x128xf32, #tpu.memory_space<vmem>> -> memref<1x64x128xf32, #tpu.memory_space<vmem>>
        %get3A_737 = tpu.memref_squeeze %get3A_736 : memref<1x64x128xf32, #tpu.memory_space<vmem>> -> memref<64x128xf32, #tpu.memory_space<vmem>>
        %get3A_738 = arith.index_cast %add3A_673 : i32 to index
        %get3A_739 = arith.constant 64 : index
        %get3A_740 = tpu.vector_load %get3A_737[%get3A_738, %get3A_739] {strides = array<i32>} : memref<64x128xf32, #tpu.memory_space<vmem>>, vector<16xf32>,
        %get3A_741 = arith.constant 0 : i32
        %get3A_742 = arith.constant 0 : i32
        %get3A_743 = tpu.memref_slice %arg10[%rem3A_82, %get3A_741, %get3A_742] : memref<2x64x128xf32, #tpu.memory_space<vmem>> -> memref<1x64x128xf32, #tpu.memory_space<vmem>>
        %get3A_744 = tpu.memref_squeeze %get3A_743 : memref<1x64x128xf32, #tpu.memory_space<vmem>> -> memref<64x128xf32, #tpu.memory_space<vmem>>
        %get3A_745 = arith.index_cast %add3A_673 : i32 to index
        %get3A_746 = arith.constant 64 : index
        %get3A_747 = tpu.vector_load %get3A_744[%get3A_745, %get3A_746] {strides = array<i32>} : memref<64x128xf32, #tpu.memory_space<vmem>>, vector<16xf32>,
        %mul3A_748 = arith.mulf %get3A_740, %get3A_747 : vector<16xf32>
        %get3A_749 = arith.constant 0 : i32
        %get3A_750 = arith.constant 0 : i32
        %get3A_751 = tpu.memref_slice %arg9[%rem3A_82, %get3A_749, %get3A_750] : memref<2x64x128xf32, #tpu.memory_space<vmem>> -> memref<1x64x128xf32, #tpu.memory_space<vmem>>
        %get3A_752 = tpu.memref_squeeze %get3A_751 : memref<1x64x128xf32, #tpu.memory_space<vmem>> -> memref<64x128xf32, #tpu.memory_space<vmem>>
        %get3A_753 = arith.index_cast %add3A_673 : i32 to index
        %get3A_754 = arith.constant 80 : index
        %get3A_755 = tpu.vector_load %get3A_752[%get3A_753, %get3A_754] {strides = array<i32>} : memref<64x128xf32, #tpu.memory_space<vmem>>, vector<16xf32>,
        %get3A_756 = arith.constant 0 : i32
        %get3A_757 = arith.constant 0 : i32
        %get3A_758 = tpu.memref_slice %arg10[%rem3A_82, %get3A_756, %get3A_757] : memref<2x64x128xf32, #tpu.memory_space<vmem>> -> memref<1x64x128xf32, #tpu.memory_space<vmem>>
        %get3A_759 = tpu.memref_squeeze %get3A_758 : memref<1x64x128xf32, #tpu.memory_space<vmem>> -> memref<64x128xf32, #tpu.memory_space<vmem>>
        %get3A_760 = arith.index_cast %add3A_673 : i32 to index
        %get3A_761 = arith.constant 80 : index
        %get3A_762 = tpu.vector_load %get3A_759[%get3A_760, %get3A_761] {strides = array<i32>} : memref<64x128xf32, #tpu.memory_space<vmem>>, vector<16xf32>,
        %mul3A_763 = arith.mulf %get3A_755, %get3A_762 : vector<16xf32>
        %get3A_764 = arith.constant 0 : i32
        %get3A_765 = arith.constant 0 : i32
        %get3A_766 = tpu.memref_slice %arg9[%rem3A_82, %get3A_764, %get3A_765] : memref<2x64x128xf32, #tpu.memory_space<vmem>> -> memref<1x64x128xf32, #tpu.memory_space<vmem>>
        %get3A_767 = tpu.memref_squeeze %get3A_766 : memref<1x64x128xf32, #tpu.memory_space<vmem>> -> memref<64x128xf32, #tpu.memory_space<vmem>>
        %get3A_768 = arith.index_cast %add3A_673 : i32 to index
        %get3A_769 = arith.constant 96 : index
        %get3A_770 = tpu.vector_load %get3A_767[%get3A_768, %get3A_769] {strides = array<i32>} : memref<64x128xf32, #tpu.memory_space<vmem>>, vector<16xf32>,
        %get3A_771 = arith.constant 0 : i32
        %get3A_772 = arith.constant 0 : i32
        %get3A_773 = tpu.memref_slice %arg10[%rem3A_82, %get3A_771, %get3A_772] : memref<2x64x128xf32, #tpu.memory_space<vmem>> -> memref<1x64x128xf32, #tpu.memory_space<vmem>>
        %get3A_774 = tpu.memref_squeeze %get3A_773 : memref<1x64x128xf32, #tpu.memory_space<vmem>> -> memref<64x128xf32, #tpu.memory_space<vmem>>
        %get3A_775 = arith.index_cast %add3A_673 : i32 to index
        %get3A_776 = arith.constant 96 : index
        %get3A_777 = tpu.vector_load %get3A_774[%get3A_775, %get3A_776] {strides = array<i32>} : memref<64x128xf32, #tpu.memory_space<vmem>>, vector<16xf32>,
        %mul3A_778 = arith.mulf %get3A_770, %get3A_777 : vector<16xf32>
        %get3A_779 = arith.constant 0 : i32
        %get3A_780 = arith.constant 0 : i32
        %get3A_781 = tpu.memref_slice %arg9[%rem3A_82, %get3A_779, %get3A_780] : memref<2x64x128xf32, #tpu.memory_space<vmem>> -> memref<1x64x128xf32, #tpu.memory_space<vmem>>
        %get3A_782 = tpu.memref_squeeze %get3A_781 : memref<1x64x128xf32, #tpu.memory_space<vmem>> -> memref<64x128xf32, #tpu.memory_space<vmem>>
        %get3A_783 = arith.index_cast %add3A_673 : i32 to index
        %get3A_784 = arith.constant 112 : index
        %get3A_785 = tpu.vector_load %get3A_782[%get3A_783, %get3A_784] {strides = array<i32>} : memref<64x128xf32, #tpu.memory_space<vmem>>, vector<16xf32>,
        %get3A_786 = arith.constant 0 : i32
        %get3A_787 = arith.constant 0 : i32
        %get3A_788 = tpu.memref_slice %arg10[%rem3A_82, %get3A_786, %get3A_787] : memref<2x64x128xf32, #tpu.memory_space<vmem>> -> memref<1x64x128xf32, #tpu.memory_space<vmem>>
        %get3A_789 = tpu.memref_squeeze %get3A_788 : memref<1x64x128xf32, #tpu.memory_space<vmem>> -> memref<64x128xf32, #tpu.memory_space<vmem>>
        %get3A_790 = arith.index_cast %add3A_673 : i32 to index
        %get3A_791 = arith.constant 112 : index
        %get3A_792 = tpu.vector_load %get3A_789[%get3A_790, %get3A_791] {strides = array<i32>} : memref<64x128xf32, #tpu.memory_space<vmem>>, vector<16xf32>,
        %mul3A_793 = arith.mulf %get3A_785, %get3A_792 : vector<16xf32>
        %add3A_794 = arith.addf %mul3A_688, %mul3A_703 : vector<16xf32>
        %add3A_795 = arith.addf %mul3A_718, %mul3A_733 : vector<16xf32>
        %add3A_796 = arith.addf %mul3A_748, %mul3A_763 : vector<16xf32>
        %add3A_797 = arith.addf %mul3A_778, %mul3A_793 : vector<16xf32>
        %add3A_798 = arith.addf %add3A_794, %add3A_795 : vector<16xf32>
        %add3A_799 = arith.addf %add3A_796, %add3A_797 : vector<16xf32>
        %add3A_800 = arith.addf %add3A_798, %add3A_799 : vector<16xf32>
        %broadcast_in_dim3A_801 = arith.constant true
        %broadcast_in_dim3A_802 = vector.broadcast %broadcast_in_dim3A_801 : i1 to vector<16xi1>
        %masked_cumsum3A_803 = tpu.scan <sum>, %add3A_800 masked %broadcast_in_dim3A_802 : vector<16xf32>, vector<16xi1> -> vector<16xf32>
        %mul3A_804 = arith.constant 16 : i32
        %mul3A_805 = arith.muli %scan3A_117, %mul3A_804 : i32
        %add3A_806 = arith.constant 4 : i32
        %add3A_807 = arith.addi %mul3A_805, %add3A_806 : i32
        %add3A_808 = arith.constant 1 : i32
        %add3A_809 = arith.addi %add3A_807, %add3A_808 : i32
        %get3A_810 = arith.constant 0 : i32
        %get3A_811 = arith.constant 0 : i32
        %get3A_812 = tpu.memref_slice %arg9[%rem3A_82, %get3A_810, %get3A_811] : memref<2x64x128xf32, #tpu.memory_space<vmem>> -> memref<1x64x128xf32, #tpu.memory_space<vmem>>
        %get3A_813 = tpu.memref_squeeze %get3A_812 : memref<1x64x128xf32, #tpu.memory_space<vmem>> -> memref<64x128xf32, #tpu.memory_space<vmem>>
        %get3A_814 = arith.index_cast %add3A_809 : i32 to index
        %get3A_815 = arith.constant 0 : index
        %get3A_816 = tpu.vector_load %get3A_813[%get3A_814, %get3A_815] {strides = array<i32>} : memref<64x128xf32, #tpu.memory_space<vmem>>, vector<16xf32>,
        %get3A_817 = arith.constant 0 : i32
        %get3A_818 = arith.constant 0 : i32
        %get3A_819 = tpu.memref_slice %arg10[%rem3A_82, %get3A_817, %get3A_818] : memref<2x64x128xf32, #tpu.memory_space<vmem>> -> memref<1x64x128xf32, #tpu.memory_space<vmem>>
        %get3A_820 = tpu.memref_squeeze %get3A_819 : memref<1x64x128xf32, #tpu.memory_space<vmem>> -> memref<64x128xf32, #tpu.memory_space<vmem>>
        %get3A_821 = arith.index_cast %add3A_809 : i32 to index
        %get3A_822 = arith.constant 0 : index
        %get3A_823 = tpu.vector_load %get3A_820[%get3A_821, %get3A_822] {strides = array<i32>} : memref<64x128xf32, #tpu.memory_space<vmem>>, vector<16xf32>,
        %mul3A_824 = arith.mulf %get3A_816, %get3A_823 : vector<16xf32>
        %get3A_825 = arith.constant 0 : i32
        %get3A_826 = arith.constant 0 : i32
        %get3A_827 = tpu.memref_slice %arg9[%rem3A_82, %get3A_825, %get3A_826] : memref<2x64x128xf32, #tpu.memory_space<vmem>> -> memref<1x64x128xf32, #tpu.memory_space<vmem>>
        %get3A_828 = tpu.memref_squeeze %get3A_827 : memref<1x64x128xf32, #tpu.memory_space<vmem>> -> memref<64x128xf32, #tpu.memory_space<vmem>>
        %get3A_829 = arith.index_cast %add3A_809 : i32 to index
        %get3A_830 = arith.constant 16 : index
        %get3A_831 = tpu.vector_load %get3A_828[%get3A_829, %get3A_830] {strides = array<i32>} : memref<64x128xf32, #tpu.memory_space<vmem>>, vector<16xf32>,
        %get3A_832 = arith.constant 0 : i32
        %get3A_833 = arith.constant 0 : i32
        %get3A_834 = tpu.memref_slice %arg10[%rem3A_82, %get3A_832, %get3A_833] : memref<2x64x128xf32, #tpu.memory_space<vmem>> -> memref<1x64x128xf32, #tpu.memory_space<vmem>>
        %get3A_835 = tpu.memref_squeeze %get3A_834 : memref<1x64x128xf32, #tpu.memory_space<vmem>> -> memref<64x128xf32, #tpu.memory_space<vmem>>
        %get3A_836 = arith.index_cast %add3A_809 : i32 to index
        %get3A_837 = arith.constant 16 : index
        %get3A_838 = tpu.vector_load %get3A_835[%get3A_836, %get3A_837] {strides = array<i32>} : memref<64x128xf32, #tpu.memory_space<vmem>>, vector<16xf32>,
        %mul3A_839 = arith.mulf %get3A_831, %get3A_838 : vector<16xf32>
        %get3A_840 = arith.constant 0 : i32
        %get3A_841 = arith.constant 0 : i32
        %get3A_842 = tpu.memref_slice %arg9[%rem3A_82, %get3A_840, %get3A_841] : memref<2x64x128xf32, #tpu.memory_space<vmem>> -> memref<1x64x128xf32, #tpu.memory_space<vmem>>
        %get3A_843 = tpu.memref_squeeze %get3A_842 : memref<1x64x128xf32, #tpu.memory_space<vmem>> -> memref<64x128xf32, #tpu.memory_space<vmem>>
        %get3A_844 = arith.index_cast %add3A_809 : i32 to index
        %get3A_845 = arith.constant 32 : index
        %get3A_846 = tpu.vector_load %get3A_843[%get3A_844, %get3A_845] {strides = array<i32>} : memref<64x128xf32, #tpu.memory_space<vmem>>, vector<16xf32>,
        %get3A_847 = arith.constant 0 : i32
        %get3A_848 = arith.constant 0 : i32
        %get3A_849 = tpu.memref_slice %arg10[%rem3A_82, %get3A_847, %get3A_848] : memref<2x64x128xf32, #tpu.memory_space<vmem>> -> memref<1x64x128xf32, #tpu.memory_space<vmem>>
        %get3A_850 = tpu.memref_squeeze %get3A_849 : memref<1x64x128xf32, #tpu.memory_space<vmem>> -> memref<64x128xf32, #tpu.memory_space<vmem>>
        %get3A_851 = arith.index_cast %add3A_809 : i32 to index
        %get3A_852 = arith.constant 32 : index
        %get3A_853 = tpu.vector_load %get3A_850[%get3A_851, %get3A_852] {strides = array<i32>} : memref<64x128xf32, #tpu.memory_space<vmem>>, vector<16xf32>,
        %mul3A_854 = arith.mulf %get3A_846, %get3A_853 : vector<16xf32>
        %get3A_855 = arith.constant 0 : i32
        %get3A_856 = arith.constant 0 : i32
        %get3A_857 = tpu.memref_slice %arg9[%rem3A_82, %get3A_855, %get3A_856] : memref<2x64x128xf32, #tpu.memory_space<vmem>> -> memref<1x64x128xf32, #tpu.memory_space<vmem>>
        %get3A_858 = tpu.memref_squeeze %get3A_857 : memref<1x64x128xf32, #tpu.memory_space<vmem>> -> memref<64x128xf32, #tpu.memory_space<vmem>>
        %get3A_859 = arith.index_cast %add3A_809 : i32 to index
        %get3A_860 = arith.constant 48 : index
        %get3A_861 = tpu.vector_load %get3A_858[%get3A_859, %get3A_860] {strides = array<i32>} : memref<64x128xf32, #tpu.memory_space<vmem>>, vector<16xf32>,
        %get3A_862 = arith.constant 0 : i32
        %get3A_863 = arith.constant 0 : i32
        %get3A_864 = tpu.memref_slice %arg10[%rem3A_82, %get3A_862, %get3A_863] : memref<2x64x128xf32, #tpu.memory_space<vmem>> -> memref<1x64x128xf32, #tpu.memory_space<vmem>>
        %get3A_865 = tpu.memref_squeeze %get3A_864 : memref<1x64x128xf32, #tpu.memory_space<vmem>> -> memref<64x128xf32, #tpu.memory_space<vmem>>
        %get3A_866 = arith.index_cast %add3A_809 : i32 to index
        %get3A_867 = arith.constant 48 : index
        %get3A_868 = tpu.vector_load %get3A_865[%get3A_866, %get3A_867] {strides = array<i32>} : memref<64x128xf32, #tpu.memory_space<vmem>>, vector<16xf32>,
        %mul3A_869 = arith.mulf %get3A_861, %get3A_868 : vector<16xf32>
        %get3A_870 = arith.constant 0 : i32
        %get3A_871 = arith.constant 0 : i32
        %get3A_872 = tpu.memref_slice %arg9[%rem3A_82, %get3A_870, %get3A_871] : memref<2x64x128xf32, #tpu.memory_space<vmem>> -> memref<1x64x128xf32, #tpu.memory_space<vmem>>
        %get3A_873 = tpu.memref_squeeze %get3A_872 : memref<1x64x128xf32, #tpu.memory_space<vmem>> -> memref<64x128xf32, #tpu.memory_space<vmem>>
        %get3A_874 = arith.index_cast %add3A_809 : i32 to index
        %get3A_875 = arith.constant 64 : index
        %get3A_876 = tpu.vector_load %get3A_873[%get3A_874, %get3A_875] {strides = array<i32>} : memref<64x128xf32, #tpu.memory_space<vmem>>, vector<16xf32>,
        %get3A_877 = arith.constant 0 : i32
        %get3A_878 = arith.constant 0 : i32
        %get3A_879 = tpu.memref_slice %arg10[%rem3A_82, %get3A_877, %get3A_878] : memref<2x64x128xf32, #tpu.memory_space<vmem>> -> memref<1x64x128xf32, #tpu.memory_space<vmem>>
        %get3A_880 = tpu.memref_squeeze %get3A_879 : memref<1x64x128xf32, #tpu.memory_space<vmem>> -> memref<64x128xf32, #tpu.memory_space<vmem>>
        %get3A_881 = arith.index_cast %add3A_809 : i32 to index
        %get3A_882 = arith.constant 64 : index
        %get3A_883 = tpu.vector_load %get3A_880[%get3A_881, %get3A_882] {strides = array<i32>} : memref<64x128xf32, #tpu.memory_space<vmem>>, vector<16xf32>,
        %mul3A_884 = arith.mulf %get3A_876, %get3A_883 : vector<16xf32>
        %get3A_885 = arith.constant 0 : i32
        %get3A_886 = arith.constant 0 : i32
        %get3A_887 = tpu.memref_slice %arg9[%rem3A_82, %get3A_885, %get3A_886] : memref<2x64x128xf32, #tpu.memory_space<vmem>> -> memref<1x64x128xf32, #tpu.memory_space<vmem>>
        %get3A_888 = tpu.memref_squeeze %get3A_887 : memref<1x64x128xf32, #tpu.memory_space<vmem>> -> memref<64x128xf32, #tpu.memory_space<vmem>>
        %get3A_889 = arith.index_cast %add3A_809 : i32 to index
        %get3A_890 = arith.constant 80 : index
        %get3A_891 = tpu.vector_load %get3A_888[%get3A_889, %get3A_890] {strides = array<i32>} : memref<64x128xf32, #tpu.memory_space<vmem>>, vector<16xf32>,
        %get3A_892 = arith.constant 0 : i32
        %get3A_893 = arith.constant 0 : i32
        %get3A_894 = tpu.memref_slice %arg10[%rem3A_82, %get3A_892, %get3A_893] : memref<2x64x128xf32, #tpu.memory_space<vmem>> -> memref<1x64x128xf32, #tpu.memory_space<vmem>>
        %get3A_895 = tpu.memref_squeeze %get3A_894 : memref<1x64x128xf32, #tpu.memory_space<vmem>> -> memref<64x128xf32, #tpu.memory_space<vmem>>
        %get3A_896 = arith.index_cast %add3A_809 : i32 to index
        %get3A_897 = arith.constant 80 : index
        %get3A_898 = tpu.vector_load %get3A_895[%get3A_896, %get3A_897] {strides = array<i32>} : memref<64x128xf32, #tpu.memory_space<vmem>>, vector<16xf32>,
        %mul3A_899 = arith.mulf %get3A_891, %get3A_898 : vector<16xf32>
        %get3A_900 = arith.constant 0 : i32
        %get3A_901 = arith.constant 0 : i32
        %get3A_902 = tpu.memref_slice %arg9[%rem3A_82, %get3A_900, %get3A_901] : memref<2x64x128xf32, #tpu.memory_space<vmem>> -> memref<1x64x128xf32, #tpu.memory_space<vmem>>
        %get3A_903 = tpu.memref_squeeze %get3A_902 : memref<1x64x128xf32, #tpu.memory_space<vmem>> -> memref<64x128xf32, #tpu.memory_space<vmem>>
        %get3A_904 = arith.index_cast %add3A_809 : i32 to index
        %get3A_905 = arith.constant 96 : index
        %get3A_906 = tpu.vector_load %get3A_903[%get3A_904, %get3A_905] {strides = array<i32>} : memref<64x128xf32, #tpu.memory_space<vmem>>, vector<16xf32>,
        %get3A_907 = arith.constant 0 : i32
        %get3A_908 = arith.constant 0 : i32
        %get3A_909 = tpu.memref_slice %arg10[%rem3A_82, %get3A_907, %get3A_908] : memref<2x64x128xf32, #tpu.memory_space<vmem>> -> memref<1x64x128xf32, #tpu.memory_space<vmem>>
        %get3A_910 = tpu.memref_squeeze %get3A_909 : memref<1x64x128xf32, #tpu.memory_space<vmem>> -> memref<64x128xf32, #tpu.memory_space<vmem>>
        %get3A_911 = arith.index_cast %add3A_809 : i32 to index
        %get3A_912 = arith.constant 96 : index
        %get3A_913 = tpu.vector_load %get3A_910[%get3A_911, %get3A_912] {strides = array<i32>} : memref<64x128xf32, #tpu.memory_space<vmem>>, vector<16xf32>,
        %mul3A_914 = arith.mulf %get3A_906, %get3A_913 : vector<16xf32>
        %get3A_915 = arith.constant 0 : i32
        %get3A_916 = arith.constant 0 : i32
        %get3A_917 = tpu.memref_slice %arg9[%rem3A_82, %get3A_915, %get3A_916] : memref<2x64x128xf32, #tpu.memory_space<vmem>> -> memref<1x64x128xf32, #tpu.memory_space<vmem>>
        %get3A_918 = tpu.memref_squeeze %get3A_917 : memref<1x64x128xf32, #tpu.memory_space<vmem>> -> memref<64x128xf32, #tpu.memory_space<vmem>>
        %get3A_919 = arith.index_cast %add3A_809 : i32 to index
        %get3A_920 = arith.constant 112 : index
        %get3A_921 = tpu.vector_load %get3A_918[%get3A_919, %get3A_920] {strides = array<i32>} : memref<64x128xf32, #tpu.memory_space<vmem>>, vector<16xf32>,
        %get3A_922 = arith.constant 0 : i32
        %get3A_923 = arith.constant 0 : i32
        %get3A_924 = tpu.memref_slice %arg10[%rem3A_82, %get3A_922, %get3A_923] : memref<2x64x128xf32, #tpu.memory_space<vmem>> -> memref<1x64x128xf32, #tpu.memory_space<vmem>>
        %get3A_925 = tpu.memref_squeeze %get3A_924 : memref<1x64x128xf32, #tpu.memory_space<vmem>> -> memref<64x128xf32, #tpu.memory_space<vmem>>
        %get3A_926 = arith.index_cast %add3A_809 : i32 to index
        %get3A_927 = arith.constant 112 : index
        %get3A_928 = tpu.vector_load %get3A_925[%get3A_926, %get3A_927] {strides = array<i32>} : memref<64x128xf32, #tpu.memory_space<vmem>>, vector<16xf32>,
        %mul3A_929 = arith.mulf %get3A_921, %get3A_928 : vector<16xf32>
        %add3A_930 = arith.addf %mul3A_824, %mul3A_839 : vector<16xf32>
        %add3A_931 = arith.addf %mul3A_854, %mul3A_869 : vector<16xf32>
        %add3A_932 = arith.addf %mul3A_884, %mul3A_899 : vector<16xf32>
        %add3A_933 = arith.addf %mul3A_914, %mul3A_929 : vector<16xf32>
        %add3A_934 = arith.addf %add3A_930, %add3A_931 : vector<16xf32>
        %add3A_935 = arith.addf %add3A_932, %add3A_933 : vector<16xf32>
        %add3A_936 = arith.addf %add3A_934, %add3A_935 : vector<16xf32>
        %broadcast_in_dim3A_937 = arith.constant true
        %broadcast_in_dim3A_938 = vector.broadcast %broadcast_in_dim3A_937 : i1 to vector<16xi1>
        %masked_cumsum3A_939 = tpu.scan <sum>, %add3A_936 masked %broadcast_in_dim3A_938 : vector<16xf32>, vector<16xi1> -> vector<16xf32>
        %swap3A_940 = arith.constant 2 : i32
        %swap3A_941 = arith.index_cast %swap3A_940 : i32 to index
        %swap3A_942 = arith.constant 0 : index
        %swap3A_943 = tpu.vector_load %arg12[%swap3A_941, %swap3A_942] {strides = array<i32>} : memref<16x17xf32, #tpu.memory_space<vmem>>, vector<16xf32>,
        tpu.vector_store %arg12[%swap3A_941, %swap3A_942], %masked_cumsum3A_524 {strides = array<i32>} : memref<16x17xf32, #tpu.memory_space<vmem>>, vector<16xf32>,
        %swap3A_944 = arith.constant 3 : i32
        %swap3A_945 = arith.index_cast %swap3A_944 : i32 to index
        %swap3A_946 = arith.constant 0 : index
        %swap3A_947 = tpu.vector_load %arg12[%swap3A_945, %swap3A_946] {strides = array<i32>} : memref<16x17xf32, #tpu.memory_space<vmem>>, vector<16xf32>,
        tpu.vector_store %arg12[%swap3A_945, %swap3A_946], %masked_cumsum3A_660 {strides = array<i32>} : memref<16x17xf32, #tpu.memory_space<vmem>>, vector<16xf32>,
        %mul3A_948 = arith.constant 16 : i32
        %mul3A_949 = arith.muli %scan3A_117, %mul3A_948 : i32
        %add3A_950 = arith.constant 6 : i32
        %add3A_951 = arith.addi %mul3A_949, %add3A_950 : i32
        %add3A_952 = arith.constant 0 : i32
        %add3A_953 = arith.addi %add3A_951, %add3A_952 : i32
        %get3A_954 = arith.constant 0 : i32
        %get3A_955 = arith.constant 0 : i32
        %get3A_956 = tpu.memref_slice %arg9[%rem3A_82, %get3A_954, %get3A_955] : memref<2x64x128xf32, #tpu.memory_space<vmem>> -> memref<1x64x128xf32, #tpu.memory_space<vmem>>
        %get3A_957 = tpu.memref_squeeze %get3A_956 : memref<1x64x128xf32, #tpu.memory_space<vmem>> -> memref<64x128xf32, #tpu.memory_space<vmem>>
        %get3A_958 = arith.index_cast %add3A_953 : i32 to index
        %get3A_959 = arith.constant 0 : index
        %get3A_960 = tpu.vector_load %get3A_957[%get3A_958, %get3A_959] {strides = array<i32>} : memref<64x128xf32, #tpu.memory_space<vmem>>, vector<16xf32>,
        %get3A_961 = arith.constant 0 : i32
        %get3A_962 = arith.constant 0 : i32
        %get3A_963 = tpu.memref_slice %arg10[%rem3A_82, %get3A_961, %get3A_962] : memref<2x64x128xf32, #tpu.memory_space<vmem>> -> memref<1x64x128xf32, #tpu.memory_space<vmem>>
        %get3A_964 = tpu.memref_squeeze %get3A_963 : memref<1x64x128xf32, #tpu.memory_space<vmem>> -> memref<64x128xf32, #tpu.memory_space<vmem>>
        %get3A_965 = arith.index_cast %add3A_953 : i32 to index
        %get3A_966 = arith.constant 0 : index
        %get3A_967 = tpu.vector_load %get3A_964[%get3A_965, %get3A_966] {strides = array<i32>} : memref<64x128xf32, #tpu.memory_space<vmem>>, vector<16xf32>,
        %mul3A_968 = arith.mulf %get3A_960, %get3A_967 : vector<16xf32>
        %get3A_969 = arith.constant 0 : i32
        %get3A_970 = arith.constant 0 : i32
        %get3A_971 = tpu.memref_slice %arg9[%rem3A_82, %get3A_969, %get3A_970] : memref<2x64x128xf32, #tpu.memory_space<vmem>> -> memref<1x64x128xf32, #tpu.memory_space<vmem>>
        %get3A_972 = tpu.memref_squeeze %get3A_971 : memref<1x64x128xf32, #tpu.memory_space<vmem>> -> memref<64x128xf32, #tpu.memory_space<vmem>>
        %get3A_973 = arith.index_cast %add3A_953 : i32 to index
        %get3A_974 = arith.constant 16 : index
        %get3A_975 = tpu.vector_load %get3A_972[%get3A_973, %get3A_974] {strides = array<i32>} : memref<64x128xf32, #tpu.memory_space<vmem>>, vector<16xf32>,
        %get3A_976 = arith.constant 0 : i32
        %get3A_977 = arith.constant 0 : i32
        %get3A_978 = tpu.memref_slice %arg10[%rem3A_82, %get3A_976, %get3A_977] : memref<2x64x128xf32, #tpu.memory_space<vmem>> -> memref<1x64x128xf32, #tpu.memory_space<vmem>>
        %get3A_979 = tpu.memref_squeeze %get3A_978 : memref<1x64x128xf32, #tpu.memory_space<vmem>> -> memref<64x128xf32, #tpu.memory_space<vmem>>
        %get3A_980 = arith.index_cast %add3A_953 : i32 to index
        %get3A_981 = arith.constant 16 : index
        %get3A_982 = tpu.vector_load %get3A_979[%get3A_980, %get3A_981] {strides = array<i32>} : memref<64x128xf32, #tpu.memory_space<vmem>>, vector<16xf32>,
        %mul3A_983 = arith.mulf %get3A_975, %get3A_982 : vector<16xf32>
        %get3A_984 = arith.constant 0 : i32
        %get3A_985 = arith.constant 0 : i32
        %get3A_986 = tpu.memref_slice %arg9[%rem3A_82, %get3A_984, %get3A_985] : memref<2x64x128xf32, #tpu.memory_space<vmem>> -> memref<1x64x128xf32, #tpu.memory_space<vmem>>
        %get3A_987 = tpu.memref_squeeze %get3A_986 : memref<1x64x128xf32, #tpu.memory_space<vmem>> -> memref<64x128xf32, #tpu.memory_space<vmem>>
        %get3A_988 = arith.index_cast %add3A_953 : i32 to index
        %get3A_989 = arith.constant 32 : index
        %get3A_990 = tpu.vector_load %get3A_987[%get3A_988, %get3A_989] {strides = array<i32>} : memref<64x128xf32, #tpu.memory_space<vmem>>, vector<16xf32>,
        %get3A_991 = arith.constant 0 : i32
        %get3A_992 = arith.constant 0 : i32
        %get3A_993 = tpu.memref_slice %arg10[%rem3A_82, %get3A_991, %get3A_992] : memref<2x64x128xf32, #tpu.memory_space<vmem>> -> memref<1x64x128xf32, #tpu.memory_space<vmem>>
        %get3A_994 = tpu.memref_squeeze %get3A_993 : memref<1x64x128xf32, #tpu.memory_space<vmem>> -> memref<64x128xf32, #tpu.memory_space<vmem>>
        %get3A_995 = arith.index_cast %add3A_953 : i32 to index
        %get3A_996 = arith.constant 32 : index
        %get3A_997 = tpu.vector_load %get3A_994[%get3A_995, %get3A_996] {strides = array<i32>} : memref<64x128xf32, #tpu.memory_space<vmem>>, vector<16xf32>,
        %mul3A_998 = arith.mulf %get3A_990, %get3A_997 : vector<16xf32>
        %get3A_999 = arith.constant 0 : i32
        %get3A_1000 = arith.constant 0 : i32
        %get3A_1001 = tpu.memref_slice %arg9[%rem3A_82, %get3A_999, %get3A_1000] : memref<2x64x128xf32, #tpu.memory_space<vmem>> -> memref<1x64x128xf32, #tpu.memory_space<vmem>>
        %get3A_1002 = tpu.memref_squeeze %get3A_1001 : memref<1x64x128xf32, #tpu.memory_space<vmem>> -> memref<64x128xf32, #tpu.memory_space<vmem>>
        %get3A_1003 = arith.index_cast %add3A_953 : i32 to index
        %get3A_1004 = arith.constant 48 : index
        %get3A_1005 = tpu.vector_load %get3A_1002[%get3A_1003, %get3A_1004] {strides = array<i32>} : memref<64x128xf32, #tpu.memory_space<vmem>>, vector<16xf32>,
        %get3A_1006 = arith.constant 0 : i32
        %get3A_1007 = arith.constant 0 : i32
        %get3A_1008 = tpu.memref_slice %arg10[%rem3A_82, %get3A_1006, %get3A_1007] : memref<2x64x128xf32, #tpu.memory_space<vmem>> -> memref<1x64x128xf32, #tpu.memory_space<vmem>>
        %get3A_1009 = tpu.memref_squeeze %get3A_1008 : memref<1x64x128xf32, #tpu.memory_space<vmem>> -> memref<64x128xf32, #tpu.memory_space<vmem>>
        %get3A_1010 = arith.index_cast %add3A_953 : i32 to index
        %get3A_1011 = arith.constant 48 : index
        %get3A_1012 = tpu.vector_load %get3A_1009[%get3A_1010, %get3A_1011] {strides = array<i32>} : memref<64x128xf32, #tpu.memory_space<vmem>>, vector<16xf32>,
        %mul3A_1013 = arith.mulf %get3A_1005, %get3A_1012 : vector<16xf32>
        %get3A_1014 = arith.constant 0 : i32
        %get3A_1015 = arith.constant 0 : i32
        %get3A_1016 = tpu.memref_slice %arg9[%rem3A_82, %get3A_1014, %get3A_1015] : memref<2x64x128xf32, #tpu.memory_space<vmem>> -> memref<1x64x128xf32, #tpu.memory_space<vmem>>
        %get3A_1017 = tpu.memref_squeeze %get3A_1016 : memref<1x64x128xf32, #tpu.memory_space<vmem>> -> memref<64x128xf32, #tpu.memory_space<vmem>>
        %get3A_1018 = arith.index_cast %add3A_953 : i32 to index
        %get3A_1019 = arith.constant 64 : index
        %get3A_1020 = tpu.vector_load %get3A_1017[%get3A_1018, %get3A_1019] {strides = array<i32>} : memref<64x128xf32, #tpu.memory_space<vmem>>, vector<16xf32>,
        %get3A_1021 = arith.constant 0 : i32
        %get3A_1022 = arith.constant 0 : i32
        %get3A_1023 = tpu.memref_slice %arg10[%rem3A_82, %get3A_1021, %get3A_1022] : memref<2x64x128xf32, #tpu.memory_space<vmem>> -> memref<1x64x128xf32, #tpu.memory_space<vmem>>
        %get3A_1024 = tpu.memref_squeeze %get3A_1023 : memref<1x64x128xf32, #tpu.memory_space<vmem>> -> memref<64x128xf32, #tpu.memory_space<vmem>>
        %get3A_1025 = arith.index_cast %add3A_953 : i32 to index
        %get3A_1026 = arith.constant 64 : index
        %get3A_1027 = tpu.vector_load %get3A_1024[%get3A_1025, %get3A_1026] {strides = array<i32>} : memref<64x128xf32, #tpu.memory_space<vmem>>, vector<16xf32>,
        %mul3A_1028 = arith.mulf %get3A_1020, %get3A_1027 : vector<16xf32>
        %get3A_1029 = arith.constant 0 : i32
        %get3A_1030 = arith.constant 0 : i32
        %get3A_1031 = tpu.memref_slice %arg9[%rem3A_82, %get3A_1029, %get3A_1030] : memref<2x64x128xf32, #tpu.memory_space<vmem>> -> memref<1x64x128xf32, #tpu.memory_space<vmem>>
        %get3A_1032 = tpu.memref_squeeze %get3A_1031 : memref<1x64x128xf32, #tpu.memory_space<vmem>> -> memref<64x128xf32, #tpu.memory_space<vmem>>
        %get3A_1033 = arith.index_cast %add3A_953 : i32 to index
        %get3A_1034 = arith.constant 80 : index
        %get3A_1035 = tpu.vector_load %get3A_1032[%get3A_1033, %get3A_1034] {strides = array<i32>} : memref<64x128xf32, #tpu.memory_space<vmem>>, vector<16xf32>,
        %get3A_1036 = arith.constant 0 : i32
        %get3A_1037 = arith.constant 0 : i32
        %get3A_1038 = tpu.memref_slice %arg10[%rem3A_82, %get3A_1036, %get3A_1037] : memref<2x64x128xf32, #tpu.memory_space<vmem>> -> memref<1x64x128xf32, #tpu.memory_space<vmem>>
        %get3A_1039 = tpu.memref_squeeze %get3A_1038 : memref<1x64x128xf32, #tpu.memory_space<vmem>> -> memref<64x128xf32, #tpu.memory_space<vmem>>
        %get3A_1040 = arith.index_cast %add3A_953 : i32 to index
        %get3A_1041 = arith.constant 80 : index
        %get3A_1042 = tpu.vector_load %get3A_1039[%get3A_1040, %get3A_1041] {strides = array<i32>} : memref<64x128xf32, #tpu.memory_space<vmem>>, vector<16xf32>,
        %mul3A_1043 = arith.mulf %get3A_1035, %get3A_1042 : vector<16xf32>
        %get3A_1044 = arith.constant 0 : i32
        %get3A_1045 = arith.constant 0 : i32
        %get3A_1046 = tpu.memref_slice %arg9[%rem3A_82, %get3A_1044, %get3A_1045] : memref<2x64x128xf32, #tpu.memory_space<vmem>> -> memref<1x64x128xf32, #tpu.memory_space<vmem>>
        %get3A_1047 = tpu.memref_squeeze %get3A_1046 : memref<1x64x128xf32, #tpu.memory_space<vmem>> -> memref<64x128xf32, #tpu.memory_space<vmem>>
        %get3A_1048 = arith.index_cast %add3A_953 : i32 to index
        %get3A_1049 = arith.constant 96 : index
        %get3A_1050 = tpu.vector_load %get3A_1047[%get3A_1048, %get3A_1049] {strides = array<i32>} : memref<64x128xf32, #tpu.memory_space<vmem>>, vector<16xf32>,
        %get3A_1051 = arith.constant 0 : i32
        %get3A_1052 = arith.constant 0 : i32
        %get3A_1053 = tpu.memref_slice %arg10[%rem3A_82, %get3A_1051, %get3A_1052] : memref<2x64x128xf32, #tpu.memory_space<vmem>> -> memref<1x64x128xf32, #tpu.memory_space<vmem>>
        %get3A_1054 = tpu.memref_squeeze %get3A_1053 : memref<1x64x128xf32, #tpu.memory_space<vmem>> -> memref<64x128xf32, #tpu.memory_space<vmem>>
        %get3A_1055 = arith.index_cast %add3A_953 : i32 to index
        %get3A_1056 = arith.constant 96 : index
        %get3A_1057 = tpu.vector_load %get3A_1054[%get3A_1055, %get3A_1056] {strides = array<i32>} : memref<64x128xf32, #tpu.memory_space<vmem>>, vector<16xf32>,
        %mul3A_1058 = arith.mulf %get3A_1050, %get3A_1057 : vector<16xf32>
        %get3A_1059 = arith.constant 0 : i32
        %get3A_1060 = arith.constant 0 : i32
        %get3A_1061 = tpu.memref_slice %arg9[%rem3A_82, %get3A_1059, %get3A_1060] : memref<2x64x128xf32, #tpu.memory_space<vmem>> -> memref<1x64x128xf32, #tpu.memory_space<vmem>>
        %get3A_1062 = tpu.memref_squeeze %get3A_1061 : memref<1x64x128xf32, #tpu.memory_space<vmem>> -> memref<64x128xf32, #tpu.memory_space<vmem>>
        %get3A_1063 = arith.index_cast %add3A_953 : i32 to index
        %get3A_1064 = arith.constant 112 : index
        %get3A_1065 = tpu.vector_load %get3A_1062[%get3A_1063, %get3A_1064] {strides = array<i32>} : memref<64x128xf32, #tpu.memory_space<vmem>>, vector<16xf32>,
        %get3A_1066 = arith.constant 0 : i32
        %get3A_1067 = arith.constant 0 : i32
        %get3A_1068 = tpu.memref_slice %arg10[%rem3A_82, %get3A_1066, %get3A_1067] : memref<2x64x128xf32, #tpu.memory_space<vmem>> -> memref<1x64x128xf32, #tpu.memory_space<vmem>>
        %get3A_1069 = tpu.memref_squeeze %get3A_1068 : memref<1x64x128xf32, #tpu.memory_space<vmem>> -> memref<64x128xf32, #tpu.memory_space<vmem>>
        %get3A_1070 = arith.index_cast %add3A_953 : i32 to index
        %get3A_1071 = arith.constant 112 : index
        %get3A_1072 = tpu.vector_load %get3A_1069[%get3A_1070, %get3A_1071] {strides = array<i32>} : memref<64x128xf32, #tpu.memory_space<vmem>>, vector<16xf32>,
        %mul3A_1073 = arith.mulf %get3A_1065, %get3A_1072 : vector<16xf32>
        %add3A_1074 = arith.addf %mul3A_968, %mul3A_983 : vector<16xf32>
        %add3A_1075 = arith.addf %mul3A_998, %mul3A_1013 : vector<16xf32>
        %add3A_1076 = arith.addf %mul3A_1028, %mul3A_1043 : vector<16xf32>
        %add3A_1077 = arith.addf %mul3A_1058, %mul3A_1073 : vector<16xf32>
        %add3A_1078 = arith.addf %add3A_1074, %add3A_1075 : vector<16xf32>
        %add3A_1079 = arith.addf %add3A_1076, %add3A_1077 : vector<16xf32>
        %add3A_1080 = arith.addf %add3A_1078, %add3A_1079 : vector<16xf32>
        %broadcast_in_dim3A_1081 = arith.constant true
        %broadcast_in_dim3A_1082 = vector.broadcast %broadcast_in_dim3A_1081 : i1 to vector<16xi1>
        %masked_cumsum3A_1083 = tpu.scan <sum>, %add3A_1080 masked %broadcast_in_dim3A_1082 : vector<16xf32>, vector<16xi1> -> vector<16xf32>
        %mul3A_1084 = arith.constant 16 : i32
        %mul3A_1085 = arith.muli %scan3A_117, %mul3A_1084 : i32
        %add3A_1086 = arith.constant 6 : i32
        %add3A_1087 = arith.addi %mul3A_1085, %add3A_1086 : i32
        %add3A_1088 = arith.constant 1 : i32
        %add3A_1089 = arith.addi %add3A_1087, %add3A_1088 : i32
        %get3A_1090 = arith.constant 0 : i32
        %get3A_1091 = arith.constant 0 : i32
        %get3A_1092 = tpu.memref_slice %arg9[%rem3A_82, %get3A_1090, %get3A_1091] : memref<2x64x128xf32, #tpu.memory_space<vmem>> -> memref<1x64x128xf32, #tpu.memory_space<vmem>>
        %get3A_1093 = tpu.memref_squeeze %get3A_1092 : memref<1x64x128xf32, #tpu.memory_space<vmem>> -> memref<64x128xf32, #tpu.memory_space<vmem>>
        %get3A_1094 = arith.index_cast %add3A_1089 : i32 to index
        %get3A_1095 = arith.constant 0 : index
        %get3A_1096 = tpu.vector_load %get3A_1093[%get3A_1094, %get3A_1095] {strides = array<i32>} : memref<64x128xf32, #tpu.memory_space<vmem>>, vector<16xf32>,
        %get3A_1097 = arith.constant 0 : i32
        %get3A_1098 = arith.constant 0 : i32
        %get3A_1099 = tpu.memref_slice %arg10[%rem3A_82, %get3A_1097, %get3A_1098] : memref<2x64x128xf32, #tpu.memory_space<vmem>> -> memref<1x64x128xf32, #tpu.memory_space<vmem>>
        %get3A_1100 = tpu.memref_squeeze %get3A_1099 : memref<1x64x128xf32, #tpu.memory_space<vmem>> -> memref<64x128xf32, #tpu.memory_space<vmem>>
        %get3A_1101 = arith.index_cast %add3A_1089 : i32 to index
        %get3A_1102 = arith.constant 0 : index
        %get3A_1103 = tpu.vector_load %get3A_1100[%get3A_1101, %get3A_1102] {strides = array<i32>} : memref<64x128xf32, #tpu.memory_space<vmem>>, vector<16xf32>,
        %mul3A_1104 = arith.mulf %get3A_1096, %get3A_1103 : vector<16xf32>
        %get3A_1105 = arith.constant 0 : i32
        %get3A_1106 = arith.constant 0 : i32
        %get3A_1107 = tpu.memref_slice %arg9[%rem3A_82, %get3A_1105, %get3A_1106] : memref<2x64x128xf32, #tpu.memory_space<vmem>> -> memref<1x64x128xf32, #tpu.memory_space<vmem>>
        %get3A_1108 = tpu.memref_squeeze %get3A_1107 : memref<1x64x128xf32, #tpu.memory_space<vmem>> -> memref<64x128xf32, #tpu.memory_space<vmem>>
        %get3A_1109 = arith.index_cast %add3A_1089 : i32 to index
        %get3A_1110 = arith.constant 16 : index
        %get3A_1111 = tpu.vector_load %get3A_1108[%get3A_1109, %get3A_1110] {strides = array<i32>} : memref<64x128xf32, #tpu.memory_space<vmem>>, vector<16xf32>,
        %get3A_1112 = arith.constant 0 : i32
        %get3A_1113 = arith.constant 0 : i32
        %get3A_1114 = tpu.memref_slice %arg10[%rem3A_82, %get3A_1112, %get3A_1113] : memref<2x64x128xf32, #tpu.memory_space<vmem>> -> memref<1x64x128xf32, #tpu.memory_space<vmem>>
        %get3A_1115 = tpu.memref_squeeze %get3A_1114 : memref<1x64x128xf32, #tpu.memory_space<vmem>> -> memref<64x128xf32, #tpu.memory_space<vmem>>
        %get3A_1116 = arith.index_cast %add3A_1089 : i32 to index
        %get3A_1117 = arith.constant 16 : index
        %get3A_1118 = tpu.vector_load %get3A_1115[%get3A_1116, %get3A_1117] {strides = array<i32>} : memref<64x128xf32, #tpu.memory_space<vmem>>, vector<16xf32>,
        %mul3A_1119 = arith.mulf %get3A_1111, %get3A_1118 : vector<16xf32>
        %get3A_1120 = arith.constant 0 : i32
        %get3A_1121 = arith.constant 0 : i32
        %get3A_1122 = tpu.memref_slice %arg9[%rem3A_82, %get3A_1120, %get3A_1121] : memref<2x64x128xf32, #tpu.memory_space<vmem>> -> memref<1x64x128xf32, #tpu.memory_space<vmem>>
        %get3A_1123 = tpu.memref_squeeze %get3A_1122 : memref<1x64x128xf32, #tpu.memory_space<vmem>> -> memref<64x128xf32, #tpu.memory_space<vmem>>
        %get3A_1124 = arith.index_cast %add3A_1089 : i32 to index
        %get3A_1125 = arith.constant 32 : index
        %get3A_1126 = tpu.vector_load %get3A_1123[%get3A_1124, %get3A_1125] {strides = array<i32>} : memref<64x128xf32, #tpu.memory_space<vmem>>, vector<16xf32>,
        %get3A_1127 = arith.constant 0 : i32
        %get3A_1128 = arith.constant 0 : i32
        %get3A_1129 = tpu.memref_slice %arg10[%rem3A_82, %get3A_1127, %get3A_1128] : memref<2x64x128xf32, #tpu.memory_space<vmem>> -> memref<1x64x128xf32, #tpu.memory_space<vmem>>
        %get3A_1130 = tpu.memref_squeeze %get3A_1129 : memref<1x64x128xf32, #tpu.memory_space<vmem>> -> memref<64x128xf32, #tpu.memory_space<vmem>>
        %get3A_1131 = arith.index_cast %add3A_1089 : i32 to index
        %get3A_1132 = arith.constant 32 : index
        %get3A_1133 = tpu.vector_load %get3A_1130[%get3A_1131, %get3A_1132] {strides = array<i32>} : memref<64x128xf32, #tpu.memory_space<vmem>>, vector<16xf32>,
        %mul3A_1134 = arith.mulf %get3A_1126, %get3A_1133 : vector<16xf32>
        %get3A_1135 = arith.constant 0 : i32
        %get3A_1136 = arith.constant 0 : i32
        %get3A_1137 = tpu.memref_slice %arg9[%rem3A_82, %get3A_1135, %get3A_1136] : memref<2x64x128xf32, #tpu.memory_space<vmem>> -> memref<1x64x128xf32, #tpu.memory_space<vmem>>
        %get3A_1138 = tpu.memref_squeeze %get3A_1137 : memref<1x64x128xf32, #tpu.memory_space<vmem>> -> memref<64x128xf32, #tpu.memory_space<vmem>>
        %get3A_1139 = arith.index_cast %add3A_1089 : i32 to index
        %get3A_1140 = arith.constant 48 : index
        %get3A_1141 = tpu.vector_load %get3A_1138[%get3A_1139, %get3A_1140] {strides = array<i32>} : memref<64x128xf32, #tpu.memory_space<vmem>>, vector<16xf32>,
        %get3A_1142 = arith.constant 0 : i32
        %get3A_1143 = arith.constant 0 : i32
        %get3A_1144 = tpu.memref_slice %arg10[%rem3A_82, %get3A_1142, %get3A_1143] : memref<2x64x128xf32, #tpu.memory_space<vmem>> -> memref<1x64x128xf32, #tpu.memory_space<vmem>>
        %get3A_1145 = tpu.memref_squeeze %get3A_1144 : memref<1x64x128xf32, #tpu.memory_space<vmem>> -> memref<64x128xf32, #tpu.memory_space<vmem>>
        %get3A_1146 = arith.index_cast %add3A_1089 : i32 to index
        %get3A_1147 = arith.constant 48 : index
        %get3A_1148 = tpu.vector_load %get3A_1145[%get3A_1146, %get3A_1147] {strides = array<i32>} : memref<64x128xf32, #tpu.memory_space<vmem>>, vector<16xf32>,
        %mul3A_1149 = arith.mulf %get3A_1141, %get3A_1148 : vector<16xf32>
        %get3A_1150 = arith.constant 0 : i32
        %get3A_1151 = arith.constant 0 : i32
        %get3A_1152 = tpu.memref_slice %arg9[%rem3A_82, %get3A_1150, %get3A_1151] : memref<2x64x128xf32, #tpu.memory_space<vmem>> -> memref<1x64x128xf32, #tpu.memory_space<vmem>>
        %get3A_1153 = tpu.memref_squeeze %get3A_1152 : memref<1x64x128xf32, #tpu.memory_space<vmem>> -> memref<64x128xf32, #tpu.memory_space<vmem>>
        %get3A_1154 = arith.index_cast %add3A_1089 : i32 to index
        %get3A_1155 = arith.constant 64 : index
        %get3A_1156 = tpu.vector_load %get3A_1153[%get3A_1154, %get3A_1155] {strides = array<i32>} : memref<64x128xf32, #tpu.memory_space<vmem>>, vector<16xf32>,
        %get3A_1157 = arith.constant 0 : i32
        %get3A_1158 = arith.constant 0 : i32
        %get3A_1159 = tpu.memref_slice %arg10[%rem3A_82, %get3A_1157, %get3A_1158] : memref<2x64x128xf32, #tpu.memory_space<vmem>> -> memref<1x64x128xf32, #tpu.memory_space<vmem>>
        %get3A_1160 = tpu.memref_squeeze %get3A_1159 : memref<1x64x128xf32, #tpu.memory_space<vmem>> -> memref<64x128xf32, #tpu.memory_space<vmem>>
        %get3A_1161 = arith.index_cast %add3A_1089 : i32 to index
        %get3A_1162 = arith.constant 64 : index
        %get3A_1163 = tpu.vector_load %get3A_1160[%get3A_1161, %get3A_1162] {strides = array<i32>} : memref<64x128xf32, #tpu.memory_space<vmem>>, vector<16xf32>,
        %mul3A_1164 = arith.mulf %get3A_1156, %get3A_1163 : vector<16xf32>
        %get3A_1165 = arith.constant 0 : i32
        %get3A_1166 = arith.constant 0 : i32
        %get3A_1167 = tpu.memref_slice %arg9[%rem3A_82, %get3A_1165, %get3A_1166] : memref<2x64x128xf32, #tpu.memory_space<vmem>> -> memref<1x64x128xf32, #tpu.memory_space<vmem>>
        %get3A_1168 = tpu.memref_squeeze %get3A_1167 : memref<1x64x128xf32, #tpu.memory_space<vmem>> -> memref<64x128xf32, #tpu.memory_space<vmem>>
        %get3A_1169 = arith.index_cast %add3A_1089 : i32 to index
        %get3A_1170 = arith.constant 80 : index
        %get3A_1171 = tpu.vector_load %get3A_1168[%get3A_1169, %get3A_1170] {strides = array<i32>} : memref<64x128xf32, #tpu.memory_space<vmem>>, vector<16xf32>,
        %get3A_1172 = arith.constant 0 : i32
        %get3A_1173 = arith.constant 0 : i32
        %get3A_1174 = tpu.memref_slice %arg10[%rem3A_82, %get3A_1172, %get3A_1173] : memref<2x64x128xf32, #tpu.memory_space<vmem>> -> memref<1x64x128xf32, #tpu.memory_space<vmem>>
        %get3A_1175 = tpu.memref_squeeze %get3A_1174 : memref<1x64x128xf32, #tpu.memory_space<vmem>> -> memref<64x128xf32, #tpu.memory_space<vmem>>
        %get3A_1176 = arith.index_cast %add3A_1089 : i32 to index
        %get3A_1177 = arith.constant 80 : index
        %get3A_1178 = tpu.vector_load %get3A_1175[%get3A_1176, %get3A_1177] {strides = array<i32>} : memref<64x128xf32, #tpu.memory_space<vmem>>, vector<16xf32>,
        %mul3A_1179 = arith.mulf %get3A_1171, %get3A_1178 : vector<16xf32>
        %get3A_1180 = arith.constant 0 : i32
        %get3A_1181 = arith.constant 0 : i32
        %get3A_1182 = tpu.memref_slice %arg9[%rem3A_82, %get3A_1180, %get3A_1181] : memref<2x64x128xf32, #tpu.memory_space<vmem>> -> memref<1x64x128xf32, #tpu.memory_space<vmem>>
        %get3A_1183 = tpu.memref_squeeze %get3A_1182 : memref<1x64x128xf32, #tpu.memory_space<vmem>> -> memref<64x128xf32, #tpu.memory_space<vmem>>
        %get3A_1184 = arith.index_cast %add3A_1089 : i32 to index
        %get3A_1185 = arith.constant 96 : index
        %get3A_1186 = tpu.vector_load %get3A_1183[%get3A_1184, %get3A_1185] {strides = array<i32>} : memref<64x128xf32, #tpu.memory_space<vmem>>, vector<16xf32>,
        %get3A_1187 = arith.constant 0 : i32
        %get3A_1188 = arith.constant 0 : i32
        %get3A_1189 = tpu.memref_slice %arg10[%rem3A_82, %get3A_1187, %get3A_1188] : memref<2x64x128xf32, #tpu.memory_space<vmem>> -> memref<1x64x128xf32, #tpu.memory_space<vmem>>
        %get3A_1190 = tpu.memref_squeeze %get3A_1189 : memref<1x64x128xf32, #tpu.memory_space<vmem>> -> memref<64x128xf32, #tpu.memory_space<vmem>>
        %get3A_1191 = arith.index_cast %add3A_1089 : i32 to index
        %get3A_1192 = arith.constant 96 : index
        %get3A_1193 = tpu.vector_load %get3A_1190[%get3A_1191, %get3A_1192] {strides = array<i32>} : memref<64x128xf32, #tpu.memory_space<vmem>>, vector<16xf32>,
        %mul3A_1194 = arith.mulf %get3A_1186, %get3A_1193 : vector<16xf32>
        %get3A_1195 = arith.constant 0 : i32
        %get3A_1196 = arith.constant 0 : i32
        %get3A_1197 = tpu.memref_slice %arg9[%rem3A_82, %get3A_1195, %get3A_1196] : memref<2x64x128xf32, #tpu.memory_space<vmem>> -> memref<1x64x128xf32, #tpu.memory_space<vmem>>
        %get3A_1198 = tpu.memref_squeeze %get3A_1197 : memref<1x64x128xf32, #tpu.memory_space<vmem>> -> memref<64x128xf32, #tpu.memory_space<vmem>>
        %get3A_1199 = arith.index_cast %add3A_1089 : i32 to index
        %get3A_1200 = arith.constant 112 : index
        %get3A_1201 = tpu.vector_load %get3A_1198[%get3A_1199, %get3A_1200] {strides = array<i32>} : memref<64x128xf32, #tpu.memory_space<vmem>>, vector<16xf32>,
        %get3A_1202 = arith.constant 0 : i32
        %get3A_1203 = arith.constant 0 : i32
        %get3A_1204 = tpu.memref_slice %arg10[%rem3A_82, %get3A_1202, %get3A_1203] : memref<2x64x128xf32, #tpu.memory_space<vmem>> -> memref<1x64x128xf32, #tpu.memory_space<vmem>>
        %get3A_1205 = tpu.memref_squeeze %get3A_1204 : memref<1x64x128xf32, #tpu.memory_space<vmem>> -> memref<64x128xf32, #tpu.memory_space<vmem>>
        %get3A_1206 = arith.index_cast %add3A_1089 : i32 to index
        %get3A_1207 = arith.constant 112 : index
        %get3A_1208 = tpu.vector_load %get3A_1205[%get3A_1206, %get3A_1207] {strides = array<i32>} : memref<64x128xf32, #tpu.memory_space<vmem>>, vector<16xf32>,
        %mul3A_1209 = arith.mulf %get3A_1201, %get3A_1208 : vector<16xf32>
        %add3A_1210 = arith.addf %mul3A_1104, %mul3A_1119 : vector<16xf32>
        %add3A_1211 = arith.addf %mul3A_1134, %mul3A_1149 : vector<16xf32>
        %add3A_1212 = arith.addf %mul3A_1164, %mul3A_1179 : vector<16xf32>
        %add3A_1213 = arith.addf %mul3A_1194, %mul3A_1209 : vector<16xf32>
        %add3A_1214 = arith.addf %add3A_1210, %add3A_1211 : vector<16xf32>
        %add3A_1215 = arith.addf %add3A_1212, %add3A_1213 : vector<16xf32>
        %add3A_1216 = arith.addf %add3A_1214, %add3A_1215 : vector<16xf32>
        %broadcast_in_dim3A_1217 = arith.constant true
        %broadcast_in_dim3A_1218 = vector.broadcast %broadcast_in_dim3A_1217 : i1 to vector<16xi1>
        %masked_cumsum3A_1219 = tpu.scan <sum>, %add3A_1216 masked %broadcast_in_dim3A_1218 : vector<16xf32>, vector<16xi1> -> vector<16xf32>
        %swap3A_1220 = arith.constant 4 : i32
        %swap3A_1221 = arith.index_cast %swap3A_1220 : i32 to index
        %swap3A_1222 = arith.constant 0 : index
        %swap3A_1223 = tpu.vector_load %arg12[%swap3A_1221, %swap3A_1222] {strides = array<i32>} : memref<16x17xf32, #tpu.memory_space<vmem>>, vector<16xf32>,
        tpu.vector_store %arg12[%swap3A_1221, %swap3A_1222], %masked_cumsum3A_803 {strides = array<i32>} : memref<16x17xf32, #tpu.memory_space<vmem>>, vector<16xf32>,
        %swap3A_1224 = arith.constant 5 : i32
        %swap3A_1225 = arith.index_cast %swap3A_1224 : i32 to index
        %swap3A_1226 = arith.constant 0 : index
        %swap3A_1227 = tpu.vector_load %arg12[%swap3A_1225, %swap3A_1226] {strides = array<i32>} : memref<16x17xf32, #tpu.memory_space<vmem>>, vector<16xf32>,
        tpu.vector_store %arg12[%swap3A_1225, %swap3A_1226], %masked_cumsum3A_939 {strides = array<i32>} : memref<16x17xf32, #tpu.memory_space<vmem>>, vector<16xf32>,
        %mul3A_1228 = arith.constant 16 : i32
        %mul3A_1229 = arith.muli %scan3A_117, %mul3A_1228 : i32
        %add3A_1230 = arith.constant 8 : i32
        %add3A_1231 = arith.addi %mul3A_1229, %add3A_1230 : i32
        %add3A_1232 = arith.constant 0 : i32
        %add3A_1233 = arith.addi %add3A_1231, %add3A_1232 : i32
        %get3A_1234 = arith.constant 0 : i32
        %get3A_1235 = arith.constant 0 : i32
        %get3A_1236 = tpu.memref_slice %arg9[%rem3A_82, %get3A_1234, %get3A_1235] : memref<2x64x128xf32, #tpu.memory_space<vmem>> -> memref<1x64x128xf32, #tpu.memory_space<vmem>>
        %get3A_1237 = tpu.memref_squeeze %get3A_1236 : memref<1x64x128xf32, #tpu.memory_space<vmem>> -> memref<64x128xf32, #tpu.memory_space<vmem>>
        %get3A_1238 = arith.index_cast %add3A_1233 : i32 to index
        %get3A_1239 = arith.constant 0 : index
        %get3A_1240 = tpu.vector_load %get3A_1237[%get3A_1238, %get3A_1239] {strides = array<i32>} : memref<64x128xf32, #tpu.memory_space<vmem>>, vector<16xf32>,
        %get3A_1241 = arith.constant 0 : i32
        %get3A_1242 = arith.constant 0 : i32
        %get3A_1243 = tpu.memref_slice %arg10[%rem3A_82, %get3A_1241, %get3A_1242] : memref<2x64x128xf32, #tpu.memory_space<vmem>> -> memref<1x64x128xf32, #tpu.memory_space<vmem>>
        %get3A_1244 = tpu.memref_squeeze %get3A_1243 : memref<1x64x128xf32, #tpu.memory_space<vmem>> -> memref<64x128xf32, #tpu.memory_space<vmem>>
        %get3A_1245 = arith.index_cast %add3A_1233 : i32 to index
        %get3A_1246 = arith.constant 0 : index
        %get3A_1247 = tpu.vector_load %get3A_1244[%get3A_1245, %get3A_1246] {strides = array<i32>} : memref<64x128xf32, #tpu.memory_space<vmem>>, vector<16xf32>,
        %mul3A_1248 = arith.mulf %get3A_1240, %get3A_1247 : vector<16xf32>
        %get3A_1249 = arith.constant 0 : i32
        %get3A_1250 = arith.constant 0 : i32
        %get3A_1251 = tpu.memref_slice %arg9[%rem3A_82, %get3A_1249, %get3A_1250] : memref<2x64x128xf32, #tpu.memory_space<vmem>> -> memref<1x64x128xf32, #tpu.memory_space<vmem>>
        %get3A_1252 = tpu.memref_squeeze %get3A_1251 : memref<1x64x128xf32, #tpu.memory_space<vmem>> -> memref<64x128xf32, #tpu.memory_space<vmem>>
        %get3A_1253 = arith.index_cast %add3A_1233 : i32 to index
        %get3A_1254 = arith.constant 16 : index
        %get3A_1255 = tpu.vector_load %get3A_1252[%get3A_1253, %get3A_1254] {strides = array<i32>} : memref<64x128xf32, #tpu.memory_space<vmem>>, vector<16xf32>,
        %get3A_1256 = arith.constant 0 : i32
        %get3A_1257 = arith.constant 0 : i32
        %get3A_1258 = tpu.memref_slice %arg10[%rem3A_82, %get3A_1256, %get3A_1257] : memref<2x64x128xf32, #tpu.memory_space<vmem>> -> memref<1x64x128xf32, #tpu.memory_space<vmem>>
        %get3A_1259 = tpu.memref_squeeze %get3A_1258 : memref<1x64x128xf32, #tpu.memory_space<vmem>> -> memref<64x128xf32, #tpu.memory_space<vmem>>
        %get3A_1260 = arith.index_cast %add3A_1233 : i32 to index
        %get3A_1261 = arith.constant 16 : index
        %get3A_1262 = tpu.vector_load %get3A_1259[%get3A_1260, %get3A_1261] {strides = array<i32>} : memref<64x128xf32, #tpu.memory_space<vmem>>, vector<16xf32>,
        %mul3A_1263 = arith.mulf %get3A_1255, %get3A_1262 : vector<16xf32>
        %get3A_1264 = arith.constant 0 : i32
        %get3A_1265 = arith.constant 0 : i32
        %get3A_1266 = tpu.memref_slice %arg9[%rem3A_82, %get3A_1264, %get3A_1265] : memref<2x64x128xf32, #tpu.memory_space<vmem>> -> memref<1x64x128xf32, #tpu.memory_space<vmem>>
        %get3A_1267 = tpu.memref_squeeze %get3A_1266 : memref<1x64x128xf32, #tpu.memory_space<vmem>> -> memref<64x128xf32, #tpu.memory_space<vmem>>
        %get3A_1268 = arith.index_cast %add3A_1233 : i32 to index
        %get3A_1269 = arith.constant 32 : index
        %get3A_1270 = tpu.vector_load %get3A_1267[%get3A_1268, %get3A_1269] {strides = array<i32>} : memref<64x128xf32, #tpu.memory_space<vmem>>, vector<16xf32>,
        %get3A_1271 = arith.constant 0 : i32
        %get3A_1272 = arith.constant 0 : i32
        %get3A_1273 = tpu.memref_slice %arg10[%rem3A_82, %get3A_1271, %get3A_1272] : memref<2x64x128xf32, #tpu.memory_space<vmem>> -> memref<1x64x128xf32, #tpu.memory_space<vmem>>
        %get3A_1274 = tpu.memref_squeeze %get3A_1273 : memref<1x64x128xf32, #tpu.memory_space<vmem>> -> memref<64x128xf32, #tpu.memory_space<vmem>>
        %get3A_1275 = arith.index_cast %add3A_1233 : i32 to index
        %get3A_1276 = arith.constant 32 : index
        %get3A_1277 = tpu.vector_load %get3A_1274[%get3A_1275, %get3A_1276] {strides = array<i32>} : memref<64x128xf32, #tpu.memory_space<vmem>>, vector<16xf32>,
        %mul3A_1278 = arith.mulf %get3A_1270, %get3A_1277 : vector<16xf32>
        %get3A_1279 = arith.constant 0 : i32
        %get3A_1280 = arith.constant 0 : i32
        %get3A_1281 = tpu.memref_slice %arg9[%rem3A_82, %get3A_1279, %get3A_1280] : memref<2x64x128xf32, #tpu.memory_space<vmem>> -> memref<1x64x128xf32, #tpu.memory_space<vmem>>
        %get3A_1282 = tpu.memref_squeeze %get3A_1281 : memref<1x64x128xf32, #tpu.memory_space<vmem>> -> memref<64x128xf32, #tpu.memory_space<vmem>>
        %get3A_1283 = arith.index_cast %add3A_1233 : i32 to index
        %get3A_1284 = arith.constant 48 : index
        %get3A_1285 = tpu.vector_load %get3A_1282[%get3A_1283, %get3A_1284] {strides = array<i32>} : memref<64x128xf32, #tpu.memory_space<vmem>>, vector<16xf32>,
        %get3A_1286 = arith.constant 0 : i32
        %get3A_1287 = arith.constant 0 : i32
        %get3A_1288 = tpu.memref_slice %arg10[%rem3A_82, %get3A_1286, %get3A_1287] : memref<2x64x128xf32, #tpu.memory_space<vmem>> -> memref<1x64x128xf32, #tpu.memory_space<vmem>>
        %get3A_1289 = tpu.memref_squeeze %get3A_1288 : memref<1x64x128xf32, #tpu.memory_space<vmem>> -> memref<64x128xf32, #tpu.memory_space<vmem>>
        %get3A_1290 = arith.index_cast %add3A_1233 : i32 to index
        %get3A_1291 = arith.constant 48 : index
        %get3A_1292 = tpu.vector_load %get3A_1289[%get3A_1290, %get3A_1291] {strides = array<i32>} : memref<64x128xf32, #tpu.memory_space<vmem>>, vector<16xf32>,
        %mul3A_1293 = arith.mulf %get3A_1285, %get3A_1292 : vector<16xf32>
        %get3A_1294 = arith.constant 0 : i32
        %get3A_1295 = arith.constant 0 : i32
        %get3A_1296 = tpu.memref_slice %arg9[%rem3A_82, %get3A_1294, %get3A_1295] : memref<2x64x128xf32, #tpu.memory_space<vmem>> -> memref<1x64x128xf32, #tpu.memory_space<vmem>>
        %get3A_1297 = tpu.memref_squeeze %get3A_1296 : memref<1x64x128xf32, #tpu.memory_space<vmem>> -> memref<64x128xf32, #tpu.memory_space<vmem>>
        %get3A_1298 = arith.index_cast %add3A_1233 : i32 to index
        %get3A_1299 = arith.constant 64 : index
        %get3A_1300 = tpu.vector_load %get3A_1297[%get3A_1298, %get3A_1299] {strides = array<i32>} : memref<64x128xf32, #tpu.memory_space<vmem>>, vector<16xf32>,
        %get3A_1301 = arith.constant 0 : i32
        %get3A_1302 = arith.constant 0 : i32
        %get3A_1303 = tpu.memref_slice %arg10[%rem3A_82, %get3A_1301, %get3A_1302] : memref<2x64x128xf32, #tpu.memory_space<vmem>> -> memref<1x64x128xf32, #tpu.memory_space<vmem>>
        %get3A_1304 = tpu.memref_squeeze %get3A_1303 : memref<1x64x128xf32, #tpu.memory_space<vmem>> -> memref<64x128xf32, #tpu.memory_space<vmem>>
        %get3A_1305 = arith.index_cast %add3A_1233 : i32 to index
        %get3A_1306 = arith.constant 64 : index
        %get3A_1307 = tpu.vector_load %get3A_1304[%get3A_1305, %get3A_1306] {strides = array<i32>} : memref<64x128xf32, #tpu.memory_space<vmem>>, vector<16xf32>,
        %mul3A_1308 = arith.mulf %get3A_1300, %get3A_1307 : vector<16xf32>
        %get3A_1309 = arith.constant 0 : i32
        %get3A_1310 = arith.constant 0 : i32
        %get3A_1311 = tpu.memref_slice %arg9[%rem3A_82, %get3A_1309, %get3A_1310] : memref<2x64x128xf32, #tpu.memory_space<vmem>> -> memref<1x64x128xf32, #tpu.memory_space<vmem>>
        %get3A_1312 = tpu.memref_squeeze %get3A_1311 : memref<1x64x128xf32, #tpu.memory_space<vmem>> -> memref<64x128xf32, #tpu.memory_space<vmem>>
        %get3A_1313 = arith.index_cast %add3A_1233 : i32 to index
        %get3A_1314 = arith.constant 80 : index
        %get3A_1315 = tpu.vector_load %get3A_1312[%get3A_1313, %get3A_1314] {strides = array<i32>} : memref<64x128xf32, #tpu.memory_space<vmem>>, vector<16xf32>,
        %get3A_1316 = arith.constant 0 : i32
        %get3A_1317 = arith.constant 0 : i32
        %get3A_1318 = tpu.memref_slice %arg10[%rem3A_82, %get3A_1316, %get3A_1317] : memref<2x64x128xf32, #tpu.memory_space<vmem>> -> memref<1x64x128xf32, #tpu.memory_space<vmem>>
        %get3A_1319 = tpu.memref_squeeze %get3A_1318 : memref<1x64x128xf32, #tpu.memory_space<vmem>> -> memref<64x128xf32, #tpu.memory_space<vmem>>
        %get3A_1320 = arith.index_cast %add3A_1233 : i32 to index
        %get3A_1321 = arith.constant 80 : index
        %get3A_1322 = tpu.vector_load %get3A_1319[%get3A_1320, %get3A_1321] {strides = array<i32>} : memref<64x128xf32, #tpu.memory_space<vmem>>, vector<16xf32>,
        %mul3A_1323 = arith.mulf %get3A_1315, %get3A_1322 : vector<16xf32>
        %get3A_1324 = arith.constant 0 : i32
        %get3A_1325 = arith.constant 0 : i32
        %get3A_1326 = tpu.memref_slice %arg9[%rem3A_82, %get3A_1324, %get3A_1325] : memref<2x64x128xf32, #tpu.memory_space<vmem>> -> memref<1x64x128xf32, #tpu.memory_space<vmem>>
        %get3A_1327 = tpu.memref_squeeze %get3A_1326 : memref<1x64x128xf32, #tpu.memory_space<vmem>> -> memref<64x128xf32, #tpu.memory_space<vmem>>
        %get3A_1328 = arith.index_cast %add3A_1233 : i32 to index
        %get3A_1329 = arith.constant 96 : index
        %get3A_1330 = tpu.vector_load %get3A_1327[%get3A_1328, %get3A_1329] {strides = array<i32>} : memref<64x128xf32, #tpu.memory_space<vmem>>, vector<16xf32>,
        %get3A_1331 = arith.constant 0 : i32
        %get3A_1332 = arith.constant 0 : i32
        %get3A_1333 = tpu.memref_slice %arg10[%rem3A_82, %get3A_1331, %get3A_1332] : memref<2x64x128xf32, #tpu.memory_space<vmem>> -> memref<1x64x128xf32, #tpu.memory_space<vmem>>
        %get3A_1334 = tpu.memref_squeeze %get3A_1333 : memref<1x64x128xf32, #tpu.memory_space<vmem>> -> memref<64x128xf32, #tpu.memory_space<vmem>>
        %get3A_1335 = arith.index_cast %add3A_1233 : i32 to index
        %get3A_1336 = arith.constant 96 : index
        %get3A_1337 = tpu.vector_load %get3A_1334[%get3A_1335, %get3A_1336] {strides = array<i32>} : memref<64x128xf32, #tpu.memory_space<vmem>>, vector<16xf32>,
        %mul3A_1338 = arith.mulf %get3A_1330, %get3A_1337 : vector<16xf32>
        %get3A_1339 = arith.constant 0 : i32
        %get3A_1340 = arith.constant 0 : i32
        %get3A_1341 = tpu.memref_slice %arg9[%rem3A_82, %get3A_1339, %get3A_1340] : memref<2x64x128xf32, #tpu.memory_space<vmem>> -> memref<1x64x128xf32, #tpu.memory_space<vmem>>
        %get3A_1342 = tpu.memref_squeeze %get3A_1341 : memref<1x64x128xf32, #tpu.memory_space<vmem>> -> memref<64x128xf32, #tpu.memory_space<vmem>>
        %get3A_1343 = arith.index_cast %add3A_1233 : i32 to index
        %get3A_1344 = arith.constant 112 : index
        %get3A_1345 = tpu.vector_load %get3A_1342[%get3A_1343, %get3A_1344] {strides = array<i32>} : memref<64x128xf32, #tpu.memory_space<vmem>>, vector<16xf32>,
        %get3A_1346 = arith.constant 0 : i32
        %get3A_1347 = arith.constant 0 : i32
        %get3A_1348 = tpu.memref_slice %arg10[%rem3A_82, %get3A_1346, %get3A_1347] : memref<2x64x128xf32, #tpu.memory_space<vmem>> -> memref<1x64x128xf32, #tpu.memory_space<vmem>>
        %get3A_1349 = tpu.memref_squeeze %get3A_1348 : memref<1x64x128xf32, #tpu.memory_space<vmem>> -> memref<64x128xf32, #tpu.memory_space<vmem>>
        %get3A_1350 = arith.index_cast %add3A_1233 : i32 to index
        %get3A_1351 = arith.constant 112 : index
        %get3A_1352 = tpu.vector_load %get3A_1349[%get3A_1350, %get3A_1351] {strides = array<i32>} : memref<64x128xf32, #tpu.memory_space<vmem>>, vector<16xf32>,
        %mul3A_1353 = arith.mulf %get3A_1345, %get3A_1352 : vector<16xf32>
        %add3A_1354 = arith.addf %mul3A_1248, %mul3A_1263 : vector<16xf32>
        %add3A_1355 = arith.addf %mul3A_1278, %mul3A_1293 : vector<16xf32>
        %add3A_1356 = arith.addf %mul3A_1308, %mul3A_1323 : vector<16xf32>
        %add3A_1357 = arith.addf %mul3A_1338, %mul3A_1353 : vector<16xf32>
        %add3A_1358 = arith.addf %add3A_1354, %add3A_1355 : vector<16xf32>
        %add3A_1359 = arith.addf %add3A_1356, %add3A_1357 : vector<16xf32>
        %add3A_1360 = arith.addf %add3A_1358, %add3A_1359 : vector<16xf32>
        %broadcast_in_dim3A_1361 = arith.constant true
        %broadcast_in_dim3A_1362 = vector.broadcast %broadcast_in_dim3A_1361 : i1 to vector<16xi1>
        %masked_cumsum3A_1363 = tpu.scan <sum>, %add3A_1360 masked %broadcast_in_dim3A_1362 : vector<16xf32>, vector<16xi1> -> vector<16xf32>
        %mul3A_1364 = arith.constant 16 : i32
        %mul3A_1365 = arith.muli %scan3A_117, %mul3A_1364 : i32
        %add3A_1366 = arith.constant 8 : i32
        %add3A_1367 = arith.addi %mul3A_1365, %add3A_1366 : i32
        %add3A_1368 = arith.constant 1 : i32
        %add3A_1369 = arith.addi %add3A_1367, %add3A_1368 : i32
        %get3A_1370 = arith.constant 0 : i32
        %get3A_1371 = arith.constant 0 : i32
        %get3A_1372 = tpu.memref_slice %arg9[%rem3A_82, %get3A_1370, %get3A_1371] : memref<2x64x128xf32, #tpu.memory_space<vmem>> -> memref<1x64x128xf32, #tpu.memory_space<vmem>>
        %get3A_1373 = tpu.memref_squeeze %get3A_1372 : memref<1x64x128xf32, #tpu.memory_space<vmem>> -> memref<64x128xf32, #tpu.memory_space<vmem>>
        %get3A_1374 = arith.index_cast %add3A_1369 : i32 to index
        %get3A_1375 = arith.constant 0 : index
        %get3A_1376 = tpu.vector_load %get3A_1373[%get3A_1374, %get3A_1375] {strides = array<i32>} : memref<64x128xf32, #tpu.memory_space<vmem>>, vector<16xf32>,
        %get3A_1377 = arith.constant 0 : i32
        %get3A_1378 = arith.constant 0 : i32
        %get3A_1379 = tpu.memref_slice %arg10[%rem3A_82, %get3A_1377, %get3A_1378] : memref<2x64x128xf32, #tpu.memory_space<vmem>> -> memref<1x64x128xf32, #tpu.memory_space<vmem>>
        %get3A_1380 = tpu.memref_squeeze %get3A_1379 : memref<1x64x128xf32, #tpu.memory_space<vmem>> -> memref<64x128xf32, #tpu.memory_space<vmem>>
        %get3A_1381 = arith.index_cast %add3A_1369 : i32 to index
        %get3A_1382 = arith.constant 0 : index
        %get3A_1383 = tpu.vector_load %get3A_1380[%get3A_1381, %get3A_1382] {strides = array<i32>} : memref<64x128xf32, #tpu.memory_space<vmem>>, vector<16xf32>,
        %mul3A_1384 = arith.mulf %get3A_1376, %get3A_1383 : vector<16xf32>
        %get3A_1385 = arith.constant 0 : i32
        %get3A_1386 = arith.constant 0 : i32
        %get3A_1387 = tpu.memref_slice %arg9[%rem3A_82, %get3A_1385, %get3A_1386] : memref<2x64x128xf32, #tpu.memory_space<vmem>> -> memref<1x64x128xf32, #tpu.memory_space<vmem>>
        %get3A_1388 = tpu.memref_squeeze %get3A_1387 : memref<1x64x128xf32, #tpu.memory_space<vmem>> -> memref<64x128xf32, #tpu.memory_space<vmem>>
        %get3A_1389 = arith.index_cast %add3A_1369 : i32 to index
        %get3A_1390 = arith.constant 16 : index
        %get3A_1391 = tpu.vector_load %get3A_1388[%get3A_1389, %get3A_1390] {strides = array<i32>} : memref<64x128xf32, #tpu.memory_space<vmem>>, vector<16xf32>,
        %get3A_1392 = arith.constant 0 : i32
        %get3A_1393 = arith.constant 0 : i32
        %get3A_1394 = tpu.memref_slice %arg10[%rem3A_82, %get3A_1392, %get3A_1393] : memref<2x64x128xf32, #tpu.memory_space<vmem>> -> memref<1x64x128xf32, #tpu.memory_space<vmem>>
        %get3A_1395 = tpu.memref_squeeze %get3A_1394 : memref<1x64x128xf32, #tpu.memory_space<vmem>> -> memref<64x128xf32, #tpu.memory_space<vmem>>
        %get3A_1396 = arith.index_cast %add3A_1369 : i32 to index
        %get3A_1397 = arith.constant 16 : index
        %get3A_1398 = tpu.vector_load %get3A_1395[%get3A_1396, %get3A_1397] {strides = array<i32>} : memref<64x128xf32, #tpu.memory_space<vmem>>, vector<16xf32>,
        %mul3A_1399 = arith.mulf %get3A_1391, %get3A_1398 : vector<16xf32>
        %get3A_1400 = arith.constant 0 : i32
        %get3A_1401 = arith.constant 0 : i32
        %get3A_1402 = tpu.memref_slice %arg9[%rem3A_82, %get3A_1400, %get3A_1401] : memref<2x64x128xf32, #tpu.memory_space<vmem>> -> memref<1x64x128xf32, #tpu.memory_space<vmem>>
        %get3A_1403 = tpu.memref_squeeze %get3A_1402 : memref<1x64x128xf32, #tpu.memory_space<vmem>> -> memref<64x128xf32, #tpu.memory_space<vmem>>
        %get3A_1404 = arith.index_cast %add3A_1369 : i32 to index
        %get3A_1405 = arith.constant 32 : index
        %get3A_1406 = tpu.vector_load %get3A_1403[%get3A_1404, %get3A_1405] {strides = array<i32>} : memref<64x128xf32, #tpu.memory_space<vmem>>, vector<16xf32>,
        %get3A_1407 = arith.constant 0 : i32
        %get3A_1408 = arith.constant 0 : i32
        %get3A_1409 = tpu.memref_slice %arg10[%rem3A_82, %get3A_1407, %get3A_1408] : memref<2x64x128xf32, #tpu.memory_space<vmem>> -> memref<1x64x128xf32, #tpu.memory_space<vmem>>
        %get3A_1410 = tpu.memref_squeeze %get3A_1409 : memref<1x64x128xf32, #tpu.memory_space<vmem>> -> memref<64x128xf32, #tpu.memory_space<vmem>>
        %get3A_1411 = arith.index_cast %add3A_1369 : i32 to index
        %get3A_1412 = arith.constant 32 : index
        %get3A_1413 = tpu.vector_load %get3A_1410[%get3A_1411, %get3A_1412] {strides = array<i32>} : memref<64x128xf32, #tpu.memory_space<vmem>>, vector<16xf32>,
        %mul3A_1414 = arith.mulf %get3A_1406, %get3A_1413 : vector<16xf32>
        %get3A_1415 = arith.constant 0 : i32
        %get3A_1416 = arith.constant 0 : i32
        %get3A_1417 = tpu.memref_slice %arg9[%rem3A_82, %get3A_1415, %get3A_1416] : memref<2x64x128xf32, #tpu.memory_space<vmem>> -> memref<1x64x128xf32, #tpu.memory_space<vmem>>
        %get3A_1418 = tpu.memref_squeeze %get3A_1417 : memref<1x64x128xf32, #tpu.memory_space<vmem>> -> memref<64x128xf32, #tpu.memory_space<vmem>>
        %get3A_1419 = arith.index_cast %add3A_1369 : i32 to index
        %get3A_1420 = arith.constant 48 : index
        %get3A_1421 = tpu.vector_load %get3A_1418[%get3A_1419, %get3A_1420] {strides = array<i32>} : memref<64x128xf32, #tpu.memory_space<vmem>>, vector<16xf32>,
        %get3A_1422 = arith.constant 0 : i32
        %get3A_1423 = arith.constant 0 : i32
        %get3A_1424 = tpu.memref_slice %arg10[%rem3A_82, %get3A_1422, %get3A_1423] : memref<2x64x128xf32, #tpu.memory_space<vmem>> -> memref<1x64x128xf32, #tpu.memory_space<vmem>>
        %get3A_1425 = tpu.memref_squeeze %get3A_1424 : memref<1x64x128xf32, #tpu.memory_space<vmem>> -> memref<64x128xf32, #tpu.memory_space<vmem>>
        %get3A_1426 = arith.index_cast %add3A_1369 : i32 to index
        %get3A_1427 = arith.constant 48 : index
        %get3A_1428 = tpu.vector_load %get3A_1425[%get3A_1426, %get3A_1427] {strides = array<i32>} : memref<64x128xf32, #tpu.memory_space<vmem>>, vector<16xf32>,
        %mul3A_1429 = arith.mulf %get3A_1421, %get3A_1428 : vector<16xf32>
        %get3A_1430 = arith.constant 0 : i32
        %get3A_1431 = arith.constant 0 : i32
        %get3A_1432 = tpu.memref_slice %arg9[%rem3A_82, %get3A_1430, %get3A_1431] : memref<2x64x128xf32, #tpu.memory_space<vmem>> -> memref<1x64x128xf32, #tpu.memory_space<vmem>>
        %get3A_1433 = tpu.memref_squeeze %get3A_1432 : memref<1x64x128xf32, #tpu.memory_space<vmem>> -> memref<64x128xf32, #tpu.memory_space<vmem>>
        %get3A_1434 = arith.index_cast %add3A_1369 : i32 to index
        %get3A_1435 = arith.constant 64 : index
        %get3A_1436 = tpu.vector_load %get3A_1433[%get3A_1434, %get3A_1435] {strides = array<i32>} : memref<64x128xf32, #tpu.memory_space<vmem>>, vector<16xf32>,
        %get3A_1437 = arith.constant 0 : i32
        %get3A_1438 = arith.constant 0 : i32
        %get3A_1439 = tpu.memref_slice %arg10[%rem3A_82, %get3A_1437, %get3A_1438] : memref<2x64x128xf32, #tpu.memory_space<vmem>> -> memref<1x64x128xf32, #tpu.memory_space<vmem>>
        %get3A_1440 = tpu.memref_squeeze %get3A_1439 : memref<1x64x128xf32, #tpu.memory_space<vmem>> -> memref<64x128xf32, #tpu.memory_space<vmem>>
        %get3A_1441 = arith.index_cast %add3A_1369 : i32 to index
        %get3A_1442 = arith.constant 64 : index
        %get3A_1443 = tpu.vector_load %get3A_1440[%get3A_1441, %get3A_1442] {strides = array<i32>} : memref<64x128xf32, #tpu.memory_space<vmem>>, vector<16xf32>,
        %mul3A_1444 = arith.mulf %get3A_1436, %get3A_1443 : vector<16xf32>
        %get3A_1445 = arith.constant 0 : i32
        %get3A_1446 = arith.constant 0 : i32
        %get3A_1447 = tpu.memref_slice %arg9[%rem3A_82, %get3A_1445, %get3A_1446] : memref<2x64x128xf32, #tpu.memory_space<vmem>> -> memref<1x64x128xf32, #tpu.memory_space<vmem>>
        %get3A_1448 = tpu.memref_squeeze %get3A_1447 : memref<1x64x128xf32, #tpu.memory_space<vmem>> -> memref<64x128xf32, #tpu.memory_space<vmem>>
        %get3A_1449 = arith.index_cast %add3A_1369 : i32 to index
        %get3A_1450 = arith.constant 80 : index
        %get3A_1451 = tpu.vector_load %get3A_1448[%get3A_1449, %get3A_1450] {strides = array<i32>} : memref<64x128xf32, #tpu.memory_space<vmem>>, vector<16xf32>,
        %get3A_1452 = arith.constant 0 : i32
        %get3A_1453 = arith.constant 0 : i32
        %get3A_1454 = tpu.memref_slice %arg10[%rem3A_82, %get3A_1452, %get3A_1453] : memref<2x64x128xf32, #tpu.memory_space<vmem>> -> memref<1x64x128xf32, #tpu.memory_space<vmem>>
        %get3A_1455 = tpu.memref_squeeze %get3A_1454 : memref<1x64x128xf32, #tpu.memory_space<vmem>> -> memref<64x128xf32, #tpu.memory_space<vmem>>
        %get3A_1456 = arith.index_cast %add3A_1369 : i32 to index
        %get3A_1457 = arith.constant 80 : index
        %get3A_1458 = tpu.vector_load %get3A_1455[%get3A_1456, %get3A_1457] {strides = array<i32>} : memref<64x128xf32, #tpu.memory_space<vmem>>, vector<16xf32>,
        %mul3A_1459 = arith.mulf %get3A_1451, %get3A_1458 : vector<16xf32>
        %get3A_1460 = arith.constant 0 : i32
        %get3A_1461 = arith.constant 0 : i32
        %get3A_1462 = tpu.memref_slice %arg9[%rem3A_82, %get3A_1460, %get3A_1461] : memref<2x64x128xf32, #tpu.memory_space<vmem>> -> memref<1x64x128xf32, #tpu.memory_space<vmem>>
        %get3A_1463 = tpu.memref_squeeze %get3A_1462 : memref<1x64x128xf32, #tpu.memory_space<vmem>> -> memref<64x128xf32, #tpu.memory_space<vmem>>
        %get3A_1464 = arith.index_cast %add3A_1369 : i32 to index
        %get3A_1465 = arith.constant 96 : index
        %get3A_1466 = tpu.vector_load %get3A_1463[%get3A_1464, %get3A_1465] {strides = array<i32>} : memref<64x128xf32, #tpu.memory_space<vmem>>, vector<16xf32>,
        %get3A_1467 = arith.constant 0 : i32
        %get3A_1468 = arith.constant 0 : i32
        %get3A_1469 = tpu.memref_slice %arg10[%rem3A_82, %get3A_1467, %get3A_1468] : memref<2x64x128xf32, #tpu.memory_space<vmem>> -> memref<1x64x128xf32, #tpu.memory_space<vmem>>
        %get3A_1470 = tpu.memref_squeeze %get3A_1469 : memref<1x64x128xf32, #tpu.memory_space<vmem>> -> memref<64x128xf32, #tpu.memory_space<vmem>>
        %get3A_1471 = arith.index_cast %add3A_1369 : i32 to index
        %get3A_1472 = arith.constant 96 : index
        %get3A_1473 = tpu.vector_load %get3A_1470[%get3A_1471, %get3A_1472] {strides = array<i32>} : memref<64x128xf32, #tpu.memory_space<vmem>>, vector<16xf32>,
        %mul3A_1474 = arith.mulf %get3A_1466, %get3A_1473 : vector<16xf32>
        %get3A_1475 = arith.constant 0 : i32
        %get3A_1476 = arith.constant 0 : i32
        %get3A_1477 = tpu.memref_slice %arg9[%rem3A_82, %get3A_1475, %get3A_1476] : memref<2x64x128xf32, #tpu.memory_space<vmem>> -> memref<1x64x128xf32, #tpu.memory_space<vmem>>
        %get3A_1478 = tpu.memref_squeeze %get3A_1477 : memref<1x64x128xf32, #tpu.memory_space<vmem>> -> memref<64x128xf32, #tpu.memory_space<vmem>>
        %get3A_1479 = arith.index_cast %add3A_1369 : i32 to index
        %get3A_1480 = arith.constant 112 : index
        %get3A_1481 = tpu.vector_load %get3A_1478[%get3A_1479, %get3A_1480] {strides = array<i32>} : memref<64x128xf32, #tpu.memory_space<vmem>>, vector<16xf32>,
        %get3A_1482 = arith.constant 0 : i32
        %get3A_1483 = arith.constant 0 : i32
        %get3A_1484 = tpu.memref_slice %arg10[%rem3A_82, %get3A_1482, %get3A_1483] : memref<2x64x128xf32, #tpu.memory_space<vmem>> -> memref<1x64x128xf32, #tpu.memory_space<vmem>>
        %get3A_1485 = tpu.memref_squeeze %get3A_1484 : memref<1x64x128xf32, #tpu.memory_space<vmem>> -> memref<64x128xf32, #tpu.memory_space<vmem>>
        %get3A_1486 = arith.index_cast %add3A_1369 : i32 to index
        %get3A_1487 = arith.constant 112 : index
        %get3A_1488 = tpu.vector_load %get3A_1485[%get3A_1486, %get3A_1487] {strides = array<i32>} : memref<64x128xf32, #tpu.memory_space<vmem>>, vector<16xf32>,
        %mul3A_1489 = arith.mulf %get3A_1481, %get3A_1488 : vector<16xf32>
        %add3A_1490 = arith.addf %mul3A_1384, %mul3A_1399 : vector<16xf32>
        %add3A_1491 = arith.addf %mul3A_1414, %mul3A_1429 : vector<16xf32>
        %add3A_1492 = arith.addf %mul3A_1444, %mul3A_1459 : vector<16xf32>
        %add3A_1493 = arith.addf %mul3A_1474, %mul3A_1489 : vector<16xf32>
        %add3A_1494 = arith.addf %add3A_1490, %add3A_1491 : vector<16xf32>
        %add3A_1495 = arith.addf %add3A_1492, %add3A_1493 : vector<16xf32>
        %add3A_1496 = arith.addf %add3A_1494, %add3A_1495 : vector<16xf32>
        %broadcast_in_dim3A_1497 = arith.constant true
        %broadcast_in_dim3A_1498 = vector.broadcast %broadcast_in_dim3A_1497 : i1 to vector<16xi1>
        %masked_cumsum3A_1499 = tpu.scan <sum>, %add3A_1496 masked %broadcast_in_dim3A_1498 : vector<16xf32>, vector<16xi1> -> vector<16xf32>
        %swap3A_1500 = arith.constant 6 : i32
        %swap3A_1501 = arith.index_cast %swap3A_1500 : i32 to index
        %swap3A_1502 = arith.constant 0 : index
        %swap3A_1503 = tpu.vector_load %arg12[%swap3A_1501, %swap3A_1502] {strides = array<i32>} : memref<16x17xf32, #tpu.memory_space<vmem>>, vector<16xf32>,
        tpu.vector_store %arg12[%swap3A_1501, %swap3A_1502], %masked_cumsum3A_1083 {strides = array<i32>} : memref<16x17xf32, #tpu.memory_space<vmem>>, vector<16xf32>,
        %swap3A_1504 = arith.constant 7 : i32
        %swap3A_1505 = arith.index_cast %swap3A_1504 : i32 to index
        %swap3A_1506 = arith.constant 0 : index
        %swap3A_1507 = tpu.vector_load %arg12[%swap3A_1505, %swap3A_1506] {strides = array<i32>} : memref<16x17xf32, #tpu.memory_space<vmem>>, vector<16xf32>,
        tpu.vector_store %arg12[%swap3A_1505, %swap3A_1506], %masked_cumsum3A_1219 {strides = array<i32>} : memref<16x17xf32, #tpu.memory_space<vmem>>, vector<16xf32>,
        %mul3A_1508 = arith.constant 16 : i32
        %mul3A_1509 = arith.muli %scan3A_117, %mul3A_1508 : i32
        %add3A_1510 = arith.constant 10 : i32
        %add3A_1511 = arith.addi %mul3A_1509, %add3A_1510 : i32
        %add3A_1512 = arith.constant 0 : i32
        %add3A_1513 = arith.addi %add3A_1511, %add3A_1512 : i32
        %get3A_1514 = arith.constant 0 : i32
        %get3A_1515 = arith.constant 0 : i32
        %get3A_1516 = tpu.memref_slice %arg9[%rem3A_82, %get3A_1514, %get3A_1515] : memref<2x64x128xf32, #tpu.memory_space<vmem>> -> memref<1x64x128xf32, #tpu.memory_space<vmem>>
        %get3A_1517 = tpu.memref_squeeze %get3A_1516 : memref<1x64x128xf32, #tpu.memory_space<vmem>> -> memref<64x128xf32, #tpu.memory_space<vmem>>
        %get3A_1518 = arith.index_cast %add3A_1513 : i32 to index
        %get3A_1519 = arith.constant 0 : index
        %get3A_1520 = tpu.vector_load %get3A_1517[%get3A_1518, %get3A_1519] {strides = array<i32>} : memref<64x128xf32, #tpu.memory_space<vmem>>, vector<16xf32>,
        %get3A_1521 = arith.constant 0 : i32
        %get3A_1522 = arith.constant 0 : i32
        %get3A_1523 = tpu.memref_slice %arg10[%rem3A_82, %get3A_1521, %get3A_1522] : memref<2x64x128xf32, #tpu.memory_space<vmem>> -> memref<1x64x128xf32, #tpu.memory_space<vmem>>
        %get3A_1524 = tpu.memref_squeeze %get3A_1523 : memref<1x64x128xf32, #tpu.memory_space<vmem>> -> memref<64x128xf32, #tpu.memory_space<vmem>>
        %get3A_1525 = arith.index_cast %add3A_1513 : i32 to index
        %get3A_1526 = arith.constant 0 : index
        %get3A_1527 = tpu.vector_load %get3A_1524[%get3A_1525, %get3A_1526] {strides = array<i32>} : memref<64x128xf32, #tpu.memory_space<vmem>>, vector<16xf32>,
        %mul3A_1528 = arith.mulf %get3A_1520, %get3A_1527 : vector<16xf32>
        %get3A_1529 = arith.constant 0 : i32
        %get3A_1530 = arith.constant 0 : i32
        %get3A_1531 = tpu.memref_slice %arg9[%rem3A_82, %get3A_1529, %get3A_1530] : memref<2x64x128xf32, #tpu.memory_space<vmem>> -> memref<1x64x128xf32, #tpu.memory_space<vmem>>
        %get3A_1532 = tpu.memref_squeeze %get3A_1531 : memref<1x64x128xf32, #tpu.memory_space<vmem>> -> memref<64x128xf32, #tpu.memory_space<vmem>>
        %get3A_1533 = arith.index_cast %add3A_1513 : i32 to index
        %get3A_1534 = arith.constant 16 : index
        %get3A_1535 = tpu.vector_load %get3A_1532[%get3A_1533, %get3A_1534] {strides = array<i32>} : memref<64x128xf32, #tpu.memory_space<vmem>>, vector<16xf32>,
        %get3A_1536 = arith.constant 0 : i32
        %get3A_1537 = arith.constant 0 : i32
        %get3A_1538 = tpu.memref_slice %arg10[%rem3A_82, %get3A_1536, %get3A_1537] : memref<2x64x128xf32, #tpu.memory_space<vmem>> -> memref<1x64x128xf32, #tpu.memory_space<vmem>>
        %get3A_1539 = tpu.memref_squeeze %get3A_1538 : memref<1x64x128xf32, #tpu.memory_space<vmem>> -> memref<64x128xf32, #tpu.memory_space<vmem>>
        %get3A_1540 = arith.index_cast %add3A_1513 : i32 to index
        %get3A_1541 = arith.constant 16 : index
        %get3A_1542 = tpu.vector_load %get3A_1539[%get3A_1540, %get3A_1541] {strides = array<i32>} : memref<64x128xf32, #tpu.memory_space<vmem>>, vector<16xf32>,
        %mul3A_1543 = arith.mulf %get3A_1535, %get3A_1542 : vector<16xf32>
        %get3A_1544 = arith.constant 0 : i32
        %get3A_1545 = arith.constant 0 : i32
        %get3A_1546 = tpu.memref_slice %arg9[%rem3A_82, %get3A_1544, %get3A_1545] : memref<2x64x128xf32, #tpu.memory_space<vmem>> -> memref<1x64x128xf32, #tpu.memory_space<vmem>>
        %get3A_1547 = tpu.memref_squeeze %get3A_1546 : memref<1x64x128xf32, #tpu.memory_space<vmem>> -> memref<64x128xf32, #tpu.memory_space<vmem>>
        %get3A_1548 = arith.index_cast %add3A_1513 : i32 to index
        %get3A_1549 = arith.constant 32 : index
        %get3A_1550 = tpu.vector_load %get3A_1547[%get3A_1548, %get3A_1549] {strides = array<i32>} : memref<64x128xf32, #tpu.memory_space<vmem>>, vector<16xf32>,
        %get3A_1551 = arith.constant 0 : i32
        %get3A_1552 = arith.constant 0 : i32
        %get3A_1553 = tpu.memref_slice %arg10[%rem3A_82, %get3A_1551, %get3A_1552] : memref<2x64x128xf32, #tpu.memory_space<vmem>> -> memref<1x64x128xf32, #tpu.memory_space<vmem>>
        %get3A_1554 = tpu.memref_squeeze %get3A_1553 : memref<1x64x128xf32, #tpu.memory_space<vmem>> -> memref<64x128xf32, #tpu.memory_space<vmem>>
        %get3A_1555 = arith.index_cast %add3A_1513 : i32 to index
        %get3A_1556 = arith.constant 32 : index
        %get3A_1557 = tpu.vector_load %get3A_1554[%get3A_1555, %get3A_1556] {strides = array<i32>} : memref<64x128xf32, #tpu.memory_space<vmem>>, vector<16xf32>,
        %mul3A_1558 = arith.mulf %get3A_1550, %get3A_1557 : vector<16xf32>
        %get3A_1559 = arith.constant 0 : i32
        %get3A_1560 = arith.constant 0 : i32
        %get3A_1561 = tpu.memref_slice %arg9[%rem3A_82, %get3A_1559, %get3A_1560] : memref<2x64x128xf32, #tpu.memory_space<vmem>> -> memref<1x64x128xf32, #tpu.memory_space<vmem>>
        %get3A_1562 = tpu.memref_squeeze %get3A_1561 : memref<1x64x128xf32, #tpu.memory_space<vmem>> -> memref<64x128xf32, #tpu.memory_space<vmem>>
        %get3A_1563 = arith.index_cast %add3A_1513 : i32 to index
        %get3A_1564 = arith.constant 48 : index
        %get3A_1565 = tpu.vector_load %get3A_1562[%get3A_1563, %get3A_1564] {strides = array<i32>} : memref<64x128xf32, #tpu.memory_space<vmem>>, vector<16xf32>,
        %get3A_1566 = arith.constant 0 : i32
        %get3A_1567 = arith.constant 0 : i32
        %get3A_1568 = tpu.memref_slice %arg10[%rem3A_82, %get3A_1566, %get3A_1567] : memref<2x64x128xf32, #tpu.memory_space<vmem>> -> memref<1x64x128xf32, #tpu.memory_space<vmem>>
        %get3A_1569 = tpu.memref_squeeze %get3A_1568 : memref<1x64x128xf32, #tpu.memory_space<vmem>> -> memref<64x128xf32, #tpu.memory_space<vmem>>
        %get3A_1570 = arith.index_cast %add3A_1513 : i32 to index
        %get3A_1571 = arith.constant 48 : index
        %get3A_1572 = tpu.vector_load %get3A_1569[%get3A_1570, %get3A_1571] {strides = array<i32>} : memref<64x128xf32, #tpu.memory_space<vmem>>, vector<16xf32>,
        %mul3A_1573 = arith.mulf %get3A_1565, %get3A_1572 : vector<16xf32>
        %get3A_1574 = arith.constant 0 : i32
        %get3A_1575 = arith.constant 0 : i32
        %get3A_1576 = tpu.memref_slice %arg9[%rem3A_82, %get3A_1574, %get3A_1575] : memref<2x64x128xf32, #tpu.memory_space<vmem>> -> memref<1x64x128xf32, #tpu.memory_space<vmem>>
        %get3A_1577 = tpu.memref_squeeze %get3A_1576 : memref<1x64x128xf32, #tpu.memory_space<vmem>> -> memref<64x128xf32, #tpu.memory_space<vmem>>
        %get3A_1578 = arith.index_cast %add3A_1513 : i32 to index
        %get3A_1579 = arith.constant 64 : index
        %get3A_1580 = tpu.vector_load %get3A_1577[%get3A_1578, %get3A_1579] {strides = array<i32>} : memref<64x128xf32, #tpu.memory_space<vmem>>, vector<16xf32>,
        %get3A_1581 = arith.constant 0 : i32
        %get3A_1582 = arith.constant 0 : i32
        %get3A_1583 = tpu.memref_slice %arg10[%rem3A_82, %get3A_1581, %get3A_1582] : memref<2x64x128xf32, #tpu.memory_space<vmem>> -> memref<1x64x128xf32, #tpu.memory_space<vmem>>
        %get3A_1584 = tpu.memref_squeeze %get3A_1583 : memref<1x64x128xf32, #tpu.memory_space<vmem>> -> memref<64x128xf32, #tpu.memory_space<vmem>>
        %get3A_1585 = arith.index_cast %add3A_1513 : i32 to index
        %get3A_1586 = arith.constant 64 : index
        %get3A_1587 = tpu.vector_load %get3A_1584[%get3A_1585, %get3A_1586] {strides = array<i32>} : memref<64x128xf32, #tpu.memory_space<vmem>>, vector<16xf32>,
        %mul3A_1588 = arith.mulf %get3A_1580, %get3A_1587 : vector<16xf32>
        %get3A_1589 = arith.constant 0 : i32
        %get3A_1590 = arith.constant 0 : i32
        %get3A_1591 = tpu.memref_slice %arg9[%rem3A_82, %get3A_1589, %get3A_1590] : memref<2x64x128xf32, #tpu.memory_space<vmem>> -> memref<1x64x128xf32, #tpu.memory_space<vmem>>
        %get3A_1592 = tpu.memref_squeeze %get3A_1591 : memref<1x64x128xf32, #tpu.memory_space<vmem>> -> memref<64x128xf32, #tpu.memory_space<vmem>>
        %get3A_1593 = arith.index_cast %add3A_1513 : i32 to index
        %get3A_1594 = arith.constant 80 : index
        %get3A_1595 = tpu.vector_load %get3A_1592[%get3A_1593, %get3A_1594] {strides = array<i32>} : memref<64x128xf32, #tpu.memory_space<vmem>>, vector<16xf32>,
        %get3A_1596 = arith.constant 0 : i32
        %get3A_1597 = arith.constant 0 : i32
        %get3A_1598 = tpu.memref_slice %arg10[%rem3A_82, %get3A_1596, %get3A_1597] : memref<2x64x128xf32, #tpu.memory_space<vmem>> -> memref<1x64x128xf32, #tpu.memory_space<vmem>>
        %get3A_1599 = tpu.memref_squeeze %get3A_1598 : memref<1x64x128xf32, #tpu.memory_space<vmem>> -> memref<64x128xf32, #tpu.memory_space<vmem>>
        %get3A_1600 = arith.index_cast %add3A_1513 : i32 to index
        %get3A_1601 = arith.constant 80 : index
        %get3A_1602 = tpu.vector_load %get3A_1599[%get3A_1600, %get3A_1601] {strides = array<i32>} : memref<64x128xf32, #tpu.memory_space<vmem>>, vector<16xf32>,
        %mul3A_1603 = arith.mulf %get3A_1595, %get3A_1602 : vector<16xf32>
        %get3A_1604 = arith.constant 0 : i32
        %get3A_1605 = arith.constant 0 : i32
        %get3A_1606 = tpu.memref_slice %arg9[%rem3A_82, %get3A_1604, %get3A_1605] : memref<2x64x128xf32, #tpu.memory_space<vmem>> -> memref<1x64x128xf32, #tpu.memory_space<vmem>>
        %get3A_1607 = tpu.memref_squeeze %get3A_1606 : memref<1x64x128xf32, #tpu.memory_space<vmem>> -> memref<64x128xf32, #tpu.memory_space<vmem>>
        %get3A_1608 = arith.index_cast %add3A_1513 : i32 to index
        %get3A_1609 = arith.constant 96 : index
        %get3A_1610 = tpu.vector_load %get3A_1607[%get3A_1608, %get3A_1609] {strides = array<i32>} : memref<64x128xf32, #tpu.memory_space<vmem>>, vector<16xf32>,
        %get3A_1611 = arith.constant 0 : i32
        %get3A_1612 = arith.constant 0 : i32
        %get3A_1613 = tpu.memref_slice %arg10[%rem3A_82, %get3A_1611, %get3A_1612] : memref<2x64x128xf32, #tpu.memory_space<vmem>> -> memref<1x64x128xf32, #tpu.memory_space<vmem>>
        %get3A_1614 = tpu.memref_squeeze %get3A_1613 : memref<1x64x128xf32, #tpu.memory_space<vmem>> -> memref<64x128xf32, #tpu.memory_space<vmem>>
        %get3A_1615 = arith.index_cast %add3A_1513 : i32 to index
        %get3A_1616 = arith.constant 96 : index
        %get3A_1617 = tpu.vector_load %get3A_1614[%get3A_1615, %get3A_1616] {strides = array<i32>} : memref<64x128xf32, #tpu.memory_space<vmem>>, vector<16xf32>,
        %mul3A_1618 = arith.mulf %get3A_1610, %get3A_1617 : vector<16xf32>
        %get3A_1619 = arith.constant 0 : i32
        %get3A_1620 = arith.constant 0 : i32
        %get3A_1621 = tpu.memref_slice %arg9[%rem3A_82, %get3A_1619, %get3A_1620] : memref<2x64x128xf32, #tpu.memory_space<vmem>> -> memref<1x64x128xf32, #tpu.memory_space<vmem>>
        %get3A_1622 = tpu.memref_squeeze %get3A_1621 : memref<1x64x128xf32, #tpu.memory_space<vmem>> -> memref<64x128xf32, #tpu.memory_space<vmem>>
        %get3A_1623 = arith.index_cast %add3A_1513 : i32 to index
        %get3A_1624 = arith.constant 112 : index
        %get3A_1625 = tpu.vector_load %get3A_1622[%get3A_1623, %get3A_1624] {strides = array<i32>} : memref<64x128xf32, #tpu.memory_space<vmem>>, vector<16xf32>,
        %get3A_1626 = arith.constant 0 : i32
        %get3A_1627 = arith.constant 0 : i32
        %get3A_1628 = tpu.memref_slice %arg10[%rem3A_82, %get3A_1626, %get3A_1627] : memref<2x64x128xf32, #tpu.memory_space<vmem>> -> memref<1x64x128xf32, #tpu.memory_space<vmem>>
        %get3A_1629 = tpu.memref_squeeze %get3A_1628 : memref<1x64x128xf32, #tpu.memory_space<vmem>> -> memref<64x128xf32, #tpu.memory_space<vmem>>
        %get3A_1630 = arith.index_cast %add3A_1513 : i32 to index
        %get3A_1631 = arith.constant 112 : index
        %get3A_1632 = tpu.vector_load %get3A_1629[%get3A_1630, %get3A_1631] {strides = array<i32>} : memref<64x128xf32, #tpu.memory_space<vmem>>, vector<16xf32>,
        %mul3A_1633 = arith.mulf %get3A_1625, %get3A_1632 : vector<16xf32>
        %add3A_1634 = arith.addf %mul3A_1528, %mul3A_1543 : vector<16xf32>
        %add3A_1635 = arith.addf %mul3A_1558, %mul3A_1573 : vector<16xf32>
        %add3A_1636 = arith.addf %mul3A_1588, %mul3A_1603 : vector<16xf32>
        %add3A_1637 = arith.addf %mul3A_1618, %mul3A_1633 : vector<16xf32>
        %add3A_1638 = arith.addf %add3A_1634, %add3A_1635 : vector<16xf32>
        %add3A_1639 = arith.addf %add3A_1636, %add3A_1637 : vector<16xf32>
        %add3A_1640 = arith.addf %add3A_1638, %add3A_1639 : vector<16xf32>
        %broadcast_in_dim3A_1641 = arith.constant true
        %broadcast_in_dim3A_1642 = vector.broadcast %broadcast_in_dim3A_1641 : i1 to vector<16xi1>
        %masked_cumsum3A_1643 = tpu.scan <sum>, %add3A_1640 masked %broadcast_in_dim3A_1642 : vector<16xf32>, vector<16xi1> -> vector<16xf32>
        %mul3A_1644 = arith.constant 16 : i32
        %mul3A_1645 = arith.muli %scan3A_117, %mul3A_1644 : i32
        %add3A_1646 = arith.constant 10 : i32
        %add3A_1647 = arith.addi %mul3A_1645, %add3A_1646 : i32
        %add3A_1648 = arith.constant 1 : i32
        %add3A_1649 = arith.addi %add3A_1647, %add3A_1648 : i32
        %get3A_1650 = arith.constant 0 : i32
        %get3A_1651 = arith.constant 0 : i32
        %get3A_1652 = tpu.memref_slice %arg9[%rem3A_82, %get3A_1650, %get3A_1651] : memref<2x64x128xf32, #tpu.memory_space<vmem>> -> memref<1x64x128xf32, #tpu.memory_space<vmem>>
        %get3A_1653 = tpu.memref_squeeze %get3A_1652 : memref<1x64x128xf32, #tpu.memory_space<vmem>> -> memref<64x128xf32, #tpu.memory_space<vmem>>
        %get3A_1654 = arith.index_cast %add3A_1649 : i32 to index
        %get3A_1655 = arith.constant 0 : index
        %get3A_1656 = tpu.vector_load %get3A_1653[%get3A_1654, %get3A_1655] {strides = array<i32>} : memref<64x128xf32, #tpu.memory_space<vmem>>, vector<16xf32>,
        %get3A_1657 = arith.constant 0 : i32
        %get3A_1658 = arith.constant 0 : i32
        %get3A_1659 = tpu.memref_slice %arg10[%rem3A_82, %get3A_1657, %get3A_1658] : memref<2x64x128xf32, #tpu.memory_space<vmem>> -> memref<1x64x128xf32, #tpu.memory_space<vmem>>
        %get3A_1660 = tpu.memref_squeeze %get3A_1659 : memref<1x64x128xf32, #tpu.memory_space<vmem>> -> memref<64x128xf32, #tpu.memory_space<vmem>>
        %get3A_1661 = arith.index_cast %add3A_1649 : i32 to index
        %get3A_1662 = arith.constant 0 : index
        %get3A_1663 = tpu.vector_load %get3A_1660[%get3A_1661, %get3A_1662] {strides = array<i32>} : memref<64x128xf32, #tpu.memory_space<vmem>>, vector<16xf32>,
        %mul3A_1664 = arith.mulf %get3A_1656, %get3A_1663 : vector<16xf32>
        %get3A_1665 = arith.constant 0 : i32
        %get3A_1666 = arith.constant 0 : i32
        %get3A_1667 = tpu.memref_slice %arg9[%rem3A_82, %get3A_1665, %get3A_1666] : memref<2x64x128xf32, #tpu.memory_space<vmem>> -> memref<1x64x128xf32, #tpu.memory_space<vmem>>
        %get3A_1668 = tpu.memref_squeeze %get3A_1667 : memref<1x64x128xf32, #tpu.memory_space<vmem>> -> memref<64x128xf32, #tpu.memory_space<vmem>>
        %get3A_1669 = arith.index_cast %add3A_1649 : i32 to index
        %get3A_1670 = arith.constant 16 : index
        %get3A_1671 = tpu.vector_load %get3A_1668[%get3A_1669, %get3A_1670] {strides = array<i32>} : memref<64x128xf32, #tpu.memory_space<vmem>>, vector<16xf32>,
        %get3A_1672 = arith.constant 0 : i32
        %get3A_1673 = arith.constant 0 : i32
        %get3A_1674 = tpu.memref_slice %arg10[%rem3A_82, %get3A_1672, %get3A_1673] : memref<2x64x128xf32, #tpu.memory_space<vmem>> -> memref<1x64x128xf32, #tpu.memory_space<vmem>>
        %get3A_1675 = tpu.memref_squeeze %get3A_1674 : memref<1x64x128xf32, #tpu.memory_space<vmem>> -> memref<64x128xf32, #tpu.memory_space<vmem>>
        %get3A_1676 = arith.index_cast %add3A_1649 : i32 to index
        %get3A_1677 = arith.constant 16 : index
        %get3A_1678 = tpu.vector_load %get3A_1675[%get3A_1676, %get3A_1677] {strides = array<i32>} : memref<64x128xf32, #tpu.memory_space<vmem>>, vector<16xf32>,
        %mul3A_1679 = arith.mulf %get3A_1671, %get3A_1678 : vector<16xf32>
        %get3A_1680 = arith.constant 0 : i32
        %get3A_1681 = arith.constant 0 : i32
        %get3A_1682 = tpu.memref_slice %arg9[%rem3A_82, %get3A_1680, %get3A_1681] : memref<2x64x128xf32, #tpu.memory_space<vmem>> -> memref<1x64x128xf32, #tpu.memory_space<vmem>>
        %get3A_1683 = tpu.memref_squeeze %get3A_1682 : memref<1x64x128xf32, #tpu.memory_space<vmem>> -> memref<64x128xf32, #tpu.memory_space<vmem>>
        %get3A_1684 = arith.index_cast %add3A_1649 : i32 to index
        %get3A_1685 = arith.constant 32 : index
        %get3A_1686 = tpu.vector_load %get3A_1683[%get3A_1684, %get3A_1685] {strides = array<i32>} : memref<64x128xf32, #tpu.memory_space<vmem>>, vector<16xf32>,
        %get3A_1687 = arith.constant 0 : i32
        %get3A_1688 = arith.constant 0 : i32
        %get3A_1689 = tpu.memref_slice %arg10[%rem3A_82, %get3A_1687, %get3A_1688] : memref<2x64x128xf32, #tpu.memory_space<vmem>> -> memref<1x64x128xf32, #tpu.memory_space<vmem>>
        %get3A_1690 = tpu.memref_squeeze %get3A_1689 : memref<1x64x128xf32, #tpu.memory_space<vmem>> -> memref<64x128xf32, #tpu.memory_space<vmem>>
        %get3A_1691 = arith.index_cast %add3A_1649 : i32 to index
        %get3A_1692 = arith.constant 32 : index
        %get3A_1693 = tpu.vector_load %get3A_1690[%get3A_1691, %get3A_1692] {strides = array<i32>} : memref<64x128xf32, #tpu.memory_space<vmem>>, vector<16xf32>,
        %mul3A_1694 = arith.mulf %get3A_1686, %get3A_1693 : vector<16xf32>
        %get3A_1695 = arith.constant 0 : i32
        %get3A_1696 = arith.constant 0 : i32
        %get3A_1697 = tpu.memref_slice %arg9[%rem3A_82, %get3A_1695, %get3A_1696] : memref<2x64x128xf32, #tpu.memory_space<vmem>> -> memref<1x64x128xf32, #tpu.memory_space<vmem>>
        %get3A_1698 = tpu.memref_squeeze %get3A_1697 : memref<1x64x128xf32, #tpu.memory_space<vmem>> -> memref<64x128xf32, #tpu.memory_space<vmem>>
        %get3A_1699 = arith.index_cast %add3A_1649 : i32 to index
        %get3A_1700 = arith.constant 48 : index
        %get3A_1701 = tpu.vector_load %get3A_1698[%get3A_1699, %get3A_1700] {strides = array<i32>} : memref<64x128xf32, #tpu.memory_space<vmem>>, vector<16xf32>,
        %get3A_1702 = arith.constant 0 : i32
        %get3A_1703 = arith.constant 0 : i32
        %get3A_1704 = tpu.memref_slice %arg10[%rem3A_82, %get3A_1702, %get3A_1703] : memref<2x64x128xf32, #tpu.memory_space<vmem>> -> memref<1x64x128xf32, #tpu.memory_space<vmem>>
        %get3A_1705 = tpu.memref_squeeze %get3A_1704 : memref<1x64x128xf32, #tpu.memory_space<vmem>> -> memref<64x128xf32, #tpu.memory_space<vmem>>
        %get3A_1706 = arith.index_cast %add3A_1649 : i32 to index
        %get3A_1707 = arith.constant 48 : index
        %get3A_1708 = tpu.vector_load %get3A_1705[%get3A_1706, %get3A_1707] {strides = array<i32>} : memref<64x128xf32, #tpu.memory_space<vmem>>, vector<16xf32>,
        %mul3A_1709 = arith.mulf %get3A_1701, %get3A_1708 : vector<16xf32>
        %get3A_1710 = arith.constant 0 : i32
        %get3A_1711 = arith.constant 0 : i32
        %get3A_1712 = tpu.memref_slice %arg9[%rem3A_82, %get3A_1710, %get3A_1711] : memref<2x64x128xf32, #tpu.memory_space<vmem>> -> memref<1x64x128xf32, #tpu.memory_space<vmem>>
        %get3A_1713 = tpu.memref_squeeze %get3A_1712 : memref<1x64x128xf32, #tpu.memory_space<vmem>> -> memref<64x128xf32, #tpu.memory_space<vmem>>
        %get3A_1714 = arith.index_cast %add3A_1649 : i32 to index
        %get3A_1715 = arith.constant 64 : index
        %get3A_1716 = tpu.vector_load %get3A_1713[%get3A_1714, %get3A_1715] {strides = array<i32>} : memref<64x128xf32, #tpu.memory_space<vmem>>, vector<16xf32>,
        %get3A_1717 = arith.constant 0 : i32
        %get3A_1718 = arith.constant 0 : i32
        %get3A_1719 = tpu.memref_slice %arg10[%rem3A_82, %get3A_1717, %get3A_1718] : memref<2x64x128xf32, #tpu.memory_space<vmem>> -> memref<1x64x128xf32, #tpu.memory_space<vmem>>
        %get3A_1720 = tpu.memref_squeeze %get3A_1719 : memref<1x64x128xf32, #tpu.memory_space<vmem>> -> memref<64x128xf32, #tpu.memory_space<vmem>>
        %get3A_1721 = arith.index_cast %add3A_1649 : i32 to index
        %get3A_1722 = arith.constant 64 : index
        %get3A_1723 = tpu.vector_load %get3A_1720[%get3A_1721, %get3A_1722] {strides = array<i32>} : memref<64x128xf32, #tpu.memory_space<vmem>>, vector<16xf32>,
        %mul3A_1724 = arith.mulf %get3A_1716, %get3A_1723 : vector<16xf32>
        %get3A_1725 = arith.constant 0 : i32
        %get3A_1726 = arith.constant 0 : i32
        %get3A_1727 = tpu.memref_slice %arg9[%rem3A_82, %get3A_1725, %get3A_1726] : memref<2x64x128xf32, #tpu.memory_space<vmem>> -> memref<1x64x128xf32, #tpu.memory_space<vmem>>
        %get3A_1728 = tpu.memref_squeeze %get3A_1727 : memref<1x64x128xf32, #tpu.memory_space<vmem>> -> memref<64x128xf32, #tpu.memory_space<vmem>>
        %get3A_1729 = arith.index_cast %add3A_1649 : i32 to index
        %get3A_1730 = arith.constant 80 : index
        %get3A_1731 = tpu.vector_load %get3A_1728[%get3A_1729, %get3A_1730] {strides = array<i32>} : memref<64x128xf32, #tpu.memory_space<vmem>>, vector<16xf32>,
        %get3A_1732 = arith.constant 0 : i32
        %get3A_1733 = arith.constant 0 : i32
        %get3A_1734 = tpu.memref_slice %arg10[%rem3A_82, %get3A_1732, %get3A_1733] : memref<2x64x128xf32, #tpu.memory_space<vmem>> -> memref<1x64x128xf32, #tpu.memory_space<vmem>>
        %get3A_1735 = tpu.memref_squeeze %get3A_1734 : memref<1x64x128xf32, #tpu.memory_space<vmem>> -> memref<64x128xf32, #tpu.memory_space<vmem>>
        %get3A_1736 = arith.index_cast %add3A_1649 : i32 to index
        %get3A_1737 = arith.constant 80 : index
        %get3A_1738 = tpu.vector_load %get3A_1735[%get3A_1736, %get3A_1737] {strides = array<i32>} : memref<64x128xf32, #tpu.memory_space<vmem>>, vector<16xf32>,
        %mul3A_1739 = arith.mulf %get3A_1731, %get3A_1738 : vector<16xf32>
        %get3A_1740 = arith.constant 0 : i32
        %get3A_1741 = arith.constant 0 : i32
        %get3A_1742 = tpu.memref_slice %arg9[%rem3A_82, %get3A_1740, %get3A_1741] : memref<2x64x128xf32, #tpu.memory_space<vmem>> -> memref<1x64x128xf32, #tpu.memory_space<vmem>>
        %get3A_1743 = tpu.memref_squeeze %get3A_1742 : memref<1x64x128xf32, #tpu.memory_space<vmem>> -> memref<64x128xf32, #tpu.memory_space<vmem>>
        %get3A_1744 = arith.index_cast %add3A_1649 : i32 to index
        %get3A_1745 = arith.constant 96 : index
        %get3A_1746 = tpu.vector_load %get3A_1743[%get3A_1744, %get3A_1745] {strides = array<i32>} : memref<64x128xf32, #tpu.memory_space<vmem>>, vector<16xf32>,
        %get3A_1747 = arith.constant 0 : i32
        %get3A_1748 = arith.constant 0 : i32
        %get3A_1749 = tpu.memref_slice %arg10[%rem3A_82, %get3A_1747, %get3A_1748] : memref<2x64x128xf32, #tpu.memory_space<vmem>> -> memref<1x64x128xf32, #tpu.memory_space<vmem>>
        %get3A_1750 = tpu.memref_squeeze %get3A_1749 : memref<1x64x128xf32, #tpu.memory_space<vmem>> -> memref<64x128xf32, #tpu.memory_space<vmem>>
        %get3A_1751 = arith.index_cast %add3A_1649 : i32 to index
        %get3A_1752 = arith.constant 96 : index
        %get3A_1753 = tpu.vector_load %get3A_1750[%get3A_1751, %get3A_1752] {strides = array<i32>} : memref<64x128xf32, #tpu.memory_space<vmem>>, vector<16xf32>,
        %mul3A_1754 = arith.mulf %get3A_1746, %get3A_1753 : vector<16xf32>
        %get3A_1755 = arith.constant 0 : i32
        %get3A_1756 = arith.constant 0 : i32
        %get3A_1757 = tpu.memref_slice %arg9[%rem3A_82, %get3A_1755, %get3A_1756] : memref<2x64x128xf32, #tpu.memory_space<vmem>> -> memref<1x64x128xf32, #tpu.memory_space<vmem>>
        %get3A_1758 = tpu.memref_squeeze %get3A_1757 : memref<1x64x128xf32, #tpu.memory_space<vmem>> -> memref<64x128xf32, #tpu.memory_space<vmem>>
        %get3A_1759 = arith.index_cast %add3A_1649 : i32 to index
        %get3A_1760 = arith.constant 112 : index
        %get3A_1761 = tpu.vector_load %get3A_1758[%get3A_1759, %get3A_1760] {strides = array<i32>} : memref<64x128xf32, #tpu.memory_space<vmem>>, vector<16xf32>,
        %get3A_1762 = arith.constant 0 : i32
        %get3A_1763 = arith.constant 0 : i32
        %get3A_1764 = tpu.memref_slice %arg10[%rem3A_82, %get3A_1762, %get3A_1763] : memref<2x64x128xf32, #tpu.memory_space<vmem>> -> memref<1x64x128xf32, #tpu.memory_space<vmem>>
        %get3A_1765 = tpu.memref_squeeze %get3A_1764 : memref<1x64x128xf32, #tpu.memory_space<vmem>> -> memref<64x128xf32, #tpu.memory_space<vmem>>
        %get3A_1766 = arith.index_cast %add3A_1649 : i32 to index
        %get3A_1767 = arith.constant 112 : index
        %get3A_1768 = tpu.vector_load %get3A_1765[%get3A_1766, %get3A_1767] {strides = array<i32>} : memref<64x128xf32, #tpu.memory_space<vmem>>, vector<16xf32>,
        %mul3A_1769 = arith.mulf %get3A_1761, %get3A_1768 : vector<16xf32>
        %add3A_1770 = arith.addf %mul3A_1664, %mul3A_1679 : vector<16xf32>
        %add3A_1771 = arith.addf %mul3A_1694, %mul3A_1709 : vector<16xf32>
        %add3A_1772 = arith.addf %mul3A_1724, %mul3A_1739 : vector<16xf32>
        %add3A_1773 = arith.addf %mul3A_1754, %mul3A_1769 : vector<16xf32>
        %add3A_1774 = arith.addf %add3A_1770, %add3A_1771 : vector<16xf32>
        %add3A_1775 = arith.addf %add3A_1772, %add3A_1773 : vector<16xf32>
        %add3A_1776 = arith.addf %add3A_1774, %add3A_1775 : vector<16xf32>
        %broadcast_in_dim3A_1777 = arith.constant true
        %broadcast_in_dim3A_1778 = vector.broadcast %broadcast_in_dim3A_1777 : i1 to vector<16xi1>
        %masked_cumsum3A_1779 = tpu.scan <sum>, %add3A_1776 masked %broadcast_in_dim3A_1778 : vector<16xf32>, vector<16xi1> -> vector<16xf32>
        %swap3A_1780 = arith.constant 8 : i32
        %swap3A_1781 = arith.index_cast %swap3A_1780 : i32 to index
        %swap3A_1782 = arith.constant 0 : index
        %swap3A_1783 = tpu.vector_load %arg12[%swap3A_1781, %swap3A_1782] {strides = array<i32>} : memref<16x17xf32, #tpu.memory_space<vmem>>, vector<16xf32>,
        tpu.vector_store %arg12[%swap3A_1781, %swap3A_1782], %masked_cumsum3A_1363 {strides = array<i32>} : memref<16x17xf32, #tpu.memory_space<vmem>>, vector<16xf32>,
        %swap3A_1784 = arith.constant 9 : i32
        %swap3A_1785 = arith.index_cast %swap3A_1784 : i32 to index
        %swap3A_1786 = arith.constant 0 : index
        %swap3A_1787 = tpu.vector_load %arg12[%swap3A_1785, %swap3A_1786] {strides = array<i32>} : memref<16x17xf32, #tpu.memory_space<vmem>>, vector<16xf32>,
        tpu.vector_store %arg12[%swap3A_1785, %swap3A_1786], %masked_cumsum3A_1499 {strides = array<i32>} : memref<16x17xf32, #tpu.memory_space<vmem>>, vector<16xf32>,
        %mul3A_1788 = arith.constant 16 : i32
        %mul3A_1789 = arith.muli %scan3A_117, %mul3A_1788 : i32
        %add3A_1790 = arith.constant 12 : i32
        %add3A_1791 = arith.addi %mul3A_1789, %add3A_1790 : i32
        %add3A_1792 = arith.constant 0 : i32
        %add3A_1793 = arith.addi %add3A_1791, %add3A_1792 : i32
        %get3A_1794 = arith.constant 0 : i32
        %get3A_1795 = arith.constant 0 : i32
        %get3A_1796 = tpu.memref_slice %arg9[%rem3A_82, %get3A_1794, %get3A_1795] : memref<2x64x128xf32, #tpu.memory_space<vmem>> -> memref<1x64x128xf32, #tpu.memory_space<vmem>>
        %get3A_1797 = tpu.memref_squeeze %get3A_1796 : memref<1x64x128xf32, #tpu.memory_space<vmem>> -> memref<64x128xf32, #tpu.memory_space<vmem>>
        %get3A_1798 = arith.index_cast %add3A_1793 : i32 to index
        %get3A_1799 = arith.constant 0 : index
        %get3A_1800 = tpu.vector_load %get3A_1797[%get3A_1798, %get3A_1799] {strides = array<i32>} : memref<64x128xf32, #tpu.memory_space<vmem>>, vector<16xf32>,
        %get3A_1801 = arith.constant 0 : i32
        %get3A_1802 = arith.constant 0 : i32
        %get3A_1803 = tpu.memref_slice %arg10[%rem3A_82, %get3A_1801, %get3A_1802] : memref<2x64x128xf32, #tpu.memory_space<vmem>> -> memref<1x64x128xf32, #tpu.memory_space<vmem>>
        %get3A_1804 = tpu.memref_squeeze %get3A_1803 : memref<1x64x128xf32, #tpu.memory_space<vmem>> -> memref<64x128xf32, #tpu.memory_space<vmem>>
        %get3A_1805 = arith.index_cast %add3A_1793 : i32 to index
        %get3A_1806 = arith.constant 0 : index
        %get3A_1807 = tpu.vector_load %get3A_1804[%get3A_1805, %get3A_1806] {strides = array<i32>} : memref<64x128xf32, #tpu.memory_space<vmem>>, vector<16xf32>,
        %mul3A_1808 = arith.mulf %get3A_1800, %get3A_1807 : vector<16xf32>
        %get3A_1809 = arith.constant 0 : i32
        %get3A_1810 = arith.constant 0 : i32
        %get3A_1811 = tpu.memref_slice %arg9[%rem3A_82, %get3A_1809, %get3A_1810] : memref<2x64x128xf32, #tpu.memory_space<vmem>> -> memref<1x64x128xf32, #tpu.memory_space<vmem>>
        %get3A_1812 = tpu.memref_squeeze %get3A_1811 : memref<1x64x128xf32, #tpu.memory_space<vmem>> -> memref<64x128xf32, #tpu.memory_space<vmem>>
        %get3A_1813 = arith.index_cast %add3A_1793 : i32 to index
        %get3A_1814 = arith.constant 16 : index
        %get3A_1815 = tpu.vector_load %get3A_1812[%get3A_1813, %get3A_1814] {strides = array<i32>} : memref<64x128xf32, #tpu.memory_space<vmem>>, vector<16xf32>,
        %get3A_1816 = arith.constant 0 : i32
        %get3A_1817 = arith.constant 0 : i32
        %get3A_1818 = tpu.memref_slice %arg10[%rem3A_82, %get3A_1816, %get3A_1817] : memref<2x64x128xf32, #tpu.memory_space<vmem>> -> memref<1x64x128xf32, #tpu.memory_space<vmem>>
        %get3A_1819 = tpu.memref_squeeze %get3A_1818 : memref<1x64x128xf32, #tpu.memory_space<vmem>> -> memref<64x128xf32, #tpu.memory_space<vmem>>
        %get3A_1820 = arith.index_cast %add3A_1793 : i32 to index
        %get3A_1821 = arith.constant 16 : index
        %get3A_1822 = tpu.vector_load %get3A_1819[%get3A_1820, %get3A_1821] {strides = array<i32>} : memref<64x128xf32, #tpu.memory_space<vmem>>, vector<16xf32>,
        %mul3A_1823 = arith.mulf %get3A_1815, %get3A_1822 : vector<16xf32>
        %get3A_1824 = arith.constant 0 : i32
        %get3A_1825 = arith.constant 0 : i32
        %get3A_1826 = tpu.memref_slice %arg9[%rem3A_82, %get3A_1824, %get3A_1825] : memref<2x64x128xf32, #tpu.memory_space<vmem>> -> memref<1x64x128xf32, #tpu.memory_space<vmem>>
        %get3A_1827 = tpu.memref_squeeze %get3A_1826 : memref<1x64x128xf32, #tpu.memory_space<vmem>> -> memref<64x128xf32, #tpu.memory_space<vmem>>
        %get3A_1828 = arith.index_cast %add3A_1793 : i32 to index
        %get3A_1829 = arith.constant 32 : index
        %get3A_1830 = tpu.vector_load %get3A_1827[%get3A_1828, %get3A_1829] {strides = array<i32>} : memref<64x128xf32, #tpu.memory_space<vmem>>, vector<16xf32>,
        %get3A_1831 = arith.constant 0 : i32
        %get3A_1832 = arith.constant 0 : i32
        %get3A_1833 = tpu.memref_slice %arg10[%rem3A_82, %get3A_1831, %get3A_1832] : memref<2x64x128xf32, #tpu.memory_space<vmem>> -> memref<1x64x128xf32, #tpu.memory_space<vmem>>
        %get3A_1834 = tpu.memref_squeeze %get3A_1833 : memref<1x64x128xf32, #tpu.memory_space<vmem>> -> memref<64x128xf32, #tpu.memory_space<vmem>>
        %get3A_1835 = arith.index_cast %add3A_1793 : i32 to index
        %get3A_1836 = arith.constant 32 : index
        %get3A_1837 = tpu.vector_load %get3A_1834[%get3A_1835, %get3A_1836] {strides = array<i32>} : memref<64x128xf32, #tpu.memory_space<vmem>>, vector<16xf32>,
        %mul3A_1838 = arith.mulf %get3A_1830, %get3A_1837 : vector<16xf32>
        %get3A_1839 = arith.constant 0 : i32
        %get3A_1840 = arith.constant 0 : i32
        %get3A_1841 = tpu.memref_slice %arg9[%rem3A_82, %get3A_1839, %get3A_1840] : memref<2x64x128xf32, #tpu.memory_space<vmem>> -> memref<1x64x128xf32, #tpu.memory_space<vmem>>
        %get3A_1842 = tpu.memref_squeeze %get3A_1841 : memref<1x64x128xf32, #tpu.memory_space<vmem>> -> memref<64x128xf32, #tpu.memory_space<vmem>>
        %get3A_1843 = arith.index_cast %add3A_1793 : i32 to index
        %get3A_1844 = arith.constant 48 : index
        %get3A_1845 = tpu.vector_load %get3A_1842[%get3A_1843, %get3A_1844] {strides = array<i32>} : memref<64x128xf32, #tpu.memory_space<vmem>>, vector<16xf32>,
        %get3A_1846 = arith.constant 0 : i32
        %get3A_1847 = arith.constant 0 : i32
        %get3A_1848 = tpu.memref_slice %arg10[%rem3A_82, %get3A_1846, %get3A_1847] : memref<2x64x128xf32, #tpu.memory_space<vmem>> -> memref<1x64x128xf32, #tpu.memory_space<vmem>>
        %get3A_1849 = tpu.memref_squeeze %get3A_1848 : memref<1x64x128xf32, #tpu.memory_space<vmem>> -> memref<64x128xf32, #tpu.memory_space<vmem>>
        %get3A_1850 = arith.index_cast %add3A_1793 : i32 to index
        %get3A_1851 = arith.constant 48 : index
        %get3A_1852 = tpu.vector_load %get3A_1849[%get3A_1850, %get3A_1851] {strides = array<i32>} : memref<64x128xf32, #tpu.memory_space<vmem>>, vector<16xf32>,
        %mul3A_1853 = arith.mulf %get3A_1845, %get3A_1852 : vector<16xf32>
        %get3A_1854 = arith.constant 0 : i32
        %get3A_1855 = arith.constant 0 : i32
        %get3A_1856 = tpu.memref_slice %arg9[%rem3A_82, %get3A_1854, %get3A_1855] : memref<2x64x128xf32, #tpu.memory_space<vmem>> -> memref<1x64x128xf32, #tpu.memory_space<vmem>>
        %get3A_1857 = tpu.memref_squeeze %get3A_1856 : memref<1x64x128xf32, #tpu.memory_space<vmem>> -> memref<64x128xf32, #tpu.memory_space<vmem>>
        %get3A_1858 = arith.index_cast %add3A_1793 : i32 to index
        %get3A_1859 = arith.constant 64 : index
        %get3A_1860 = tpu.vector_load %get3A_1857[%get3A_1858, %get3A_1859] {strides = array<i32>} : memref<64x128xf32, #tpu.memory_space<vmem>>, vector<16xf32>,
        %get3A_1861 = arith.constant 0 : i32
        %get3A_1862 = arith.constant 0 : i32
        %get3A_1863 = tpu.memref_slice %arg10[%rem3A_82, %get3A_1861, %get3A_1862] : memref<2x64x128xf32, #tpu.memory_space<vmem>> -> memref<1x64x128xf32, #tpu.memory_space<vmem>>
        %get3A_1864 = tpu.memref_squeeze %get3A_1863 : memref<1x64x128xf32, #tpu.memory_space<vmem>> -> memref<64x128xf32, #tpu.memory_space<vmem>>
        %get3A_1865 = arith.index_cast %add3A_1793 : i32 to index
        %get3A_1866 = arith.constant 64 : index
        %get3A_1867 = tpu.vector_load %get3A_1864[%get3A_1865, %get3A_1866] {strides = array<i32>} : memref<64x128xf32, #tpu.memory_space<vmem>>, vector<16xf32>,
        %mul3A_1868 = arith.mulf %get3A_1860, %get3A_1867 : vector<16xf32>
        %get3A_1869 = arith.constant 0 : i32
        %get3A_1870 = arith.constant 0 : i32
        %get3A_1871 = tpu.memref_slice %arg9[%rem3A_82, %get3A_1869, %get3A_1870] : memref<2x64x128xf32, #tpu.memory_space<vmem>> -> memref<1x64x128xf32, #tpu.memory_space<vmem>>
        %get3A_1872 = tpu.memref_squeeze %get3A_1871 : memref<1x64x128xf32, #tpu.memory_space<vmem>> -> memref<64x128xf32, #tpu.memory_space<vmem>>
        %get3A_1873 = arith.index_cast %add3A_1793 : i32 to index
        %get3A_1874 = arith.constant 80 : index
        %get3A_1875 = tpu.vector_load %get3A_1872[%get3A_1873, %get3A_1874] {strides = array<i32>} : memref<64x128xf32, #tpu.memory_space<vmem>>, vector<16xf32>,
        %get3A_1876 = arith.constant 0 : i32
        %get3A_1877 = arith.constant 0 : i32
        %get3A_1878 = tpu.memref_slice %arg10[%rem3A_82, %get3A_1876, %get3A_1877] : memref<2x64x128xf32, #tpu.memory_space<vmem>> -> memref<1x64x128xf32, #tpu.memory_space<vmem>>
        %get3A_1879 = tpu.memref_squeeze %get3A_1878 : memref<1x64x128xf32, #tpu.memory_space<vmem>> -> memref<64x128xf32, #tpu.memory_space<vmem>>
        %get3A_1880 = arith.index_cast %add3A_1793 : i32 to index
        %get3A_1881 = arith.constant 80 : index
        %get3A_1882 = tpu.vector_load %get3A_1879[%get3A_1880, %get3A_1881] {strides = array<i32>} : memref<64x128xf32, #tpu.memory_space<vmem>>, vector<16xf32>,
        %mul3A_1883 = arith.mulf %get3A_1875, %get3A_1882 : vector<16xf32>
        %get3A_1884 = arith.constant 0 : i32
        %get3A_1885 = arith.constant 0 : i32
        %get3A_1886 = tpu.memref_slice %arg9[%rem3A_82, %get3A_1884, %get3A_1885] : memref<2x64x128xf32, #tpu.memory_space<vmem>> -> memref<1x64x128xf32, #tpu.memory_space<vmem>>
        %get3A_1887 = tpu.memref_squeeze %get3A_1886 : memref<1x64x128xf32, #tpu.memory_space<vmem>> -> memref<64x128xf32, #tpu.memory_space<vmem>>
        %get3A_1888 = arith.index_cast %add3A_1793 : i32 to index
        %get3A_1889 = arith.constant 96 : index
        %get3A_1890 = tpu.vector_load %get3A_1887[%get3A_1888, %get3A_1889] {strides = array<i32>} : memref<64x128xf32, #tpu.memory_space<vmem>>, vector<16xf32>,
        %get3A_1891 = arith.constant 0 : i32
        %get3A_1892 = arith.constant 0 : i32
        %get3A_1893 = tpu.memref_slice %arg10[%rem3A_82, %get3A_1891, %get3A_1892] : memref<2x64x128xf32, #tpu.memory_space<vmem>> -> memref<1x64x128xf32, #tpu.memory_space<vmem>>
        %get3A_1894 = tpu.memref_squeeze %get3A_1893 : memref<1x64x128xf32, #tpu.memory_space<vmem>> -> memref<64x128xf32, #tpu.memory_space<vmem>>
        %get3A_1895 = arith.index_cast %add3A_1793 : i32 to index
        %get3A_1896 = arith.constant 96 : index
        %get3A_1897 = tpu.vector_load %get3A_1894[%get3A_1895, %get3A_1896] {strides = array<i32>} : memref<64x128xf32, #tpu.memory_space<vmem>>, vector<16xf32>,
        %mul3A_1898 = arith.mulf %get3A_1890, %get3A_1897 : vector<16xf32>
        %get3A_1899 = arith.constant 0 : i32
        %get3A_1900 = arith.constant 0 : i32
        %get3A_1901 = tpu.memref_slice %arg9[%rem3A_82, %get3A_1899, %get3A_1900] : memref<2x64x128xf32, #tpu.memory_space<vmem>> -> memref<1x64x128xf32, #tpu.memory_space<vmem>>
        %get3A_1902 = tpu.memref_squeeze %get3A_1901 : memref<1x64x128xf32, #tpu.memory_space<vmem>> -> memref<64x128xf32, #tpu.memory_space<vmem>>
        %get3A_1903 = arith.index_cast %add3A_1793 : i32 to index
        %get3A_1904 = arith.constant 112 : index
        %get3A_1905 = tpu.vector_load %get3A_1902[%get3A_1903, %get3A_1904] {strides = array<i32>} : memref<64x128xf32, #tpu.memory_space<vmem>>, vector<16xf32>,
        %get3A_1906 = arith.constant 0 : i32
        %get3A_1907 = arith.constant 0 : i32
        %get3A_1908 = tpu.memref_slice %arg10[%rem3A_82, %get3A_1906, %get3A_1907] : memref<2x64x128xf32, #tpu.memory_space<vmem>> -> memref<1x64x128xf32, #tpu.memory_space<vmem>>
        %get3A_1909 = tpu.memref_squeeze %get3A_1908 : memref<1x64x128xf32, #tpu.memory_space<vmem>> -> memref<64x128xf32, #tpu.memory_space<vmem>>
        %get3A_1910 = arith.index_cast %add3A_1793 : i32 to index
        %get3A_1911 = arith.constant 112 : index
        %get3A_1912 = tpu.vector_load %get3A_1909[%get3A_1910, %get3A_1911] {strides = array<i32>} : memref<64x128xf32, #tpu.memory_space<vmem>>, vector<16xf32>,
        %mul3A_1913 = arith.mulf %get3A_1905, %get3A_1912 : vector<16xf32>
        %add3A_1914 = arith.addf %mul3A_1808, %mul3A_1823 : vector<16xf32>
        %add3A_1915 = arith.addf %mul3A_1838, %mul3A_1853 : vector<16xf32>
        %add3A_1916 = arith.addf %mul3A_1868, %mul3A_1883 : vector<16xf32>
        %add3A_1917 = arith.addf %mul3A_1898, %mul3A_1913 : vector<16xf32>
        %add3A_1918 = arith.addf %add3A_1914, %add3A_1915 : vector<16xf32>
        %add3A_1919 = arith.addf %add3A_1916, %add3A_1917 : vector<16xf32>
        %add3A_1920 = arith.addf %add3A_1918, %add3A_1919 : vector<16xf32>
        %broadcast_in_dim3A_1921 = arith.constant true
        %broadcast_in_dim3A_1922 = vector.broadcast %broadcast_in_dim3A_1921 : i1 to vector<16xi1>
        %masked_cumsum3A_1923 = tpu.scan <sum>, %add3A_1920 masked %broadcast_in_dim3A_1922 : vector<16xf32>, vector<16xi1> -> vector<16xf32>
        %mul3A_1924 = arith.constant 16 : i32
        %mul3A_1925 = arith.muli %scan3A_117, %mul3A_1924 : i32
        %add3A_1926 = arith.constant 12 : i32
        %add3A_1927 = arith.addi %mul3A_1925, %add3A_1926 : i32
        %add3A_1928 = arith.constant 1 : i32
        %add3A_1929 = arith.addi %add3A_1927, %add3A_1928 : i32
        %get3A_1930 = arith.constant 0 : i32
        %get3A_1931 = arith.constant 0 : i32
        %get3A_1932 = tpu.memref_slice %arg9[%rem3A_82, %get3A_1930, %get3A_1931] : memref<2x64x128xf32, #tpu.memory_space<vmem>> -> memref<1x64x128xf32, #tpu.memory_space<vmem>>
        %get3A_1933 = tpu.memref_squeeze %get3A_1932 : memref<1x64x128xf32, #tpu.memory_space<vmem>> -> memref<64x128xf32, #tpu.memory_space<vmem>>
        %get3A_1934 = arith.index_cast %add3A_1929 : i32 to index
        %get3A_1935 = arith.constant 0 : index
        %get3A_1936 = tpu.vector_load %get3A_1933[%get3A_1934, %get3A_1935] {strides = array<i32>} : memref<64x128xf32, #tpu.memory_space<vmem>>, vector<16xf32>,
        %get3A_1937 = arith.constant 0 : i32
        %get3A_1938 = arith.constant 0 : i32
        %get3A_1939 = tpu.memref_slice %arg10[%rem3A_82, %get3A_1937, %get3A_1938] : memref<2x64x128xf32, #tpu.memory_space<vmem>> -> memref<1x64x128xf32, #tpu.memory_space<vmem>>
        %get3A_1940 = tpu.memref_squeeze %get3A_1939 : memref<1x64x128xf32, #tpu.memory_space<vmem>> -> memref<64x128xf32, #tpu.memory_space<vmem>>
        %get3A_1941 = arith.index_cast %add3A_1929 : i32 to index
        %get3A_1942 = arith.constant 0 : index
        %get3A_1943 = tpu.vector_load %get3A_1940[%get3A_1941, %get3A_1942] {strides = array<i32>} : memref<64x128xf32, #tpu.memory_space<vmem>>, vector<16xf32>,
        %mul3A_1944 = arith.mulf %get3A_1936, %get3A_1943 : vector<16xf32>
        %get3A_1945 = arith.constant 0 : i32
        %get3A_1946 = arith.constant 0 : i32
        %get3A_1947 = tpu.memref_slice %arg9[%rem3A_82, %get3A_1945, %get3A_1946] : memref<2x64x128xf32, #tpu.memory_space<vmem>> -> memref<1x64x128xf32, #tpu.memory_space<vmem>>
        %get3A_1948 = tpu.memref_squeeze %get3A_1947 : memref<1x64x128xf32, #tpu.memory_space<vmem>> -> memref<64x128xf32, #tpu.memory_space<vmem>>
        %get3A_1949 = arith.index_cast %add3A_1929 : i32 to index
        %get3A_1950 = arith.constant 16 : index
        %get3A_1951 = tpu.vector_load %get3A_1948[%get3A_1949, %get3A_1950] {strides = array<i32>} : memref<64x128xf32, #tpu.memory_space<vmem>>, vector<16xf32>,
        %get3A_1952 = arith.constant 0 : i32
        %get3A_1953 = arith.constant 0 : i32
        %get3A_1954 = tpu.memref_slice %arg10[%rem3A_82, %get3A_1952, %get3A_1953] : memref<2x64x128xf32, #tpu.memory_space<vmem>> -> memref<1x64x128xf32, #tpu.memory_space<vmem>>
        %get3A_1955 = tpu.memref_squeeze %get3A_1954 : memref<1x64x128xf32, #tpu.memory_space<vmem>> -> memref<64x128xf32, #tpu.memory_space<vmem>>
        %get3A_1956 = arith.index_cast %add3A_1929 : i32 to index
        %get3A_1957 = arith.constant 16 : index
        %get3A_1958 = tpu.vector_load %get3A_1955[%get3A_1956, %get3A_1957] {strides = array<i32>} : memref<64x128xf32, #tpu.memory_space<vmem>>, vector<16xf32>,
        %mul3A_1959 = arith.mulf %get3A_1951, %get3A_1958 : vector<16xf32>
        %get3A_1960 = arith.constant 0 : i32
        %get3A_1961 = arith.constant 0 : i32
        %get3A_1962 = tpu.memref_slice %arg9[%rem3A_82, %get3A_1960, %get3A_1961] : memref<2x64x128xf32, #tpu.memory_space<vmem>> -> memref<1x64x128xf32, #tpu.memory_space<vmem>>
        %get3A_1963 = tpu.memref_squeeze %get3A_1962 : memref<1x64x128xf32, #tpu.memory_space<vmem>> -> memref<64x128xf32, #tpu.memory_space<vmem>>
        %get3A_1964 = arith.index_cast %add3A_1929 : i32 to index
        %get3A_1965 = arith.constant 32 : index
        %get3A_1966 = tpu.vector_load %get3A_1963[%get3A_1964, %get3A_1965] {strides = array<i32>} : memref<64x128xf32, #tpu.memory_space<vmem>>, vector<16xf32>,
        %get3A_1967 = arith.constant 0 : i32
        %get3A_1968 = arith.constant 0 : i32
        %get3A_1969 = tpu.memref_slice %arg10[%rem3A_82, %get3A_1967, %get3A_1968] : memref<2x64x128xf32, #tpu.memory_space<vmem>> -> memref<1x64x128xf32, #tpu.memory_space<vmem>>
        %get3A_1970 = tpu.memref_squeeze %get3A_1969 : memref<1x64x128xf32, #tpu.memory_space<vmem>> -> memref<64x128xf32, #tpu.memory_space<vmem>>
        %get3A_1971 = arith.index_cast %add3A_1929 : i32 to index
        %get3A_1972 = arith.constant 32 : index
        %get3A_1973 = tpu.vector_load %get3A_1970[%get3A_1971, %get3A_1972] {strides = array<i32>} : memref<64x128xf32, #tpu.memory_space<vmem>>, vector<16xf32>,
        %mul3A_1974 = arith.mulf %get3A_1966, %get3A_1973 : vector<16xf32>
        %get3A_1975 = arith.constant 0 : i32
        %get3A_1976 = arith.constant 0 : i32
        %get3A_1977 = tpu.memref_slice %arg9[%rem3A_82, %get3A_1975, %get3A_1976] : memref<2x64x128xf32, #tpu.memory_space<vmem>> -> memref<1x64x128xf32, #tpu.memory_space<vmem>>
        %get3A_1978 = tpu.memref_squeeze %get3A_1977 : memref<1x64x128xf32, #tpu.memory_space<vmem>> -> memref<64x128xf32, #tpu.memory_space<vmem>>
        %get3A_1979 = arith.index_cast %add3A_1929 : i32 to index
        %get3A_1980 = arith.constant 48 : index
        %get3A_1981 = tpu.vector_load %get3A_1978[%get3A_1979, %get3A_1980] {strides = array<i32>} : memref<64x128xf32, #tpu.memory_space<vmem>>, vector<16xf32>,
        %get3A_1982 = arith.constant 0 : i32
        %get3A_1983 = arith.constant 0 : i32
        %get3A_1984 = tpu.memref_slice %arg10[%rem3A_82, %get3A_1982, %get3A_1983] : memref<2x64x128xf32, #tpu.memory_space<vmem>> -> memref<1x64x128xf32, #tpu.memory_space<vmem>>
        %get3A_1985 = tpu.memref_squeeze %get3A_1984 : memref<1x64x128xf32, #tpu.memory_space<vmem>> -> memref<64x128xf32, #tpu.memory_space<vmem>>
        %get3A_1986 = arith.index_cast %add3A_1929 : i32 to index
        %get3A_1987 = arith.constant 48 : index
        %get3A_1988 = tpu.vector_load %get3A_1985[%get3A_1986, %get3A_1987] {strides = array<i32>} : memref<64x128xf32, #tpu.memory_space<vmem>>, vector<16xf32>,
        %mul3A_1989 = arith.mulf %get3A_1981, %get3A_1988 : vector<16xf32>
        %get3A_1990 = arith.constant 0 : i32
        %get3A_1991 = arith.constant 0 : i32
        %get3A_1992 = tpu.memref_slice %arg9[%rem3A_82, %get3A_1990, %get3A_1991] : memref<2x64x128xf32, #tpu.memory_space<vmem>> -> memref<1x64x128xf32, #tpu.memory_space<vmem>>
        %get3A_1993 = tpu.memref_squeeze %get3A_1992 : memref<1x64x128xf32, #tpu.memory_space<vmem>> -> memref<64x128xf32, #tpu.memory_space<vmem>>
        %get3A_1994 = arith.index_cast %add3A_1929 : i32 to index
        %get3A_1995 = arith.constant 64 : index
        %get3A_1996 = tpu.vector_load %get3A_1993[%get3A_1994, %get3A_1995] {strides = array<i32>} : memref<64x128xf32, #tpu.memory_space<vmem>>, vector<16xf32>,
        %get3A_1997 = arith.constant 0 : i32
        %get3A_1998 = arith.constant 0 : i32
        %get3A_1999 = tpu.memref_slice %arg10[%rem3A_82, %get3A_1997, %get3A_1998] : memref<2x64x128xf32, #tpu.memory_space<vmem>> -> memref<1x64x128xf32, #tpu.memory_space<vmem>>
        %get3A_2000 = tpu.memref_squeeze %get3A_1999 : memref<1x64x128xf32, #tpu.memory_space<vmem>> -> memref<64x128xf32, #tpu.memory_space<vmem>>
        %get3A_2001 = arith.index_cast %add3A_1929 : i32 to index
        %get3A_2002 = arith.constant 64 : index
        %get3A_2003 = tpu.vector_load %get3A_2000[%get3A_2001, %get3A_2002] {strides = array<i32>} : memref<64x128xf32, #tpu.memory_space<vmem>>, vector<16xf32>,
        %mul3A_2004 = arith.mulf %get3A_1996, %get3A_2003 : vector<16xf32>
        %get3A_2005 = arith.constant 0 : i32
        %get3A_2006 = arith.constant 0 : i32
        %get3A_2007 = tpu.memref_slice %arg9[%rem3A_82, %get3A_2005, %get3A_2006] : memref<2x64x128xf32, #tpu.memory_space<vmem>> -> memref<1x64x128xf32, #tpu.memory_space<vmem>>
        %get3A_2008 = tpu.memref_squeeze %get3A_2007 : memref<1x64x128xf32, #tpu.memory_space<vmem>> -> memref<64x128xf32, #tpu.memory_space<vmem>>
        %get3A_2009 = arith.index_cast %add3A_1929 : i32 to index
        %get3A_2010 = arith.constant 80 : index
        %get3A_2011 = tpu.vector_load %get3A_2008[%get3A_2009, %get3A_2010] {strides = array<i32>} : memref<64x128xf32, #tpu.memory_space<vmem>>, vector<16xf32>,
        %get3A_2012 = arith.constant 0 : i32
        %get3A_2013 = arith.constant 0 : i32
        %get3A_2014 = tpu.memref_slice %arg10[%rem3A_82, %get3A_2012, %get3A_2013] : memref<2x64x128xf32, #tpu.memory_space<vmem>> -> memref<1x64x128xf32, #tpu.memory_space<vmem>>
        %get3A_2015 = tpu.memref_squeeze %get3A_2014 : memref<1x64x128xf32, #tpu.memory_space<vmem>> -> memref<64x128xf32, #tpu.memory_space<vmem>>
        %get3A_2016 = arith.index_cast %add3A_1929 : i32 to index
        %get3A_2017 = arith.constant 80 : index
        %get3A_2018 = tpu.vector_load %get3A_2015[%get3A_2016, %get3A_2017] {strides = array<i32>} : memref<64x128xf32, #tpu.memory_space<vmem>>, vector<16xf32>,
        %mul3A_2019 = arith.mulf %get3A_2011, %get3A_2018 : vector<16xf32>
        %get3A_2020 = arith.constant 0 : i32
        %get3A_2021 = arith.constant 0 : i32
        %get3A_2022 = tpu.memref_slice %arg9[%rem3A_82, %get3A_2020, %get3A_2021] : memref<2x64x128xf32, #tpu.memory_space<vmem>> -> memref<1x64x128xf32, #tpu.memory_space<vmem>>
        %get3A_2023 = tpu.memref_squeeze %get3A_2022 : memref<1x64x128xf32, #tpu.memory_space<vmem>> -> memref<64x128xf32, #tpu.memory_space<vmem>>
        %get3A_2024 = arith.index_cast %add3A_1929 : i32 to index
        %get3A_2025 = arith.constant 96 : index
        %get3A_2026 = tpu.vector_load %get3A_2023[%get3A_2024, %get3A_2025] {strides = array<i32>} : memref<64x128xf32, #tpu.memory_space<vmem>>, vector<16xf32>,
        %get3A_2027 = arith.constant 0 : i32
        %get3A_2028 = arith.constant 0 : i32
        %get3A_2029 = tpu.memref_slice %arg10[%rem3A_82, %get3A_2027, %get3A_2028] : memref<2x64x128xf32, #tpu.memory_space<vmem>> -> memref<1x64x128xf32, #tpu.memory_space<vmem>>
        %get3A_2030 = tpu.memref_squeeze %get3A_2029 : memref<1x64x128xf32, #tpu.memory_space<vmem>> -> memref<64x128xf32, #tpu.memory_space<vmem>>
        %get3A_2031 = arith.index_cast %add3A_1929 : i32 to index
        %get3A_2032 = arith.constant 96 : index
        %get3A_2033 = tpu.vector_load %get3A_2030[%get3A_2031, %get3A_2032] {strides = array<i32>} : memref<64x128xf32, #tpu.memory_space<vmem>>, vector<16xf32>,
        %mul3A_2034 = arith.mulf %get3A_2026, %get3A_2033 : vector<16xf32>
        %get3A_2035 = arith.constant 0 : i32
        %get3A_2036 = arith.constant 0 : i32
        %get3A_2037 = tpu.memref_slice %arg9[%rem3A_82, %get3A_2035, %get3A_2036] : memref<2x64x128xf32, #tpu.memory_space<vmem>> -> memref<1x64x128xf32, #tpu.memory_space<vmem>>
        %get3A_2038 = tpu.memref_squeeze %get3A_2037 : memref<1x64x128xf32, #tpu.memory_space<vmem>> -> memref<64x128xf32, #tpu.memory_space<vmem>>
        %get3A_2039 = arith.index_cast %add3A_1929 : i32 to index
        %get3A_2040 = arith.constant 112 : index
        %get3A_2041 = tpu.vector_load %get3A_2038[%get3A_2039, %get3A_2040] {strides = array<i32>} : memref<64x128xf32, #tpu.memory_space<vmem>>, vector<16xf32>,
        %get3A_2042 = arith.constant 0 : i32
        %get3A_2043 = arith.constant 0 : i32
        %get3A_2044 = tpu.memref_slice %arg10[%rem3A_82, %get3A_2042, %get3A_2043] : memref<2x64x128xf32, #tpu.memory_space<vmem>> -> memref<1x64x128xf32, #tpu.memory_space<vmem>>
        %get3A_2045 = tpu.memref_squeeze %get3A_2044 : memref<1x64x128xf32, #tpu.memory_space<vmem>> -> memref<64x128xf32, #tpu.memory_space<vmem>>
        %get3A_2046 = arith.index_cast %add3A_1929 : i32 to index
        %get3A_2047 = arith.constant 112 : index
        %get3A_2048 = tpu.vector_load %get3A_2045[%get3A_2046, %get3A_2047] {strides = array<i32>} : memref<64x128xf32, #tpu.memory_space<vmem>>, vector<16xf32>,
        %mul3A_2049 = arith.mulf %get3A_2041, %get3A_2048 : vector<16xf32>
        %add3A_2050 = arith.addf %mul3A_1944, %mul3A_1959 : vector<16xf32>
        %add3A_2051 = arith.addf %mul3A_1974, %mul3A_1989 : vector<16xf32>
        %add3A_2052 = arith.addf %mul3A_2004, %mul3A_2019 : vector<16xf32>
        %add3A_2053 = arith.addf %mul3A_2034, %mul3A_2049 : vector<16xf32>
        %add3A_2054 = arith.addf %add3A_2050, %add3A_2051 : vector<16xf32>
        %add3A_2055 = arith.addf %add3A_2052, %add3A_2053 : vector<16xf32>
        %add3A_2056 = arith.addf %add3A_2054, %add3A_2055 : vector<16xf32>
        %broadcast_in_dim3A_2057 = arith.constant true
        %broadcast_in_dim3A_2058 = vector.broadcast %broadcast_in_dim3A_2057 : i1 to vector<16xi1>
        %masked_cumsum3A_2059 = tpu.scan <sum>, %add3A_2056 masked %broadcast_in_dim3A_2058 : vector<16xf32>, vector<16xi1> -> vector<16xf32>
        %swap3A_2060 = arith.constant 10 : i32
        %swap3A_2061 = arith.index_cast %swap3A_2060 : i32 to index
        %swap3A_2062 = arith.constant 0 : index
        %swap3A_2063 = tpu.vector_load %arg12[%swap3A_2061, %swap3A_2062] {strides = array<i32>} : memref<16x17xf32, #tpu.memory_space<vmem>>, vector<16xf32>,
        tpu.vector_store %arg12[%swap3A_2061, %swap3A_2062], %masked_cumsum3A_1643 {strides = array<i32>} : memref<16x17xf32, #tpu.memory_space<vmem>>, vector<16xf32>,
        %swap3A_2064 = arith.constant 11 : i32
        %swap3A_2065 = arith.index_cast %swap3A_2064 : i32 to index
        %swap3A_2066 = arith.constant 0 : index
        %swap3A_2067 = tpu.vector_load %arg12[%swap3A_2065, %swap3A_2066] {strides = array<i32>} : memref<16x17xf32, #tpu.memory_space<vmem>>, vector<16xf32>,
        tpu.vector_store %arg12[%swap3A_2065, %swap3A_2066], %masked_cumsum3A_1779 {strides = array<i32>} : memref<16x17xf32, #tpu.memory_space<vmem>>, vector<16xf32>,
        %mul3A_2068 = arith.constant 16 : i32
        %mul3A_2069 = arith.muli %scan3A_117, %mul3A_2068 : i32
        %add3A_2070 = arith.constant 14 : i32
        %add3A_2071 = arith.addi %mul3A_2069, %add3A_2070 : i32
        %add3A_2072 = arith.constant 0 : i32
        %add3A_2073 = arith.addi %add3A_2071, %add3A_2072 : i32
        %get3A_2074 = arith.constant 0 : i32
        %get3A_2075 = arith.constant 0 : i32
        %get3A_2076 = tpu.memref_slice %arg9[%rem3A_82, %get3A_2074, %get3A_2075] : memref<2x64x128xf32, #tpu.memory_space<vmem>> -> memref<1x64x128xf32, #tpu.memory_space<vmem>>
        %get3A_2077 = tpu.memref_squeeze %get3A_2076 : memref<1x64x128xf32, #tpu.memory_space<vmem>> -> memref<64x128xf32, #tpu.memory_space<vmem>>
        %get3A_2078 = arith.index_cast %add3A_2073 : i32 to index
        %get3A_2079 = arith.constant 0 : index
        %get3A_2080 = tpu.vector_load %get3A_2077[%get3A_2078, %get3A_2079] {strides = array<i32>} : memref<64x128xf32, #tpu.memory_space<vmem>>, vector<16xf32>,
        %get3A_2081 = arith.constant 0 : i32
        %get3A_2082 = arith.constant 0 : i32
        %get3A_2083 = tpu.memref_slice %arg10[%rem3A_82, %get3A_2081, %get3A_2082] : memref<2x64x128xf32, #tpu.memory_space<vmem>> -> memref<1x64x128xf32, #tpu.memory_space<vmem>>
        %get3A_2084 = tpu.memref_squeeze %get3A_2083 : memref<1x64x128xf32, #tpu.memory_space<vmem>> -> memref<64x128xf32, #tpu.memory_space<vmem>>
        %get3A_2085 = arith.index_cast %add3A_2073 : i32 to index
        %get3A_2086 = arith.constant 0 : index
        %get3A_2087 = tpu.vector_load %get3A_2084[%get3A_2085, %get3A_2086] {strides = array<i32>} : memref<64x128xf32, #tpu.memory_space<vmem>>, vector<16xf32>,
        %mul3A_2088 = arith.mulf %get3A_2080, %get3A_2087 : vector<16xf32>
        %get3A_2089 = arith.constant 0 : i32
        %get3A_2090 = arith.constant 0 : i32
        %get3A_2091 = tpu.memref_slice %arg9[%rem3A_82, %get3A_2089, %get3A_2090] : memref<2x64x128xf32, #tpu.memory_space<vmem>> -> memref<1x64x128xf32, #tpu.memory_space<vmem>>
        %get3A_2092 = tpu.memref_squeeze %get3A_2091 : memref<1x64x128xf32, #tpu.memory_space<vmem>> -> memref<64x128xf32, #tpu.memory_space<vmem>>
        %get3A_2093 = arith.index_cast %add3A_2073 : i32 to index
        %get3A_2094 = arith.constant 16 : index
        %get3A_2095 = tpu.vector_load %get3A_2092[%get3A_2093, %get3A_2094] {strides = array<i32>} : memref<64x128xf32, #tpu.memory_space<vmem>>, vector<16xf32>,
        %get3A_2096 = arith.constant 0 : i32
        %get3A_2097 = arith.constant 0 : i32
        %get3A_2098 = tpu.memref_slice %arg10[%rem3A_82, %get3A_2096, %get3A_2097] : memref<2x64x128xf32, #tpu.memory_space<vmem>> -> memref<1x64x128xf32, #tpu.memory_space<vmem>>
        %get3A_2099 = tpu.memref_squeeze %get3A_2098 : memref<1x64x128xf32, #tpu.memory_space<vmem>> -> memref<64x128xf32, #tpu.memory_space<vmem>>
        %get3A_2100 = arith.index_cast %add3A_2073 : i32 to index
        %get3A_2101 = arith.constant 16 : index
        %get3A_2102 = tpu.vector_load %get3A_2099[%get3A_2100, %get3A_2101] {strides = array<i32>} : memref<64x128xf32, #tpu.memory_space<vmem>>, vector<16xf32>,
        %mul3A_2103 = arith.mulf %get3A_2095, %get3A_2102 : vector<16xf32>
        %get3A_2104 = arith.constant 0 : i32
        %get3A_2105 = arith.constant 0 : i32
        %get3A_2106 = tpu.memref_slice %arg9[%rem3A_82, %get3A_2104, %get3A_2105] : memref<2x64x128xf32, #tpu.memory_space<vmem>> -> memref<1x64x128xf32, #tpu.memory_space<vmem>>
        %get3A_2107 = tpu.memref_squeeze %get3A_2106 : memref<1x64x128xf32, #tpu.memory_space<vmem>> -> memref<64x128xf32, #tpu.memory_space<vmem>>
        %get3A_2108 = arith.index_cast %add3A_2073 : i32 to index
        %get3A_2109 = arith.constant 32 : index
        %get3A_2110 = tpu.vector_load %get3A_2107[%get3A_2108, %get3A_2109] {strides = array<i32>} : memref<64x128xf32, #tpu.memory_space<vmem>>, vector<16xf32>,
        %get3A_2111 = arith.constant 0 : i32
        %get3A_2112 = arith.constant 0 : i32
        %get3A_2113 = tpu.memref_slice %arg10[%rem3A_82, %get3A_2111, %get3A_2112] : memref<2x64x128xf32, #tpu.memory_space<vmem>> -> memref<1x64x128xf32, #tpu.memory_space<vmem>>
        %get3A_2114 = tpu.memref_squeeze %get3A_2113 : memref<1x64x128xf32, #tpu.memory_space<vmem>> -> memref<64x128xf32, #tpu.memory_space<vmem>>
        %get3A_2115 = arith.index_cast %add3A_2073 : i32 to index
        %get3A_2116 = arith.constant 32 : index
        %get3A_2117 = tpu.vector_load %get3A_2114[%get3A_2115, %get3A_2116] {strides = array<i32>} : memref<64x128xf32, #tpu.memory_space<vmem>>, vector<16xf32>,
        %mul3A_2118 = arith.mulf %get3A_2110, %get3A_2117 : vector<16xf32>
        %get3A_2119 = arith.constant 0 : i32
        %get3A_2120 = arith.constant 0 : i32
        %get3A_2121 = tpu.memref_slice %arg9[%rem3A_82, %get3A_2119, %get3A_2120] : memref<2x64x128xf32, #tpu.memory_space<vmem>> -> memref<1x64x128xf32, #tpu.memory_space<vmem>>
        %get3A_2122 = tpu.memref_squeeze %get3A_2121 : memref<1x64x128xf32, #tpu.memory_space<vmem>> -> memref<64x128xf32, #tpu.memory_space<vmem>>
        %get3A_2123 = arith.index_cast %add3A_2073 : i32 to index
        %get3A_2124 = arith.constant 48 : index
        %get3A_2125 = tpu.vector_load %get3A_2122[%get3A_2123, %get3A_2124] {strides = array<i32>} : memref<64x128xf32, #tpu.memory_space<vmem>>, vector<16xf32>,
        %get3A_2126 = arith.constant 0 : i32
        %get3A_2127 = arith.constant 0 : i32
        %get3A_2128 = tpu.memref_slice %arg10[%rem3A_82, %get3A_2126, %get3A_2127] : memref<2x64x128xf32, #tpu.memory_space<vmem>> -> memref<1x64x128xf32, #tpu.memory_space<vmem>>
        %get3A_2129 = tpu.memref_squeeze %get3A_2128 : memref<1x64x128xf32, #tpu.memory_space<vmem>> -> memref<64x128xf32, #tpu.memory_space<vmem>>
        %get3A_2130 = arith.index_cast %add3A_2073 : i32 to index
        %get3A_2131 = arith.constant 48 : index
        %get3A_2132 = tpu.vector_load %get3A_2129[%get3A_2130, %get3A_2131] {strides = array<i32>} : memref<64x128xf32, #tpu.memory_space<vmem>>, vector<16xf32>,
        %mul3A_2133 = arith.mulf %get3A_2125, %get3A_2132 : vector<16xf32>
        %get3A_2134 = arith.constant 0 : i32
        %get3A_2135 = arith.constant 0 : i32
        %get3A_2136 = tpu.memref_slice %arg9[%rem3A_82, %get3A_2134, %get3A_2135] : memref<2x64x128xf32, #tpu.memory_space<vmem>> -> memref<1x64x128xf32, #tpu.memory_space<vmem>>
        %get3A_2137 = tpu.memref_squeeze %get3A_2136 : memref<1x64x128xf32, #tpu.memory_space<vmem>> -> memref<64x128xf32, #tpu.memory_space<vmem>>
        %get3A_2138 = arith.index_cast %add3A_2073 : i32 to index
        %get3A_2139 = arith.constant 64 : index
        %get3A_2140 = tpu.vector_load %get3A_2137[%get3A_2138, %get3A_2139] {strides = array<i32>} : memref<64x128xf32, #tpu.memory_space<vmem>>, vector<16xf32>,
        %get3A_2141 = arith.constant 0 : i32
        %get3A_2142 = arith.constant 0 : i32
        %get3A_2143 = tpu.memref_slice %arg10[%rem3A_82, %get3A_2141, %get3A_2142] : memref<2x64x128xf32, #tpu.memory_space<vmem>> -> memref<1x64x128xf32, #tpu.memory_space<vmem>>
        %get3A_2144 = tpu.memref_squeeze %get3A_2143 : memref<1x64x128xf32, #tpu.memory_space<vmem>> -> memref<64x128xf32, #tpu.memory_space<vmem>>
        %get3A_2145 = arith.index_cast %add3A_2073 : i32 to index
        %get3A_2146 = arith.constant 64 : index
        %get3A_2147 = tpu.vector_load %get3A_2144[%get3A_2145, %get3A_2146] {strides = array<i32>} : memref<64x128xf32, #tpu.memory_space<vmem>>, vector<16xf32>,
        %mul3A_2148 = arith.mulf %get3A_2140, %get3A_2147 : vector<16xf32>
        %get3A_2149 = arith.constant 0 : i32
        %get3A_2150 = arith.constant 0 : i32
        %get3A_2151 = tpu.memref_slice %arg9[%rem3A_82, %get3A_2149, %get3A_2150] : memref<2x64x128xf32, #tpu.memory_space<vmem>> -> memref<1x64x128xf32, #tpu.memory_space<vmem>>
        %get3A_2152 = tpu.memref_squeeze %get3A_2151 : memref<1x64x128xf32, #tpu.memory_space<vmem>> -> memref<64x128xf32, #tpu.memory_space<vmem>>
        %get3A_2153 = arith.index_cast %add3A_2073 : i32 to index
        %get3A_2154 = arith.constant 80 : index
        %get3A_2155 = tpu.vector_load %get3A_2152[%get3A_2153, %get3A_2154] {strides = array<i32>} : memref<64x128xf32, #tpu.memory_space<vmem>>, vector<16xf32>,
        %get3A_2156 = arith.constant 0 : i32
        %get3A_2157 = arith.constant 0 : i32
        %get3A_2158 = tpu.memref_slice %arg10[%rem3A_82, %get3A_2156, %get3A_2157] : memref<2x64x128xf32, #tpu.memory_space<vmem>> -> memref<1x64x128xf32, #tpu.memory_space<vmem>>
        %get3A_2159 = tpu.memref_squeeze %get3A_2158 : memref<1x64x128xf32, #tpu.memory_space<vmem>> -> memref<64x128xf32, #tpu.memory_space<vmem>>
        %get3A_2160 = arith.index_cast %add3A_2073 : i32 to index
        %get3A_2161 = arith.constant 80 : index
        %get3A_2162 = tpu.vector_load %get3A_2159[%get3A_2160, %get3A_2161] {strides = array<i32>} : memref<64x128xf32, #tpu.memory_space<vmem>>, vector<16xf32>,
        %mul3A_2163 = arith.mulf %get3A_2155, %get3A_2162 : vector<16xf32>
        %get3A_2164 = arith.constant 0 : i32
        %get3A_2165 = arith.constant 0 : i32
        %get3A_2166 = tpu.memref_slice %arg9[%rem3A_82, %get3A_2164, %get3A_2165] : memref<2x64x128xf32, #tpu.memory_space<vmem>> -> memref<1x64x128xf32, #tpu.memory_space<vmem>>
        %get3A_2167 = tpu.memref_squeeze %get3A_2166 : memref<1x64x128xf32, #tpu.memory_space<vmem>> -> memref<64x128xf32, #tpu.memory_space<vmem>>
        %get3A_2168 = arith.index_cast %add3A_2073 : i32 to index
        %get3A_2169 = arith.constant 96 : index
        %get3A_2170 = tpu.vector_load %get3A_2167[%get3A_2168, %get3A_2169] {strides = array<i32>} : memref<64x128xf32, #tpu.memory_space<vmem>>, vector<16xf32>,
        %get3A_2171 = arith.constant 0 : i32
        %get3A_2172 = arith.constant 0 : i32
        %get3A_2173 = tpu.memref_slice %arg10[%rem3A_82, %get3A_2171, %get3A_2172] : memref<2x64x128xf32, #tpu.memory_space<vmem>> -> memref<1x64x128xf32, #tpu.memory_space<vmem>>
        %get3A_2174 = tpu.memref_squeeze %get3A_2173 : memref<1x64x128xf32, #tpu.memory_space<vmem>> -> memref<64x128xf32, #tpu.memory_space<vmem>>
        %get3A_2175 = arith.index_cast %add3A_2073 : i32 to index
        %get3A_2176 = arith.constant 96 : index
        %get3A_2177 = tpu.vector_load %get3A_2174[%get3A_2175, %get3A_2176] {strides = array<i32>} : memref<64x128xf32, #tpu.memory_space<vmem>>, vector<16xf32>,
        %mul3A_2178 = arith.mulf %get3A_2170, %get3A_2177 : vector<16xf32>
        %get3A_2179 = arith.constant 0 : i32
        %get3A_2180 = arith.constant 0 : i32
        %get3A_2181 = tpu.memref_slice %arg9[%rem3A_82, %get3A_2179, %get3A_2180] : memref<2x64x128xf32, #tpu.memory_space<vmem>> -> memref<1x64x128xf32, #tpu.memory_space<vmem>>
        %get3A_2182 = tpu.memref_squeeze %get3A_2181 : memref<1x64x128xf32, #tpu.memory_space<vmem>> -> memref<64x128xf32, #tpu.memory_space<vmem>>
        %get3A_2183 = arith.index_cast %add3A_2073 : i32 to index
        %get3A_2184 = arith.constant 112 : index
        %get3A_2185 = tpu.vector_load %get3A_2182[%get3A_2183, %get3A_2184] {strides = array<i32>} : memref<64x128xf32, #tpu.memory_space<vmem>>, vector<16xf32>,
        %get3A_2186 = arith.constant 0 : i32
        %get3A_2187 = arith.constant 0 : i32
        %get3A_2188 = tpu.memref_slice %arg10[%rem3A_82, %get3A_2186, %get3A_2187] : memref<2x64x128xf32, #tpu.memory_space<vmem>> -> memref<1x64x128xf32, #tpu.memory_space<vmem>>
        %get3A_2189 = tpu.memref_squeeze %get3A_2188 : memref<1x64x128xf32, #tpu.memory_space<vmem>> -> memref<64x128xf32, #tpu.memory_space<vmem>>
        %get3A_2190 = arith.index_cast %add3A_2073 : i32 to index
        %get3A_2191 = arith.constant 112 : index
        %get3A_2192 = tpu.vector_load %get3A_2189[%get3A_2190, %get3A_2191] {strides = array<i32>} : memref<64x128xf32, #tpu.memory_space<vmem>>, vector<16xf32>,
        %mul3A_2193 = arith.mulf %get3A_2185, %get3A_2192 : vector<16xf32>
        %add3A_2194 = arith.addf %mul3A_2088, %mul3A_2103 : vector<16xf32>
        %add3A_2195 = arith.addf %mul3A_2118, %mul3A_2133 : vector<16xf32>
        %add3A_2196 = arith.addf %mul3A_2148, %mul3A_2163 : vector<16xf32>
        %add3A_2197 = arith.addf %mul3A_2178, %mul3A_2193 : vector<16xf32>
        %add3A_2198 = arith.addf %add3A_2194, %add3A_2195 : vector<16xf32>
        %add3A_2199 = arith.addf %add3A_2196, %add3A_2197 : vector<16xf32>
        %add3A_2200 = arith.addf %add3A_2198, %add3A_2199 : vector<16xf32>
        %broadcast_in_dim3A_2201 = arith.constant true
        %broadcast_in_dim3A_2202 = vector.broadcast %broadcast_in_dim3A_2201 : i1 to vector<16xi1>
        %masked_cumsum3A_2203 = tpu.scan <sum>, %add3A_2200 masked %broadcast_in_dim3A_2202 : vector<16xf32>, vector<16xi1> -> vector<16xf32>
        %mul3A_2204 = arith.constant 16 : i32
        %mul3A_2205 = arith.muli %scan3A_117, %mul3A_2204 : i32
        %add3A_2206 = arith.constant 14 : i32
        %add3A_2207 = arith.addi %mul3A_2205, %add3A_2206 : i32
        %add3A_2208 = arith.constant 1 : i32
        %add3A_2209 = arith.addi %add3A_2207, %add3A_2208 : i32
        %get3A_2210 = arith.constant 0 : i32
        %get3A_2211 = arith.constant 0 : i32
        %get3A_2212 = tpu.memref_slice %arg9[%rem3A_82, %get3A_2210, %get3A_2211] : memref<2x64x128xf32, #tpu.memory_space<vmem>> -> memref<1x64x128xf32, #tpu.memory_space<vmem>>
        %get3A_2213 = tpu.memref_squeeze %get3A_2212 : memref<1x64x128xf32, #tpu.memory_space<vmem>> -> memref<64x128xf32, #tpu.memory_space<vmem>>
        %get3A_2214 = arith.index_cast %add3A_2209 : i32 to index
        %get3A_2215 = arith.constant 0 : index
        %get3A_2216 = tpu.vector_load %get3A_2213[%get3A_2214, %get3A_2215] {strides = array<i32>} : memref<64x128xf32, #tpu.memory_space<vmem>>, vector<16xf32>,
        %get3A_2217 = arith.constant 0 : i32
        %get3A_2218 = arith.constant 0 : i32
        %get3A_2219 = tpu.memref_slice %arg10[%rem3A_82, %get3A_2217, %get3A_2218] : memref<2x64x128xf32, #tpu.memory_space<vmem>> -> memref<1x64x128xf32, #tpu.memory_space<vmem>>
        %get3A_2220 = tpu.memref_squeeze %get3A_2219 : memref<1x64x128xf32, #tpu.memory_space<vmem>> -> memref<64x128xf32, #tpu.memory_space<vmem>>
        %get3A_2221 = arith.index_cast %add3A_2209 : i32 to index
        %get3A_2222 = arith.constant 0 : index
        %get3A_2223 = tpu.vector_load %get3A_2220[%get3A_2221, %get3A_2222] {strides = array<i32>} : memref<64x128xf32, #tpu.memory_space<vmem>>, vector<16xf32>,
        %mul3A_2224 = arith.mulf %get3A_2216, %get3A_2223 : vector<16xf32>
        %get3A_2225 = arith.constant 0 : i32
        %get3A_2226 = arith.constant 0 : i32
        %get3A_2227 = tpu.memref_slice %arg9[%rem3A_82, %get3A_2225, %get3A_2226] : memref<2x64x128xf32, #tpu.memory_space<vmem>> -> memref<1x64x128xf32, #tpu.memory_space<vmem>>
        %get3A_2228 = tpu.memref_squeeze %get3A_2227 : memref<1x64x128xf32, #tpu.memory_space<vmem>> -> memref<64x128xf32, #tpu.memory_space<vmem>>
        %get3A_2229 = arith.index_cast %add3A_2209 : i32 to index
        %get3A_2230 = arith.constant 16 : index
        %get3A_2231 = tpu.vector_load %get3A_2228[%get3A_2229, %get3A_2230] {strides = array<i32>} : memref<64x128xf32, #tpu.memory_space<vmem>>, vector<16xf32>,
        %get3A_2232 = arith.constant 0 : i32
        %get3A_2233 = arith.constant 0 : i32
        %get3A_2234 = tpu.memref_slice %arg10[%rem3A_82, %get3A_2232, %get3A_2233] : memref<2x64x128xf32, #tpu.memory_space<vmem>> -> memref<1x64x128xf32, #tpu.memory_space<vmem>>
        %get3A_2235 = tpu.memref_squeeze %get3A_2234 : memref<1x64x128xf32, #tpu.memory_space<vmem>> -> memref<64x128xf32, #tpu.memory_space<vmem>>
        %get3A_2236 = arith.index_cast %add3A_2209 : i32 to index
        %get3A_2237 = arith.constant 16 : index
        %get3A_2238 = tpu.vector_load %get3A_2235[%get3A_2236, %get3A_2237] {strides = array<i32>} : memref<64x128xf32, #tpu.memory_space<vmem>>, vector<16xf32>,
        %mul3A_2239 = arith.mulf %get3A_2231, %get3A_2238 : vector<16xf32>
        %get3A_2240 = arith.constant 0 : i32
        %get3A_2241 = arith.constant 0 : i32
        %get3A_2242 = tpu.memref_slice %arg9[%rem3A_82, %get3A_2240, %get3A_2241] : memref<2x64x128xf32, #tpu.memory_space<vmem>> -> memref<1x64x128xf32, #tpu.memory_space<vmem>>
        %get3A_2243 = tpu.memref_squeeze %get3A_2242 : memref<1x64x128xf32, #tpu.memory_space<vmem>> -> memref<64x128xf32, #tpu.memory_space<vmem>>
        %get3A_2244 = arith.index_cast %add3A_2209 : i32 to index
        %get3A_2245 = arith.constant 32 : index
        %get3A_2246 = tpu.vector_load %get3A_2243[%get3A_2244, %get3A_2245] {strides = array<i32>} : memref<64x128xf32, #tpu.memory_space<vmem>>, vector<16xf32>,
        %get3A_2247 = arith.constant 0 : i32
        %get3A_2248 = arith.constant 0 : i32
        %get3A_2249 = tpu.memref_slice %arg10[%rem3A_82, %get3A_2247, %get3A_2248] : memref<2x64x128xf32, #tpu.memory_space<vmem>> -> memref<1x64x128xf32, #tpu.memory_space<vmem>>
        %get3A_2250 = tpu.memref_squeeze %get3A_2249 : memref<1x64x128xf32, #tpu.memory_space<vmem>> -> memref<64x128xf32, #tpu.memory_space<vmem>>
        %get3A_2251 = arith.index_cast %add3A_2209 : i32 to index
        %get3A_2252 = arith.constant 32 : index
        %get3A_2253 = tpu.vector_load %get3A_2250[%get3A_2251, %get3A_2252] {strides = array<i32>} : memref<64x128xf32, #tpu.memory_space<vmem>>, vector<16xf32>,
        %mul3A_2254 = arith.mulf %get3A_2246, %get3A_2253 : vector<16xf32>
        %get3A_2255 = arith.constant 0 : i32
        %get3A_2256 = arith.constant 0 : i32
        %get3A_2257 = tpu.memref_slice %arg9[%rem3A_82, %get3A_2255, %get3A_2256] : memref<2x64x128xf32, #tpu.memory_space<vmem>> -> memref<1x64x128xf32, #tpu.memory_space<vmem>>
        %get3A_2258 = tpu.memref_squeeze %get3A_2257 : memref<1x64x128xf32, #tpu.memory_space<vmem>> -> memref<64x128xf32, #tpu.memory_space<vmem>>
        %get3A_2259 = arith.index_cast %add3A_2209 : i32 to index
        %get3A_2260 = arith.constant 48 : index
        %get3A_2261 = tpu.vector_load %get3A_2258[%get3A_2259, %get3A_2260] {strides = array<i32>} : memref<64x128xf32, #tpu.memory_space<vmem>>, vector<16xf32>,
        %get3A_2262 = arith.constant 0 : i32
        %get3A_2263 = arith.constant 0 : i32
        %get3A_2264 = tpu.memref_slice %arg10[%rem3A_82, %get3A_2262, %get3A_2263] : memref<2x64x128xf32, #tpu.memory_space<vmem>> -> memref<1x64x128xf32, #tpu.memory_space<vmem>>
        %get3A_2265 = tpu.memref_squeeze %get3A_2264 : memref<1x64x128xf32, #tpu.memory_space<vmem>> -> memref<64x128xf32, #tpu.memory_space<vmem>>
        %get3A_2266 = arith.index_cast %add3A_2209 : i32 to index
        %get3A_2267 = arith.constant 48 : index
        %get3A_2268 = tpu.vector_load %get3A_2265[%get3A_2266, %get3A_2267] {strides = array<i32>} : memref<64x128xf32, #tpu.memory_space<vmem>>, vector<16xf32>,
        %mul3A_2269 = arith.mulf %get3A_2261, %get3A_2268 : vector<16xf32>
        %get3A_2270 = arith.constant 0 : i32
        %get3A_2271 = arith.constant 0 : i32
        %get3A_2272 = tpu.memref_slice %arg9[%rem3A_82, %get3A_2270, %get3A_2271] : memref<2x64x128xf32, #tpu.memory_space<vmem>> -> memref<1x64x128xf32, #tpu.memory_space<vmem>>
        %get3A_2273 = tpu.memref_squeeze %get3A_2272 : memref<1x64x128xf32, #tpu.memory_space<vmem>> -> memref<64x128xf32, #tpu.memory_space<vmem>>
        %get3A_2274 = arith.index_cast %add3A_2209 : i32 to index
        %get3A_2275 = arith.constant 64 : index
        %get3A_2276 = tpu.vector_load %get3A_2273[%get3A_2274, %get3A_2275] {strides = array<i32>} : memref<64x128xf32, #tpu.memory_space<vmem>>, vector<16xf32>,
        %get3A_2277 = arith.constant 0 : i32
        %get3A_2278 = arith.constant 0 : i32
        %get3A_2279 = tpu.memref_slice %arg10[%rem3A_82, %get3A_2277, %get3A_2278] : memref<2x64x128xf32, #tpu.memory_space<vmem>> -> memref<1x64x128xf32, #tpu.memory_space<vmem>>
        %get3A_2280 = tpu.memref_squeeze %get3A_2279 : memref<1x64x128xf32, #tpu.memory_space<vmem>> -> memref<64x128xf32, #tpu.memory_space<vmem>>
        %get3A_2281 = arith.index_cast %add3A_2209 : i32 to index
        %get3A_2282 = arith.constant 64 : index
        %get3A_2283 = tpu.vector_load %get3A_2280[%get3A_2281, %get3A_2282] {strides = array<i32>} : memref<64x128xf32, #tpu.memory_space<vmem>>, vector<16xf32>,
        %mul3A_2284 = arith.mulf %get3A_2276, %get3A_2283 : vector<16xf32>
        %get3A_2285 = arith.constant 0 : i32
        %get3A_2286 = arith.constant 0 : i32
        %get3A_2287 = tpu.memref_slice %arg9[%rem3A_82, %get3A_2285, %get3A_2286] : memref<2x64x128xf32, #tpu.memory_space<vmem>> -> memref<1x64x128xf32, #tpu.memory_space<vmem>>
        %get3A_2288 = tpu.memref_squeeze %get3A_2287 : memref<1x64x128xf32, #tpu.memory_space<vmem>> -> memref<64x128xf32, #tpu.memory_space<vmem>>
        %get3A_2289 = arith.index_cast %add3A_2209 : i32 to index
        %get3A_2290 = arith.constant 80 : index
        %get3A_2291 = tpu.vector_load %get3A_2288[%get3A_2289, %get3A_2290] {strides = array<i32>} : memref<64x128xf32, #tpu.memory_space<vmem>>, vector<16xf32>,
        %get3A_2292 = arith.constant 0 : i32
        %get3A_2293 = arith.constant 0 : i32
        %get3A_2294 = tpu.memref_slice %arg10[%rem3A_82, %get3A_2292, %get3A_2293] : memref<2x64x128xf32, #tpu.memory_space<vmem>> -> memref<1x64x128xf32, #tpu.memory_space<vmem>>
        %get3A_2295 = tpu.memref_squeeze %get3A_2294 : memref<1x64x128xf32, #tpu.memory_space<vmem>> -> memref<64x128xf32, #tpu.memory_space<vmem>>
        %get3A_2296 = arith.index_cast %add3A_2209 : i32 to index
        %get3A_2297 = arith.constant 80 : index
        %get3A_2298 = tpu.vector_load %get3A_2295[%get3A_2296, %get3A_2297] {strides = array<i32>} : memref<64x128xf32, #tpu.memory_space<vmem>>, vector<16xf32>,
        %mul3A_2299 = arith.mulf %get3A_2291, %get3A_2298 : vector<16xf32>
        %get3A_2300 = arith.constant 0 : i32
        %get3A_2301 = arith.constant 0 : i32
        %get3A_2302 = tpu.memref_slice %arg9[%rem3A_82, %get3A_2300, %get3A_2301] : memref<2x64x128xf32, #tpu.memory_space<vmem>> -> memref<1x64x128xf32, #tpu.memory_space<vmem>>
        %get3A_2303 = tpu.memref_squeeze %get3A_2302 : memref<1x64x128xf32, #tpu.memory_space<vmem>> -> memref<64x128xf32, #tpu.memory_space<vmem>>
        %get3A_2304 = arith.index_cast %add3A_2209 : i32 to index
        %get3A_2305 = arith.constant 96 : index
        %get3A_2306 = tpu.vector_load %get3A_2303[%get3A_2304, %get3A_2305] {strides = array<i32>} : memref<64x128xf32, #tpu.memory_space<vmem>>, vector<16xf32>,
        %get3A_2307 = arith.constant 0 : i32
        %get3A_2308 = arith.constant 0 : i32
        %get3A_2309 = tpu.memref_slice %arg10[%rem3A_82, %get3A_2307, %get3A_2308] : memref<2x64x128xf32, #tpu.memory_space<vmem>> -> memref<1x64x128xf32, #tpu.memory_space<vmem>>
        %get3A_2310 = tpu.memref_squeeze %get3A_2309 : memref<1x64x128xf32, #tpu.memory_space<vmem>> -> memref<64x128xf32, #tpu.memory_space<vmem>>
        %get3A_2311 = arith.index_cast %add3A_2209 : i32 to index
        %get3A_2312 = arith.constant 96 : index
        %get3A_2313 = tpu.vector_load %get3A_2310[%get3A_2311, %get3A_2312] {strides = array<i32>} : memref<64x128xf32, #tpu.memory_space<vmem>>, vector<16xf32>,
        %mul3A_2314 = arith.mulf %get3A_2306, %get3A_2313 : vector<16xf32>
        %get3A_2315 = arith.constant 0 : i32
        %get3A_2316 = arith.constant 0 : i32
        %get3A_2317 = tpu.memref_slice %arg9[%rem3A_82, %get3A_2315, %get3A_2316] : memref<2x64x128xf32, #tpu.memory_space<vmem>> -> memref<1x64x128xf32, #tpu.memory_space<vmem>>
        %get3A_2318 = tpu.memref_squeeze %get3A_2317 : memref<1x64x128xf32, #tpu.memory_space<vmem>> -> memref<64x128xf32, #tpu.memory_space<vmem>>
        %get3A_2319 = arith.index_cast %add3A_2209 : i32 to index
        %get3A_2320 = arith.constant 112 : index
        %get3A_2321 = tpu.vector_load %get3A_2318[%get3A_2319, %get3A_2320] {strides = array<i32>} : memref<64x128xf32, #tpu.memory_space<vmem>>, vector<16xf32>,
        %get3A_2322 = arith.constant 0 : i32
        %get3A_2323 = arith.constant 0 : i32
        %get3A_2324 = tpu.memref_slice %arg10[%rem3A_82, %get3A_2322, %get3A_2323] : memref<2x64x128xf32, #tpu.memory_space<vmem>> -> memref<1x64x128xf32, #tpu.memory_space<vmem>>
        %get3A_2325 = tpu.memref_squeeze %get3A_2324 : memref<1x64x128xf32, #tpu.memory_space<vmem>> -> memref<64x128xf32, #tpu.memory_space<vmem>>
        %get3A_2326 = arith.index_cast %add3A_2209 : i32 to index
        %get3A_2327 = arith.constant 112 : index
        %get3A_2328 = tpu.vector_load %get3A_2325[%get3A_2326, %get3A_2327] {strides = array<i32>} : memref<64x128xf32, #tpu.memory_space<vmem>>, vector<16xf32>,
        %mul3A_2329 = arith.mulf %get3A_2321, %get3A_2328 : vector<16xf32>
        %add3A_2330 = arith.addf %mul3A_2224, %mul3A_2239 : vector<16xf32>
        %add3A_2331 = arith.addf %mul3A_2254, %mul3A_2269 : vector<16xf32>
        %add3A_2332 = arith.addf %mul3A_2284, %mul3A_2299 : vector<16xf32>
        %add3A_2333 = arith.addf %mul3A_2314, %mul3A_2329 : vector<16xf32>
        %add3A_2334 = arith.addf %add3A_2330, %add3A_2331 : vector<16xf32>
        %add3A_2335 = arith.addf %add3A_2332, %add3A_2333 : vector<16xf32>
        %add3A_2336 = arith.addf %add3A_2334, %add3A_2335 : vector<16xf32>
        %broadcast_in_dim3A_2337 = arith.constant true
        %broadcast_in_dim3A_2338 = vector.broadcast %broadcast_in_dim3A_2337 : i1 to vector<16xi1>
        %masked_cumsum3A_2339 = tpu.scan <sum>, %add3A_2336 masked %broadcast_in_dim3A_2338 : vector<16xf32>, vector<16xi1> -> vector<16xf32>
        %swap3A_2340 = arith.constant 12 : i32
        %swap3A_2341 = arith.index_cast %swap3A_2340 : i32 to index
        %swap3A_2342 = arith.constant 0 : index
        %swap3A_2343 = tpu.vector_load %arg12[%swap3A_2341, %swap3A_2342] {strides = array<i32>} : memref<16x17xf32, #tpu.memory_space<vmem>>, vector<16xf32>,
        tpu.vector_store %arg12[%swap3A_2341, %swap3A_2342], %masked_cumsum3A_1923 {strides = array<i32>} : memref<16x17xf32, #tpu.memory_space<vmem>>, vector<16xf32>,
        %swap3A_2344 = arith.constant 13 : i32
        %swap3A_2345 = arith.index_cast %swap3A_2344 : i32 to index
        %swap3A_2346 = arith.constant 0 : index
        %swap3A_2347 = tpu.vector_load %arg12[%swap3A_2345, %swap3A_2346] {strides = array<i32>} : memref<16x17xf32, #tpu.memory_space<vmem>>, vector<16xf32>,
        tpu.vector_store %arg12[%swap3A_2345, %swap3A_2346], %masked_cumsum3A_2059 {strides = array<i32>} : memref<16x17xf32, #tpu.memory_space<vmem>>, vector<16xf32>,
        %swap3A_2348 = arith.constant 14 : i32
        %swap3A_2349 = arith.index_cast %swap3A_2348 : i32 to index
        %swap3A_2350 = arith.constant 0 : index
        %swap3A_2351 = tpu.vector_load %arg12[%swap3A_2349, %swap3A_2350] {strides = array<i32>} : memref<16x17xf32, #tpu.memory_space<vmem>>, vector<16xf32>,
        tpu.vector_store %arg12[%swap3A_2349, %swap3A_2350], %masked_cumsum3A_2203 {strides = array<i32>} : memref<16x17xf32, #tpu.memory_space<vmem>>, vector<16xf32>,
        %swap3A_2352 = arith.constant 15 : i32
        %swap3A_2353 = arith.index_cast %swap3A_2352 : i32 to index
        %swap3A_2354 = arith.constant 0 : index
        %swap3A_2355 = tpu.vector_load %arg12[%swap3A_2353, %swap3A_2354] {strides = array<i32>} : memref<16x17xf32, #tpu.memory_space<vmem>>, vector<16xf32>,
        tpu.vector_store %arg12[%swap3A_2353, %swap3A_2354], %masked_cumsum3A_2339 {strides = array<i32>} : memref<16x17xf32, #tpu.memory_space<vmem>>, vector<16xf32>,
        %gather3A = tpu.vector_load_idx %arg12[%iota3A, %broadcast_in_dim3A_21] : memref<16x17xf32, #tpu.memory_space<vmem>>[vector<16xi32>, vector<16xi32>], vector<16xf32>,
        %mul3A_2356 = arith.constant 16 : i32
        %mul3A_2357 = arith.muli %scan3A_117, %mul3A_2356 : i32
        %add3A_2358 = arith.addi %mul3A_84, %mul3A_2357 : i32
        %swap3A_2359 = arith.index_cast %add3A_2358 : i32 to index
        %swap3A_2360 = tpu.vector_load %arg11[%swap3A_2359] {strides = array<i32>} : memref<512xf32, #tpu.memory_space<vmem>>, vector<16xf32>,
        tpu.vector_store %arg11[%swap3A_2359], %gather3A {strides = array<i32>} : memref<512xf32, #tpu.memory_space<vmem>>, vector<16xf32>,
        %scan3A_2361 = arith.constant 0 : i32
        scf.yield %scan3A_2361 : i32
      }
      %scan3A_113 = arith.constant 4 : i32
      %lt3A = arith.constant 6 : i32
      %lt3A_114 = arith.cmpi slt, %scan3A_80, %lt3A : i32
      %convert_element_type3A = arith.extui %lt3A_114 : i1 to i32
      %cond3A = arith.constant 0 : i32
      %cond3A_115 = arith.cmpi ne, %convert_element_type3A, %cond3A : i32
      scf.if %cond3A_115 {
        %add3A_117 = arith.constant 128 : i32
        %add3A_118 = arith.addi %mul3A_84, %add3A_117 : i32
        %dma_start3A_119 = arith.constant 0 : i32
        %dma_start3A_120 = arith.constant 0 : i32
        %dma_start3A_121 = tpu.memref_slice %arg9[%rem3A_82, %dma_start3A_119, %dma_start3A_120] : memref<2x64x128xf32, #tpu.memory_space<vmem>> -> memref<1x64x128xf32, #tpu.memory_space<vmem>>
        %dma_start3A_122 = tpu.memref_squeeze %dma_start3A_121 : memref<1x64x128xf32, #tpu.memory_space<vmem>> -> memref<64x128xf32, #tpu.memory_space<vmem>>
        %dma_start3A_123 = tpu.memref_slice %arg7[%add3A_118] : memref<512xi32, #tpu.memory_space<vmem>> -> memref<64xi32, #tpu.memory_space<vmem>>
        %dma_start3A_124 = arith.constant 0 : i32
        %dma_start3A_125 = arith.constant 0 : i32
        %dma_start3A_126 = tpu.memref_slice %arg4[%dma_start3A_124, %dma_start3A_125] : memref<100000x128xf32, #tpu.memory_space<hbm>> -> memref<100000x128xf32, #tpu.memory_space<hbm>>
        %dma_start3A_127 = tpu.memref_slice %arg13[%rem3A_82] : memref<2x!tpu.dma_semaphore, #tpu.memory_space<semaphore_mem>> -> memref<1x!tpu.dma_semaphore, #tpu.memory_space<semaphore_mem>>
        %dma_start3A_128 = tpu.memref_squeeze %dma_start3A_127 : memref<1x!tpu.dma_semaphore, #tpu.memory_space<semaphore_mem>> -> memref<!tpu.dma_semaphore, #tpu.memory_space<semaphore_mem>>
        tpu.enqueue_indirect_dma source(%dma_start3A_126 : memref<100000x128xf32, #tpu.memory_space<hbm>>) target(%dma_start3A_122 : memref<64x128xf32, #tpu.memory_space<vmem>>) offsets(%dma_start3A_123 : memref<64xi32, #tpu.memory_space<vmem>>) semaphore(%dma_start3A_128 : memref<!tpu.dma_semaphore, #tpu.memory_space<semaphore_mem>>)
        %dma_start3A_129 = arith.constant 0 : i32
        %dma_start3A_130 = arith.constant 0 : i32
        %dma_start3A_131 = tpu.memref_slice %arg10[%rem3A_82, %dma_start3A_129, %dma_start3A_130] : memref<2x64x128xf32, #tpu.memory_space<vmem>> -> memref<1x64x128xf32, #tpu.memory_space<vmem>>
        %dma_start3A_132 = tpu.memref_squeeze %dma_start3A_131 : memref<1x64x128xf32, #tpu.memory_space<vmem>> -> memref<64x128xf32, #tpu.memory_space<vmem>>
        %dma_start3A_133 = tpu.memref_slice %arg8[%add3A_118] : memref<512xi32, #tpu.memory_space<vmem>> -> memref<64xi32, #tpu.memory_space<vmem>>
        %dma_start3A_134 = arith.constant 0 : i32
        %dma_start3A_135 = arith.constant 0 : i32
        %dma_start3A_136 = tpu.memref_slice %arg5[%dma_start3A_134, %dma_start3A_135] : memref<1000000x128xf32, #tpu.memory_space<hbm>> -> memref<1000000x128xf32, #tpu.memory_space<hbm>>
        %dma_start3A_137 = tpu.memref_slice %arg14[%rem3A_82] : memref<2x!tpu.dma_semaphore, #tpu.memory_space<semaphore_mem>> -> memref<1x!tpu.dma_semaphore, #tpu.memory_space<semaphore_mem>>
        %dma_start3A_138 = tpu.memref_squeeze %dma_start3A_137 : memref<1x!tpu.dma_semaphore, #tpu.memory_space<semaphore_mem>> -> memref<!tpu.dma_semaphore, #tpu.memory_space<semaphore_mem>>
        tpu.enqueue_indirect_dma source(%dma_start3A_136 : memref<1000000x128xf32, #tpu.memory_space<hbm>>) target(%dma_start3A_132 : memref<64x128xf32, #tpu.memory_space<vmem>>) offsets(%dma_start3A_133 : memref<64xi32, #tpu.memory_space<vmem>>) semaphore(%dma_start3A_138 : memref<!tpu.dma_semaphore, #tpu.memory_space<semaphore_mem>>)
      } else {
      }
      %scan3A_116 = arith.constant 0 : i32
      scf.yield %scan3A_116 : i32
    }
    %scan3A_79 = arith.constant 8 : i32
    "tpu.region"() ({
      %run_scoped3A = tpu.sem_alloc : memref<!tpu.dma_semaphore, #tpu.memory_space<semaphore_mem>>
      %dma_start3A_80 = tpu.memref_slice %arg6[%mul3A_2] : memref<16384xf32, #tpu.memory_space<hbm>> -> memref<512xf32, #tpu.memory_space<hbm>>
      %dma_start3A_81 = tpu.memref_slice %arg6[%mul3A_2] : memref<16384xf32, #tpu.memory_space<hbm>> -> memref<512xf32, #tpu.memory_space<hbm>>
      tpu.enqueue_dma source(%arg11 : memref<512xf32, #tpu.memory_space<vmem>>) target(%dma_start3A_81 : memref<512xf32, #tpu.memory_space<hbm>>) target_semaphore(%run_scoped3A : memref<!tpu.dma_semaphore, #tpu.memory_space<semaphore_mem>>)
      %dma_wait3A_82 = tpu.memref_slice %arg6[%mul3A_2] : memref<16384xf32, #tpu.memory_space<hbm>> -> memref<512xf32, #tpu.memory_space<hbm>>
      %dma_wait3A_83 = tpu.memref_slice %arg6[%mul3A_2] : memref<16384xf32, #tpu.memory_space<hbm>> -> memref<512xf32, #tpu.memory_space<hbm>>
      tpu.wait_dma2 semaphore(%run_scoped3A : memref<!tpu.dma_semaphore, #tpu.memory_space<semaphore_mem>>) src(%arg11 : memref<512xf32, #tpu.memory_space<vmem>>) dst(%dma_wait3A_83 : memref<512xf32, #tpu.memory_space<hbm>>)
      tpu.yield
    }) : () -> ()
    return
  }
}

</mosaic_0001>

<sc_bundles>
// kernel: kernel.3.cloned.1.call-start
scs
__scs_entry_jumppad:
0x0: {  	(pc) =	sbr.rel $0x88, $3  }
0x1: {  	(tag) =	ssettag $0x0;
	lr =	simm.s32 $0x1  }
0x2: {  	[smem:$0x3F9D] =	sst lr;
	_ =	strace $0xD0000000  }
0x3: {  	_ = 	snop  }
0x4: {  	_ = 	snop  }
0x5: {  	_ = 	snop  }
0x6: {  	_ = 	snop  }
0x7: {  	_ = 	snop  }
__scs_overlays_trampoline_lowered:
0x8: {  	[smem:$0x3FAC] =	sst s0  }
0x9: {  	[smem:$0x3FAD] =	sst s1  }
0xa: {  	[smem:$0x3FAE] =	sst s2  }
0xb: {  	[smem:$0x3FAF] =	sst s3  }
0xc: {  	[smem:$0x3FB0] =	sst s4  }
0xd: {  	[smem:$0x3FB1] =	sst s5  }
0xe: {  	[smem:$0x3FB2] =	sst s6  }
0xf: {  	[smem:$0x3FB3] =	sst s7  }
0x10: {  	[smem:$0x3FB4] =	sst s8  }
0x11: {  	[smem:$0x3FB5] =	sst s9;
	s0 =	simm.s32 @!p0 $0x0  }
0x12: {  	s1 =	sld [smem:$0x3F9B];
	s0 =	simm.s32 @p0 $0x1  }
0x13: {  	[smem:$0x3FB6] =	sst s0;
	s0 =	simm.s32 @!p1 $0x0  }
0x14: {  	s2 =	sld [smem:$0x3F9A];
	s0 =	simm.s32 @p1 $0x1  }
0x15: {  	[smem:$0x3FB7] =	sst s0;
	s0 =	simm.s32 @!p2 $0x0  }
0x16: {  	s3 =	sld [smem:$0x3FDB];
	s0 =	simm.s32 @p2 $0x1  }
0x17: {  	s4 =	simm.s32 $0x1BF5;
	[smem:$0x3FB9] =	sst s0  }
0x18: {  	s0 =	sld [smem:$0x3F9C];
	_ =	swait.ge [sflag:s4], $0x0  }
0x19: {  	s7 =	sld [smem:$0x3F9D]  }
0x1a: {  	s8 =	sadd.s32 $0xFFFFE003, lr  }
0x1b: {  	s9 =	sadd.s32 $0xFFFFFEF7, lr;
	s5 =	simm.s32 $0xFFFFFFFF;
	p2 =	slt.u32 s8, $0xFFFFF086  }
0x1c: {  	p1 =	slt.u32 s9, $0xF7A;
	s5 =	simm.s32 @!p2 $0x0  }
0x1d: {  	s5 =	simm.s32 @p1 $0x1;
	p0 =	seq.s32 s7, s2  }
0x1e: {  	s7 =	smul.u32 @!p0 $0xF7A, s2;
	p2 =	seq.s32 @!p0 s5, $0x0  }
0x1f: {  	s9 =	smul.u32 $0xF7A, s1;
	s8 =	simm.s32 @!p0 $0x1BF5;
	p2 =	por !p2, p0  }
0x20: {  	[sflag:s8] =	ssyncset.s32 @!p0 $0xFFFFF086;
	s6 =	sadd.s32 @!p0 s3, s7;
	s7 =	simm.s32 @!p0 $0x108  }
0x21: {  	s3 =	sadd.s32 s3, s9;
	s6 =	sadd.s32 @!p0 $0x88, s6;
	s7 =	simm.s32 @p2 $0x1082  }
0x22: {  	[simem:s7], [sflag:s8] =	dma.local @!p0 [hbm:s6], $0xF7A  }
0x23: {  	s9 =	sor.u32 $0xD0000000, s2;
	s6 =	simm.s32 $0x108;
	_ =	swait.ge @!p0 [sflag:s8], $0x0  }
0x24: {  	s3 =	sadd.s32 $0x88, s3;
	s6 =	simm.s32 @!p1 $0x1082;
	[sflag:s4] =	ssyncset.s32 $0xFFFFF086  }
0x25: {  	[simem:s6], [sflag:s4] =	dma.local [hbm:s3], $0xF7A  }
0x26: {  	[smem:$0x3F9D] =	sst s1;
	(tag) =	ssettag s2;
	_ =	strace s9  }
0x27: {  	s1 =	sld [smem:$0x3FAD]  }
0x28: {  	s2 =	sld [smem:$0x3FAE]  }
0x29: {  	s4 =	sld [smem:$0x3FB0]  }
0x2a: {  	p0 =	seq.s32 s5, $0x0;
	s5 =	sld [smem:$0x3FB1]  }
0x2b: {  	s6 =	sld [smem:$0x3FB2]  }
0x2c: {  	s7 =	sld [smem:$0x3FB3]  }
0x2d: {  	s3 =	simm.s32 $0x108;
	s8 =	sld [smem:$0x3FB4]  }
0x2e: {  	s3 =	simm.s32 @!p0 $0x1082;
	s9 =	sld [smem:$0x3FB5]  }
0x2f: {  	lr =	sadd.s32 s0, s3;
	s0 =	sld [smem:$0x3FAC]  }
0x30: {  	s3 =	sld [smem:$0x3FAF]  }
0x31: {  	[smem:$0x3FB8] =	sst s10  }
0x32: {  	s10 =	sld [smem:$0x3FB6];
	_ =	sdelay $0x3  }
0x33: {  	p0 =	seq.s32 s10, $0x1;
	s10 =	sld [smem:$0x3FB8];
	_ =	sdelay $0x3  }
0x34: {  	[smem:$0x3FB8] =	sst s10  }
0x35: {  	s10 =	sld [smem:$0x3FB7];
	_ =	sdelay $0x3  }
0x36: {  	p1 =	seq.s32 s10, $0x1;
	s10 =	sld [smem:$0x3FB8];
	_ =	sdelay $0x3  }
0x37: {  	[smem:$0x3FB8] =	sst s10  }
0x38: {  	s10 =	sld [smem:$0x3FB9]  }
0x39: {  	_ = 	snop;
	(pc) =	sbr.ind lr, $3  }
0x3a: {  	_ = 	snop  }
0x3b: {  	_ = 	snop  }
0x3c: {  	p2 =	seq.s32 s10, $0x1;
	s10 =	sld [smem:$0x3FB8]  }
0x3d: {  	_ =	shalt  }
0x3e: {  	_ =	shalt  }
0x3f: {  	_ =	shalt  }
0x40: {  	_ =	shalt  }
0x41: {  	_ =	shalt  }
0x42: {  	_ =	shalt  }
0x43: {  	_ =	shalt  }
0x44: {  	_ =	shalt  }
0x45: {  	_ =	shalt  }
0x46: {  	_ =	shalt  }
0x47: {  	_ =	shalt  }
0x48: {  	_ =	shalt  }
0x49: {  	_ =	shalt  }
0x4a: {  	_ =	shalt  }
0x4b: {  	_ =	shalt  }
0x4c: {  	_ =	shalt  }
0x4d: {  	_ =	shalt  }
0x4e: {  	_ =	shalt  }
0x4f: {  	_ =	shalt  }
0x50: {  	_ =	shalt  }
0x51: {  	_ =	shalt  }
0x52: {  	_ =	shalt  }
0x53: {  	_ =	shalt  }
0x54: {  	_ =	shalt  }
0x55: {  	_ =	shalt  }
0x56: {  	_ =	shalt  }
0x57: {  	_ =	shalt  }
0x58: {  	_ =	shalt  }
0x59: {  	_ =	shalt  }
0x5a: {  	_ =	shalt  }
0x5b: {  	_ =	shalt  }
0x5c: {  	_ =	shalt  }
0x5d: {  	_ =	shalt  }
0x5e: {  	_ =	shalt  }
0x5f: {  	_ =	shalt  }
0x60: {  	_ =	shalt  }
0x61: {  	_ =	shalt  }
0x62: {  	_ =	shalt  }
0x63: {  	_ =	shalt  }
0x64: {  	_ =	shalt  }
0x65: {  	_ =	shalt  }
0x66: {  	_ =	shalt  }
0x67: {  	_ =	shalt  }
0x68: {  	_ =	shalt  }
0x69: {  	_ =	shalt  }
0x6a: {  	_ =	shalt  }
0x6b: {  	_ =	shalt  }
0x6c: {  	_ =	shalt  }
0x6d: {  	_ =	shalt  }
0x6e: {  	_ =	shalt  }
0x6f: {  	_ =	shalt  }
0x70: {  	_ =	shalt  }
0x71: {  	_ =	shalt  }
0x72: {  	_ =	shalt  }
0x73: {  	_ =	shalt  }
0x74: {  	_ =	shalt  }
0x75: {  	_ =	shalt  }
0x76: {  	_ =	shalt  }
0x77: {  	_ =	shalt  }
0x78: {  	_ =	shalt  }
0x79: {  	_ =	shalt  }
0x7a: {  	_ =	shalt  }
0x7b: {  	_ =	shalt  }
0x7c: {  	_ =	shalt  }
0x7d: {  	_ =	shalt  }
0x7e: {  	_ =	shalt  }
0x7f: {  	_ =	shalt  }
0x80: {  	_ =	shalt  }
0x81: {  	_ =	shalt  }
0x82: {  	_ =	shalt  }
0x83: {  	_ =	shalt  }
0x84: {  	_ =	shalt  }
0x85: {  	_ =	shalt  }
0x86: {  	_ =	shalt  }
0x87: {  	_ =	shalt  }
.Lfunc_end0:
.L_simem_size_0:
called_computation_lowered:
.L_overlay_start_0:
0x88: {  	s2 =	sld [smem:$0x3FD9]  }
0x89: {  	s3 =	sld [smem:$0x3FFE];
	_ =	sdelay $0x1  }
0x8a: {  	s1 =	srdreg.scid  }
0x8b: {  	s0 =	sand.u32 $0x1, s1  }
0x8c: {  	s18 =	sshll.u32 s0, $0xA;
	s2 =	sadd.s32 s3, s2  }
0x8d: {  	s2 =	sadd.s32 s2, s18  }
0x8e: {  	[smem:$0x3FC4] =	sst s2  }
0x8f: {  	_ = 	snop  }
0x90: {  	s2 =	sld [smem:$0x3FC9]  }
0x91: {  	s19 =	sld [smem:$0x3FC8]  }
0x92: {  	s4 =	sld [smem:$0x3FC7]  }
0x93: {  	s5 =	sld [smem:$0x3FC6]  }
0x94: {  	s6 =	sld [smem:$0x3FD0];
	(tm) =	ssettm $0x1  }
0x95: {  	s7 =	sld [smem:$0x3FFB];
	_ =	sdelay $0x3  }
0x96: {  	_ =	strace s7  }
0x97: {  	s7 =	sld [smem:$0x3FFC];
	_ =	sdelay $0x3  }
0x98: {  	_ =	strace s7  }
0x99: {  	s7 =	sld [smem:$0x3FFD];
	_ =	sdelay $0x3  }
0x9a: {  	_ =	strace s7  }
0x9b: {  	_ =	strace $0x8FFFFFFF  }
0x9c: {  	s20 =	sld [smem:$0x3FDB];
	_ =	sdelay $0x1  }
0x9d: {  	s8 =	simm.s32 $_scs_section_size  }
0x9e: {  	s9 =	simm.s32 $_size__tile_overlayer_lowered;
	s10 =	simm.s32 $_tile_overlayer_lowered  }
0x9f: {  	s23 =	simm.s32 $0x1BFF;
	s22 =	sshll.u32 s10, $0x1;
	s7 =	sadd.s32 s8, s20  }
0xa0: {  	s11 =	simm.s32 $0x0;
	s21 =	sshll.u32 s9, $0x1;
	s9 =	sadd.s32 s22, s7  }
0xa1: {  	[timem:s11], [sflag:s23] =	dma.local [hbm:s9], s21  }
0xa2: {  	_ =	swait.ge [sflag:s23], s21  }
0xa3: {  	s8 =	ssub.s32 $0x0, s21;
	[sflag:s23] =	ssyncset.done $0x0  }
0xa4: {  	[sflag:s23] =	ssyncadd.s32 s8;
	_ =	sdelay $0x1  }
0xa5: {  	s24 =	simm.s32 $0x1B8B  }
0xa6: {  	_ =	swait.ge [sflag:s24], $0x1  }
0xa7: {  	[sflag:s24] =	ssyncset.done $0x0  }
0xa8: {  	s25 =	simm.s32 $0x1B8E;
	[sflag:s24] =	ssyncadd.s32 $0xFFFFFFFF  }
0xa9: {  	s26 =	simm.s32 $execute0_lowered;
	[smem:$0x3FD2] =	sst s25  }
0xaa: {  	s8 =	sshll.u32 s26, $0x1;
	_ =	strace $0x80000046;
	[dreg:$0x1] =	wrdreg $0xFFFFFFFF  }
0xab: {  	s28 =	simm.s32 $_size_execute0_lowered;
	s7 =	sadd.s32 s7, s8;
	[dreg:$0x0] =	wrdreg $0x0  }
0xac: {  	s8 =	sshll.u32 s28, $0x1;
	[dreg:$0x2] =	wrdreg s7  }
0xad: {  	[dreg:$0x3] =	wrdreg s8  }
0xae: {  	[dreg:$0x4] =	wrdreg $0xC0  }
0xaf: {  	_ =	task [dreg:s11], $0x5FFFF  }
0xb0: {  	[dreg:$0x1] =	wrdreg $0xFFFFFFFF  }
0xb1: {  	[dreg:$0x0] =	wrdreg $0x60  }
0xb2: {  	[dreg:$0x2] =	wrdreg s2  }
0xb3: {  	[dreg:$0x3] =	wrdreg s19  }
0xb4: {  	[dreg:$0x4] =	wrdreg s4  }
0xb5: {  	[dreg:$0x5] =	wrdreg s5  }
0xb6: {  	[dreg:$0x6] =	wrdreg s6  }
0xb7: {  	[dreg:$0x7] =	wrdreg $0x9  }
0xb8: {  	_ =	task.clear_ibuf [dreg:s11], $0x8FFFF;
	_ =	strace $0x90000046  }
0xb9: {  	s29 =	simm.s32 $0x9;
	_ =	strace $0x80000048  }
0xba: {  	_ =	swait.ge [sflag:s29], $0x1  }
0xbb: {  	[sflag:s29] =	ssyncadd.s32 $0xFFFFFFFF  }
0xbc: {  	_ =	strace $0x90000048  }
0xbd: {  	_ =	sfence  }
0xbe: {  	s30 =	sld [smem:$0x0];
	_ =	sdelay $0x2  }
0xbf: {  	s31 =	sshll.u32 s1, $0xD;
	s1 =	sshrl.u32 s1, $0x2  }
0xc0: {  	s3 =	sand.u32 $0x4000, s31;
	s1 =	sadd.s32 s1, s30  }
0xc1: {  	s0 =	sor.u32 s3, s0;
	s1 =	sshll.u32 s1, $0x11  }
0xc2: {  	s0 =	sor.u32 s1, s0  }
0xc3: {  	s0 =	sadd.s32 $0x8F2B, s0  }
0xc4: {  	[sflag:s0] =	ssyncadd.remote.s32 $0x1  }
0xc5: {  	_ =	sfence.sel $0xFFFF  }
0xc6: {  	[dreg:$0x0] =	wrdreg $0xFFFFFFFF;
	(pc) =	sbr.abs _section_cstart, $3  }
0xc7: {  	[dreg:$0x1] =	wrdreg $0xFFFFFFFF  }
0xc8: {  	_ =	task.clear_ibuf [dreg:s11], $0x2FFFF;
	_ =	strace $0x9FFFFFFF  }
0xc9: {  	(tm) =	ssettm $0x7FFFFFFF  }
tec
execute0_lowered:
.L_overlay_start_1:
0x0: {  	(tag) =	ssettag $0x1  }
0x1: {  	s5 =	rddreg [dreg:$0x0]  }
0x2: {  	s6 =	rddreg [dreg:$0x1]  }
0x3: {  	s1 =	rddreg [dreg:$0x2]  }
0x4: {  	s2 =	rddreg [dreg:$0x3]  }
0x5: {  	s7 =	rddreg [dreg:$0x4];
	s3 =	srdreg.scid  }
0x6: {  	s0 =	rddreg [dreg:$0x5];
	s4 =	simm.s32 $0x0;
	s12 =	simm.s32 $0x40  }
0x7: {  	s13 =	simm.s32 $0x400;
	s14 =	simm.s32 $0x4400;
	s15 =	simm.s32 $0x2400  }
0x8: {  	s18 =	simm.s32 $0x8600;
	s16 =	simm.s32 $0x240;
	s17 =	simm.s32 $0x6400  }
0x9: {  	s19 =	simm.s32 $0x5;
	s20 =	simm.s32 $0x0;
	s8 =	sand.u32 $0x1, s3  }
0xa: {  	[smem:$0x7FF] =	sst s4;
	s3 =	stileid.u32;
	s9 =	ssub.s32 $0x2, s8  }
0xb: {  	s11 =	sshll.u32 s3, $0x7;
	s8 =	sshll.u32 s8, $0x6;
	_ =	strace $0x80000047  }
0xc: {  	v0 =	vlaneseq.u32;
	[dreg:$0x6] =	wrdreg s18;
	s18 =	simm.s32 $0x8400;
	s10 =	sshrl.u32 s9, $0x1  }
0xd: {  	v0 =	vmul.u32 $0x80, v0;
	s8 =	sor.u32 s8, s11;
	s11 =	simm.s32 $0x3;
	s9 =	ssub.s32 s9, s10  }
0xe: {  	s5 =	sadd.s32 s5, s8;
	s6 =	sadd.s32 s6, s8;
	s7 =	sadd.s32 s7, s8  }
0xf: {  	v0 =	vor.u32 $0xF, v0;
	s10 =	simm.s32 $0x1;
	s8 =	smax.u32 s9, $0x1;
	s9 =	simm.s32 $0x200  }
.LBB2_1:
0x10: {  	[tilespmem:s4], [sflag:$0x1] =	stream.linear.gather [hbm4b:s5+s4], $0x200, $0x38;
	[tilespmem:$0x8E00] =	vst v63  }
0x11: {  	_ = 	snop  }
0x12: {  	[tilespmem:s9], [sflag:$0x3] =	stream.linear.gather [hbm4b:s6+s4], $0x200, $0x38;
	[tilespmem:$0x8E00] =	vst v63  }
0x13: {  	_ =	swait.ge [sflag:s10], $0x200  }
0x14: {  	[sflag:s10] =	ssyncset.done $0x0  }
0x15: {  	[sflag:s10] =	ssyncadd.s32 $0xFFFFFE00  }
0x16: {  	_ =	swait.ge [sflag:s11], $0x200  }
0x17: {  	[sflag:s11] =	ssyncset.done $0x0  }
0x18: {  	[sflag:s11] =	ssyncadd.s32 $0xFFFFFE00  }
0x19: {  	[tilespmem:s13], [sflag:$0x1] =	stream.indirect.gather [hbm4b:s1+s12], $0x80, s4, s12, $0xb8;
	[tilespmem:$0x8E00] =	vst v63  }
0x1a: {  	_ = 	snop  }
0x1b: {  	[tilespmem:s14], [sflag:$0x3] =	stream.indirect.gather [hbm4b:s2+s12], $0x80, s9, s12, $0xb8;
	[tilespmem:$0x8E00] =	vst v63  }
0x1c: {  	_ = 	snop  }
0x1d: {  	[tilespmem:s15], [sflag:$0x2] =	stream.indirect.gather [hbm4b:s1+s12], $0x80, s12, s12, $0xb8;
	[tilespmem:$0x8E00] =	vst v63  }
0x1e: {  	s21 =	simm.s32 $0x0  }
0x1f: {  	[tilespmem:s17], [sflag:$0x4] =	stream.indirect.gather [hbm4b:s2+s12], $0x80, s16, s12, $0xb8;
	[tilespmem:$0x8E00] =	vst v63  }
.LBB2_2:
0x20: {  	s25 =	sand.u32 $0x1, s21  }
0x21: {  	s22 =	sadd.s32 $0x1, s25  }
0x22: {  	s23 =	sadd.s32 $0x3, s25;
	s25 =	sshll.u32 s25, $0xD;
	_ =	swait.ge [sflag:s22], $0x2000  }
0x23: {  	s26 =	sor.u32 $0x400, s25;
	[sflag:s22] =	ssyncset.done $0x0  }
0x24: {  	s25 =	sor.u32 $0x4400, s25;
	v1 =	vmov s26;
	[sflag:s22] =	ssyncadd.s32 $0xFFFFE000  }
0x25: {  	s24 =	sshll.u32 s21, $0x6;
	v2 =	vmov s25;
	_ =	swait.ge [sflag:s23], $0x2000  }
0x26: {  	s29 =	sadd.s32 $0x8400, s24;
	[sflag:s23] =	ssyncset.done $0x0  }
0x27: {  	s28 =	simm.s32 $0x0;
	v3 =	vmov s29;
	[sflag:s23] =	ssyncadd.s32 $0xFFFFE000  }
.LBB2_3:
0x28: {  	s29 =	sshll.u32 s28, $0xB  }
0x29: {  	v4 =	vld.idx.msk [tilespmem:v1+s29+$0x0 ss:$0x1], $0xffff  }
0x2a: {  	v5 =	vld.idx.msk [tilespmem:v2+s29+$0x0 ss:$0x1], $0xffff;
	s30 =	sor.u32 $0x10, s29  }
0x2b: {  	v6 =	vld.idx.msk [tilespmem:v1+s30+$0x0 ss:$0x1], $0xffff  }
0x2c: {  	s31 =	sor.u32 $0x20, s29;
	v7 =	vld.idx.msk [tilespmem:v2+s30+$0x0 ss:$0x1], $0xffff  }
0x2d: {  	v8 =	vld.idx.msk [tilespmem:v1+s31+$0x0 ss:$0x1], $0xffff  }
0x2e: {  	v9 =	vld.idx.msk [tilespmem:v2+s31+$0x0 ss:$0x1], $0xffff;
	s31 =	sor.u32 $0x30, s29  }
0x2f: {  	v10 =	vld.idx.msk [tilespmem:v1+s31+$0x0 ss:$0x1], $0xffff  }
0x30: {  	v11 =	vld.idx.msk [tilespmem:v2+s31+$0x0 ss:$0x1], $0xffff;
	s31 =	sor.u32 $0x40, s29  }
0x31: {  	v12 =	vld.idx.msk [tilespmem:v1+s31+$0x0 ss:$0x1], $0xffff  }
0x32: {  	v13 =	vld.idx.msk [tilespmem:v2+s31+$0x0 ss:$0x1], $0xffff;
	s31 =	sor.u32 $0x50, s29  }
0x33: {  	v14 =	vld.idx.msk [tilespmem:v1+s31+$0x0 ss:$0x1], $0xffff  }
0x34: {  	v15 =	vld.idx.msk [tilespmem:v2+s31+$0x0 ss:$0x1], $0xffff;
	s31 =	sor.u32 $0x60, s29  }
0x35: {  	v16 =	vld.idx.msk [tilespmem:v1+s31+$0x0 ss:$0x1], $0xffff  }
0x36: {  	v17 =	vld.idx.msk [tilespmem:v2+s31+$0x0 ss:$0x1], $0xffff;
	s31 =	sor.u32 $0x70, s29  }
0x37: {  	v18 =	vld.idx.msk [tilespmem:v1+s31+$0x0 ss:$0x1], $0xffff  }
0x38: {  	v19 =	vld.idx.msk [tilespmem:v2+s31+$0x0 ss:$0x1], $0xffff;
	s31 =	sor.u32 $0x80, s29  }
0x39: {  	v20 =	vld.idx.msk [tilespmem:v1+s31+$0x0 ss:$0x1], $0xffff  }
0x3a: {  	v21 =	vld.idx.msk [tilespmem:v2+s31+$0x0 ss:$0x1], $0xffff;
	s31 =	sor.u32 $0x90, s29  }
0x3b: {  	v22 =	vld.idx.msk [tilespmem:v1+s31+$0x0 ss:$0x1], $0xffff  }
0x3c: {  	v23 =	vld.idx.msk [tilespmem:v2+s31+$0x0 ss:$0x1], $0xffff;
	s31 =	sor.u32 $0xA0, s29  }
0x3d: {  	v24 =	vld.idx.msk [tilespmem:v1+s31+$0x0 ss:$0x1], $0xffff  }
0x3e: {  	v25 =	vld.idx.msk [tilespmem:v2+s31+$0x0 ss:$0x1], $0xffff;
	s31 =	sor.u32 $0xB0, s29  }
0x3f: {  	v26 =	vld.idx.msk [tilespmem:v1+s31+$0x0 ss:$0x1], $0xffff  }
0x40: {  	v27 =	vld.idx.msk [tilespmem:v2+s31+$0x0 ss:$0x1], $0xffff;
	s31 =	sor.u32 $0xC0, s29  }
0x41: {  	v28 =	vld.idx.msk [tilespmem:v1+s31+$0x0 ss:$0x1], $0xffff  }
0x42: {  	v29 =	vld.idx.msk [tilespmem:v2+s31+$0x0 ss:$0x1], $0xffff;
	s31 =	sor.u32 $0xD0, s29  }
0x43: {  	v30 =	vld.idx.msk [tilespmem:v1+s31+$0x0 ss:$0x1], $0xffff  }
0x44: {  	v31 =	vld.idx.msk [tilespmem:v2+s31+$0x0 ss:$0x1], $0xffff;
	s31 =	sor.u32 $0xE0, s29  }
0x45: {  	v32 =	vld.idx.msk [tilespmem:v1+s31+$0x0 ss:$0x1], $0xffff  }
0x46: {  	v33 =	vld.idx.msk [tilespmem:v2+s31+$0x0 ss:$0x1], $0xffff;
	s31 =	sor.u32 $0xF0, s29  }
0x47: {  	v34 =	vld.idx.msk [tilespmem:v1+s31+$0x0 ss:$0x1], $0xffff  }
0x48: {  	v35 =	vld.idx.msk [tilespmem:v2+s31+$0x0 ss:$0x1], $0xffff;
	s31 =	sor.u32 $0x100, s29  }
0x49: {  	v36 =	vld.idx.msk [tilespmem:v1+s31+$0x0 ss:$0x1], $0xffff  }
0x4a: {  	v37 =	vld.idx.msk [tilespmem:v2+s31+$0x0 ss:$0x1], $0xffff;
	s31 =	sor.u32 $0x110, s29  }
0x4b: {  	v38 =	vld.idx.msk [tilespmem:v1+s31+$0x0 ss:$0x1], $0xffff  }
0x4c: {  	v39 =	vld.idx.msk [tilespmem:v2+s31+$0x0 ss:$0x1], $0xffff;
	s31 =	sor.u32 $0x120, s29  }
0x4d: {  	v40 =	vld.idx.msk [tilespmem:v1+s31+$0x0 ss:$0x1], $0xffff  }
0x4e: {  	v41 =	vld.idx.msk [tilespmem:v2+s31+$0x0 ss:$0x1], $0xffff;
	s31 =	sor.u32 $0x130, s29  }
0x4f: {  	v4 =	vmul.f32 v5, v4;
	v5 =	vmul.f32 v7, v6;
	v42 =	vld.idx.msk [tilespmem:v1+s31+$0x0 ss:$0x1], $0xffff  }
0x50: {  	v52 =	vmul.f32 v9, v8;
	v53 =	vmul.f32 v11, v10;
	v6 =	vld.idx.msk [tilespmem:v2+s31+$0x0 ss:$0x1], $0xffff;
	s31 =	sor.u32 $0x140, s29  }
0x51: {  	v54 =	vmul.f32 v13, v12;
	v55 =	vmul.f32 v15, v14;
	v9 =	vld.idx.msk [tilespmem:v1+s31+$0x0 ss:$0x1], $0xffff  }
0x52: {  	v56 =	vmul.f32 v17, v16;
	v57 =	vmul.f32 v19, v18;
	v12 =	vld.idx.msk [tilespmem:v2+s31+$0x0 ss:$0x1], $0xffff;
	s31 =	sor.u32 $0x150, s29  }
0x53: {  	v4 =	vadd.f32 v5, v4;
	v5 =	vmul.f32 v21, v20;
	v58 =	vmul.f32 v23, v22;
	v15 =	vld.idx.msk [tilespmem:v1+s31+$0x0 ss:$0x1], $0xffff  }
0x54: {  	v7 =	vadd.f32 v53, v52;
	v59 =	vmul.f32 v25, v24;
	v60 =	vmul.f32 v27, v26;
	v17 =	vld.idx.msk [tilespmem:v2+s31+$0x0 ss:$0x1], $0xffff;
	s31 =	sor.u32 $0x160, s29  }
0x55: {  	v10 =	vadd.f32 v55, v54;
	v61 =	vmul.f32 v29, v28;
	v62 =	vmul.f32 v31, v30;
	v19 =	vld.idx.msk [tilespmem:v1+s31+$0x0 ss:$0x1], $0xffff  }
0x56: {  	v13 =	vadd.f32 v57, v56;
	v33 =	vmul.f32 v33, v32;
	v35 =	vmul.f32 v35, v34;
	v63 =	vld.idx.msk [tilespmem:v2+s31+$0x0 ss:$0x1], $0xffff;
	s31 =	sor.u32 $0x170, s29  }
0x57: {  	v5 =	vadd.f32 v58, v5;
	v8 =	vadd.f32 v60, v59;
	v23 =	vld.idx.msk [tilespmem:v1+s31+$0x0 ss:$0x1], $0xffff  }
0x58: {  	v11 =	vadd.f32 v62, v61;
	v14 =	vadd.f32 v35, v33;
	v16 =	vld.idx.msk [tilespmem:v2+s31+$0x0 ss:$0x1], $0xffff;
	s31 =	sor.u32 $0x180, s29  }
0x59: {  	v4 =	vadd.f32 v7, v4;
	v43 =	vadd.f32 v13, v10;
	v18 =	vld.idx.msk [tilespmem:v1+s31+$0x0 ss:$0x1], $0xffff  }
0x5a: {  	v5 =	vadd.f32 v8, v5;
	v44 =	vld.idx.msk [tilespmem:v2+s31+$0x0 ss:$0x1], $0xffff;
	s31 =	sor.u32 $0x190, s29;
	v45 =	vadd.f32 v14, v11  }
0x5b: {  	v4 =	vadd.f32 v43, v4;
	v46 =	vld.idx.msk [tilespmem:v1+s31+$0x0 ss:$0x1], $0xffff  }
0x5c: {  	v47 =	vld.idx.msk [tilespmem:v2+s31+$0x0 ss:$0x1], $0xffff;
	s31 =	sor.u32 $0x1A0, s29;
	v5 =	vadd.f32 v45, v5  }
0x5d: {  	(xrf2) =	vadd.scan.msk.f32 $0xffff, v4;
	v48 =	vld.idx.msk [tilespmem:v1+s31+$0x0 ss:$0x1], $0xffff  }
0x5e: {  	v4 =	vld.idx.msk [tilespmem:v2+s31+$0x0 ss:$0x1], $0xffff;
	s31 =	sor.u32 $0x1B0, s29;
	(xrf2) =	vadd.scan.msk.f32 $0xffff, v5  }
0x5f: {  	v49 =	vld.idx.msk [tilespmem:v2+s31+$0x0 ss:$0x1], $0xffff  }
0x60: {  	v5 =	vld.idx.msk [tilespmem:v1+s31+$0x0 ss:$0x1], $0xffff;
	s31 =	sor.u32 $0x1C0, s29  }
0x61: {  	v50 =	vld.idx.msk [tilespmem:v1+s31+$0x0 ss:$0x1], $0xffff  }
0x62: {  	v51 =	vld.idx.msk [tilespmem:v2+s31+$0x0 ss:$0x1], $0xffff;
	s31 =	sor.u32 $0x1D0, s29  }
0x63: {  	v52 =	vld.idx.msk [tilespmem:v1+s31+$0x0 ss:$0x1], $0xffff  }
0x64: {  	v53 =	vld.idx.msk [tilespmem:v2+s31+$0x0 ss:$0x1], $0xffff;
	s31 =	sor.u32 $0x1E0, s29  }
0x65: {  	v54 =	vld.idx.msk [tilespmem:v1+s31+$0x0 ss:$0x1], $0xffff  }
0x66: {  	v55 =	vld.idx.msk [tilespmem:v2+s31+$0x0 ss:$0x1], $0xffff;
	s31 =	sor.u32 $0x1F0, s29  }
0x67: {  	v57, _, _ =	vpop (xrf2);
	v56 =	vld.idx.msk [tilespmem:v1+s31+$0x0 ss:$0x1], $0xffff  }
0x68: {  	v58 =	vld.idx.msk [tilespmem:v2+s31+$0x0 ss:$0x1], $0xffff;
	[tilespmem:$0x8600] =	vst v57;
	v59, _, _ =	vpop (xrf2)  }
0x69: {  	s31 =	sor.u32 $0x200, s29;
	[tilespmem:$0x8680] =	vst v59  }
0x6a: {  	v28 =	vld.idx.msk [tilespmem:v1+s31+$0x0 ss:$0x1], $0xffff  }
0x6b: {  	v30 =	vld.idx.msk [tilespmem:v2+s31+$0x0 ss:$0x1], $0xffff;
	s31 =	sor.u32 $0x210, s29  }
0x6c: {  	v31 =	vld.idx.msk [tilespmem:v1+s31+$0x0 ss:$0x1], $0xffff  }
0x6d: {  	v32 =	vld.idx.msk [tilespmem:v2+s31+$0x0 ss:$0x1], $0xffff;
	s31 =	sor.u32 $0x220, s29  }
0x6e: {  	v33 =	vld.idx.msk [tilespmem:v1+s31+$0x0 ss:$0x1], $0xffff  }
0x6f: {  	v34 =	vld.idx.msk [tilespmem:v2+s31+$0x0 ss:$0x1], $0xffff;
	s31 =	sor.u32 $0x230, s29  }
0x70: {  	v36 =	vmul.f32 v37, v36;
	v60 =	vmul.f32 v39, v38;
	v35 =	vld.idx.msk [tilespmem:v1+s31+$0x0 ss:$0x1], $0xffff  }
0x71: {  	v61 =	vmul.f32 v41, v40;
	v6 =	vmul.f32 v6, v42;
	v38 =	vld.idx.msk [tilespmem:v2+s31+$0x0 ss:$0x1], $0xffff;
	s31 =	sor.u32 $0x240, s29  }
0x72: {  	v9 =	vmul.f32 v12, v9;
	v62 =	vmul.f32 v17, v15;
	v40 =	vld.idx.msk [tilespmem:v1+s31+$0x0 ss:$0x1], $0xffff  }
0x73: {  	v63 =	vmul.f32 v63, v19;
	v16 =	vmul.f32 v16, v23;
	v15 =	vld.idx.msk [tilespmem:v2+s31+$0x0 ss:$0x1], $0xffff;
	s31 =	sor.u32 $0x250, s29  }
0x74: {  	v36 =	vadd.f32 v60, v36;
	v10 =	vmul.f32 v44, v18;
	v7 =	vmul.f32 v47, v46;
	v19 =	vld.idx.msk [tilespmem:v1+s31+$0x0 ss:$0x1], $0xffff  }
0x75: {  	v6 =	vadd.f32 v6, v61;
	v4 =	vmul.f32 v4, v48;
	v5 =	vmul.f32 v49, v5;
	v11 =	vld.idx.msk [tilespmem:v2+s31+$0x0 ss:$0x1], $0xffff;
	s31 =	sor.u32 $0x260, s29  }
0x76: {  	v9 =	vadd.f32 v62, v9;
	v37 =	vmul.f32 v51, v50;
	v39 =	vmul.f32 v53, v52;
	v8 =	vld.idx.msk [tilespmem:v1+s31+$0x0 ss:$0x1], $0xffff  }
0x77: {  	v16 =	vadd.f32 v16, v63;
	v41 =	vmul.f32 v55, v54;
	v42 =	vmul.f32 v58, v56;
	v14 =	vld.idx.msk [tilespmem:v2+s31+$0x0 ss:$0x1], $0xffff;
	s31 =	sor.u32 $0x270, s29  }
0x78: {  	v7 =	vadd.f32 v7, v10;
	v4 =	vadd.f32 v5, v4;
	v20 =	vld.idx.msk [tilespmem:v1+s31+$0x0 ss:$0x1], $0xffff  }
0x79: {  	v43 =	vadd.f32 v39, v37;
	v44 =	vadd.f32 v42, v41;
	v5 =	vld.idx.msk [tilespmem:v2+s31+$0x0 ss:$0x1], $0xffff;
	s31 =	sor.u32 $0x280, s29  }
0x7a: {  	v6 =	vadd.f32 v6, v36;
	v9 =	vadd.f32 v16, v9;
	v13 =	vld.idx.msk [tilespmem:v1+s31+$0x0 ss:$0x1], $0xffff  }
0x7b: {  	v4 =	vadd.f32 v4, v7;
	v45 =	vadd.f32 v44, v43;
	v16 =	vld.idx.msk [tilespmem:v2+s31+$0x0 ss:$0x1], $0xffff;
	s31 =	sor.u32 $0x290, s29  }
0x7c: {  	v6 =	vadd.f32 v9, v6;
	v46 =	vld.idx.msk [tilespmem:v1+s31+$0x0 ss:$0x1], $0xffff  }
0x7d: {  	v4 =	vadd.f32 v45, v4;
	v47 =	vld.idx.msk [tilespmem:v2+s31+$0x0 ss:$0x1], $0xffff;
	s31 =	sor.u32 $0x2A0, s29  }
0x7e: {  	(xrf2) =	vadd.scan.msk.f32 $0xffff, v6;
	v48 =	vld.idx.msk [tilespmem:v1+s31+$0x0 ss:$0x1], $0xffff  }
0x7f: {  	(xrf2) =	vadd.scan.msk.f32 $0xffff, v4;
	v49 =	vld.idx.msk [tilespmem:v2+s31+$0x0 ss:$0x1], $0xffff;
	s31 =	sor.u32 $0x2B0, s29  }
0x80: {  	v4 =	vld.idx.msk [tilespmem:v1+s31+$0x0 ss:$0x1], $0xffff  }
0x81: {  	v50 =	vld.idx.msk [tilespmem:v2+s31+$0x0 ss:$0x1], $0xffff;
	s31 =	sor.u32 $0x2C0, s29  }
0x82: {  	v51 =	vld.idx.msk [tilespmem:v1+s31+$0x0 ss:$0x1], $0xffff  }
0x83: {  	v52 =	vld.idx.msk [tilespmem:v2+s31+$0x0 ss:$0x1], $0xffff;
	s31 =	sor.u32 $0x2D0, s29  }
0x84: {  	v53 =	vld.idx.msk [tilespmem:v1+s31+$0x0 ss:$0x1], $0xffff  }
0x85: {  	v54 =	vld.idx.msk [tilespmem:v2+s31+$0x0 ss:$0x1], $0xffff;
	s31 =	sor.u32 $0x2E0, s29  }
0x86: {  	v55 =	vld.idx.msk [tilespmem:v1+s31+$0x0 ss:$0x1], $0xffff  }
0x87: {  	v56 =	vld.idx.msk [tilespmem:v2+s31+$0x0 ss:$0x1], $0xffff;
	s31 =	sor.u32 $0x2F0, s29  }
0x88: {  	v58, _, _ =	vpop (xrf2);
	v57 =	vld.idx.msk [tilespmem:v1+s31+$0x0 ss:$0x1], $0xffff  }
0x89: {  	v59 =	vld.idx.msk [tilespmem:v2+s31+$0x0 ss:$0x1], $0xffff;
	v60, _, _ =	vpop (xrf2);
	[tilespmem:$0x8700] =	vst v58  }
0x8a: {  	s31 =	sor.u32 $0x300, s29;
	[tilespmem:$0x8780] =	vst v60  }
0x8b: {  	v26 =	vld.idx.msk [tilespmem:v1+s31+$0x0 ss:$0x1], $0xffff  }
0x8c: {  	v29 =	vld.idx.msk [tilespmem:v2+s31+$0x0 ss:$0x1], $0xffff;
	s31 =	sor.u32 $0x310, s29  }
0x8d: {  	v36 =	vld.idx.msk [tilespmem:v1+s31+$0x0 ss:$0x1], $0xffff  }
0x8e: {  	v37 =	vld.idx.msk [tilespmem:v2+s31+$0x0 ss:$0x1], $0xffff;
	s31 =	sor.u32 $0x320, s29  }
0x8f: {  	v39 =	vld.idx.msk [tilespmem:v1+s31+$0x0 ss:$0x1], $0xffff  }
0x90: {  	v41 =	vld.idx.msk [tilespmem:v2+s31+$0x0 ss:$0x1], $0xffff;
	s31 =	sor.u32 $0x330, s29  }
0x91: {  	v28 =	vmul.f32 v30, v28;
	v61 =	vmul.f32 v32, v31;
	v42 =	vld.idx.msk [tilespmem:v1+s31+$0x0 ss:$0x1], $0xffff  }
0x92: {  	v62 =	vmul.f32 v34, v33;
	v63 =	vmul.f32 v38, v35;
	v31 =	vld.idx.msk [tilespmem:v2+s31+$0x0 ss:$0x1], $0xffff;
	s31 =	sor.u32 $0x340, s29  }
0x93: {  	v15 =	vmul.f32 v15, v40;
	v11 =	vmul.f32 v11, v19;
	v34 =	vld.idx.msk [tilespmem:v1+s31+$0x0 ss:$0x1], $0xffff  }
0x94: {  	v8 =	vmul.f32 v14, v8;
	v5 =	vmul.f32 v5, v20;
	v19 =	vld.idx.msk [tilespmem:v2+s31+$0x0 ss:$0x1], $0xffff;
	s31 =	sor.u32 $0x350, s29  }
0x95: {  	v30 =	vadd.f32 v61, v28;
	v13 =	vmul.f32 v16, v13;
	v9 =	vmul.f32 v47, v46;
	v14 =	vld.idx.msk [tilespmem:v1+s31+$0x0 ss:$0x1], $0xffff  }
0x96: {  	v33 =	vadd.f32 v63, v62;
	v6 =	vmul.f32 v49, v48;
	v4 =	vmul.f32 v50, v4;
	v10 =	vld.idx.msk [tilespmem:v2+s31+$0x0 ss:$0x1], $0xffff;
	s31 =	sor.u32 $0x360, s29  }
0x97: {  	v11 =	vadd.f32 v11, v15;
	v35 =	vmul.f32 v52, v51;
	v38 =	vmul.f32 v54, v53;
	v7 =	vld.idx.msk [tilespmem:v1+s31+$0x0 ss:$0x1], $0xffff  }
0x98: {  	v5 =	vadd.f32 v5, v8;
	v40 =	vmul.f32 v56, v55;
	v43 =	vmul.f32 v59, v57;
	v17 =	vld.idx.msk [tilespmem:v2+s31+$0x0 ss:$0x1], $0xffff;
	s31 =	sor.u32 $0x370, s29  }
0x99: {  	v9 =	vadd.f32 v9, v13;
	v4 =	vadd.f32 v4, v6;
	v21 =	vld.idx.msk [tilespmem:v1+s31+$0x0 ss:$0x1], $0xffff  }
0x9a: {  	v12 =	vadd.f32 v38, v35;
	v8 =	vadd.f32 v43, v40;
	v44 =	vld.idx.msk [tilespmem:v2+s31+$0x0 ss:$0x1], $0xffff;
	s31 =	sor.u32 $0x380, s29  }
0x9b: {  	v46 =	vadd.f32 v33, v30;
	v5 =	vadd.f32 v5, v11;
	v45 =	vld.idx.msk [tilespmem:v1+s31+$0x0 ss:$0x1], $0xffff  }
0x9c: {  	v4 =	vadd.f32 v4, v9;
	v8 =	vadd.f32 v8, v12;
	v47 =	vld.idx.msk [tilespmem:v2+s31+$0x0 ss:$0x1], $0xffff;
	s31 =	sor.u32 $0x390, s29  }
0x9d: {  	v5 =	vadd.f32 v5, v46;
	v48 =	vld.idx.msk [tilespmem:v1+s31+$0x0 ss:$0x1], $0xffff  }
0x9e: {  	v49 =	vld.idx.msk [tilespmem:v2+s31+$0x0 ss:$0x1], $0xffff;
	s31 =	sor.u32 $0x3A0, s29;
	v4 =	vadd.f32 v8, v4  }
0x9f: {  	(xrf2) =	vadd.scan.msk.f32 $0xffff, v5;
	v50 =	vld.idx.msk [tilespmem:v1+s31+$0x0 ss:$0x1], $0xffff  }
0xa0: {  	v5 =	vld.idx.msk [tilespmem:v2+s31+$0x0 ss:$0x1], $0xffff;
	s31 =	sor.u32 $0x3B0, s29;
	(xrf2) =	vadd.scan.msk.f32 $0xffff, v4  }
0xa1: {  	v4 =	vld.idx.msk [tilespmem:v1+s31+$0x0 ss:$0x1], $0xffff  }
0xa2: {  	v51 =	vld.idx.msk [tilespmem:v2+s31+$0x0 ss:$0x1], $0xffff;
	s31 =	sor.u32 $0x3C0, s29  }
0xa3: {  	v52 =	vld.idx.msk [tilespmem:v1+s31+$0x0 ss:$0x1], $0xffff  }
0xa4: {  	v53 =	vld.idx.msk [tilespmem:v2+s31+$0x0 ss:$0x1], $0xffff;
	s31 =	sor.u32 $0x3D0, s29  }
0xa5: {  	v54 =	vld.idx.msk [tilespmem:v1+s31+$0x0 ss:$0x1], $0xffff  }
0xa6: {  	v55 =	vld.idx.msk [tilespmem:v2+s31+$0x0 ss:$0x1], $0xffff;
	s31 =	sor.u32 $0x3E0, s29  }
0xa7: {  	v56 =	vld.idx.msk [tilespmem:v1+s31+$0x0 ss:$0x1], $0xffff  }
0xa8: {  	v57 =	vld.idx.msk [tilespmem:v2+s31+$0x0 ss:$0x1], $0xffff;
	s31 =	sor.u32 $0x3F0, s29  }
0xa9: {  	v59, _, _ =	vpop (xrf2);
	v58 =	vld.idx.msk [tilespmem:v1+s31+$0x0 ss:$0x1], $0xffff  }
0xaa: {  	v60 =	vld.idx.msk [tilespmem:v2+s31+$0x0 ss:$0x1], $0xffff;
	[tilespmem:$0x8800] =	vst v59;
	v61, _, _ =	vpop (xrf2)  }
0xab: {  	s31 =	sor.u32 $0x400, s29;
	[tilespmem:$0x8880] =	vst v61  }
0xac: {  	v27 =	vld.idx.msk [tilespmem:v1+s31+$0x0 ss:$0x1], $0xffff  }
0xad: {  	v30 =	vld.idx.msk [tilespmem:v2+s31+$0x0 ss:$0x1], $0xffff;
	s31 =	sor.u32 $0x410, s29  }
0xae: {  	v32 =	vld.idx.msk [tilespmem:v1+s31+$0x0 ss:$0x1], $0xffff  }
0xaf: {  	v33 =	vld.idx.msk [tilespmem:v2+s31+$0x0 ss:$0x1], $0xffff;
	s31 =	sor.u32 $0x420, s29  }
0xb0: {  	v35 =	vld.idx.msk [tilespmem:v1+s31+$0x0 ss:$0x1], $0xffff  }
0xb1: {  	v38 =	vld.idx.msk [tilespmem:v2+s31+$0x0 ss:$0x1], $0xffff;
	s31 =	sor.u32 $0x430, s29  }
0xb2: {  	v26 =	vmul.f32 v29, v26;
	v62 =	vmul.f32 v37, v36;
	v40 =	vld.idx.msk [tilespmem:v1+s31+$0x0 ss:$0x1], $0xffff  }
0xb3: {  	v63 =	vmul.f32 v41, v39;
	v31 =	vmul.f32 v31, v42;
	v36 =	vld.idx.msk [tilespmem:v2+s31+$0x0 ss:$0x1], $0xffff;
	s31 =	sor.u32 $0x440, s29  }
0xb4: {  	v19 =	vmul.f32 v19, v34;
	v10 =	vmul.f32 v10, v14;
	v39 =	vld.idx.msk [tilespmem:v1+s31+$0x0 ss:$0x1], $0xffff  }
0xb5: {  	v7 =	vmul.f32 v17, v7;
	v6 =	vmul.f32 v44, v21;
	v14 =	vld.idx.msk [tilespmem:v2+s31+$0x0 ss:$0x1], $0xffff;
	s31 =	sor.u32 $0x450, s29  }
0xb6: {  	v29 =	vadd.f32 v62, v26;
	v11 =	vmul.f32 v47, v45;
	v9 =	vmul.f32 v49, v48;
	v17 =	vld.idx.msk [tilespmem:v1+s31+$0x0 ss:$0x1], $0xffff  }
0xb7: {  	v34 =	vadd.f32 v31, v63;
	v5 =	vmul.f32 v5, v50;
	v4 =	vmul.f32 v51, v4;
	v12 =	vld.idx.msk [tilespmem:v2+s31+$0x0 ss:$0x1], $0xffff;
	s31 =	sor.u32 $0x460, s29  }
0xb8: {  	v10 =	vadd.f32 v10, v19;
	v37 =	vmul.f32 v53, v52;
	v41 =	vmul.f32 v55, v54;
	v8 =	vld.idx.msk [tilespmem:v1+s31+$0x0 ss:$0x1], $0xffff  }
0xb9: {  	v6 =	vadd.f32 v6, v7;
	v42 =	vmul.f32 v57, v56;
	v43 =	vmul.f32 v60, v58;
	v18 =	vld.idx.msk [tilespmem:v2+s31+$0x0 ss:$0x1], $0xffff;
	s31 =	sor.u32 $0x470, s29  }
0xba: {  	v9 =	vadd.f32 v9, v11;
	v4 =	vadd.f32 v4, v5;
	v20 =	vld.idx.msk [tilespmem:v1+s31+$0x0 ss:$0x1], $0xffff  }
0xbb: {  	v44 =	vadd.f32 v41, v37;
	v7 =	vadd.f32 v43, v42;
	v5 =	vld.idx.msk [tilespmem:v2+s31+$0x0 ss:$0x1], $0xffff;
	s31 =	sor.u32 $0x480, s29  }
0xbc: {  	v13 =	vadd.f32 v34, v29;
	v6 =	vadd.f32 v6, v10;
	v45 =	vld.idx.msk [tilespmem:v1+s31+$0x0 ss:$0x1], $0xffff  }
0xbd: {  	v4 =	vadd.f32 v4, v9;
	v7 =	vadd.f32 v7, v44;
	v46 =	vld.idx.msk [tilespmem:v2+s31+$0x0 ss:$0x1], $0xffff;
	s31 =	sor.u32 $0x490, s29  }
0xbe: {  	v6 =	vadd.f32 v6, v13;
	v47 =	vld.idx.msk [tilespmem:v1+s31+$0x0 ss:$0x1], $0xffff  }
0xbf: {  	v4 =	vadd.f32 v7, v4;
	v48 =	vld.idx.msk [tilespmem:v2+s31+$0x0 ss:$0x1], $0xffff;
	s31 =	sor.u32 $0x4A0, s29  }
0xc0: {  	(xrf2) =	vadd.scan.msk.f32 $0xffff, v6;
	v49 =	vld.idx.msk [tilespmem:v1+s31+$0x0 ss:$0x1], $0xffff  }
0xc1: {  	(xrf2) =	vadd.scan.msk.f32 $0xffff, v4;
	v50 =	vld.idx.msk [tilespmem:v2+s31+$0x0 ss:$0x1], $0xffff;
	s31 =	sor.u32 $0x4B0, s29  }
0xc2: {  	v4 =	vld.idx.msk [tilespmem:v1+s31+$0x0 ss:$0x1], $0xffff  }
0xc3: {  	v51 =	vld.idx.msk [tilespmem:v2+s31+$0x0 ss:$0x1], $0xffff;
	s31 =	sor.u32 $0x4C0, s29  }
0xc4: {  	v52 =	vld.idx.msk [tilespmem:v1+s31+$0x0 ss:$0x1], $0xffff  }
0xc5: {  	v53 =	vld.idx.msk [tilespmem:v2+s31+$0x0 ss:$0x1], $0xffff;
	s31 =	sor.u32 $0x4D0, s29  }
0xc6: {  	v54 =	vld.idx.msk [tilespmem:v1+s31+$0x0 ss:$0x1], $0xffff  }
0xc7: {  	v55 =	vld.idx.msk [tilespmem:v2+s31+$0x0 ss:$0x1], $0xffff;
	s31 =	sor.u32 $0x4E0, s29  }
0xc8: {  	v56 =	vld.idx.msk [tilespmem:v1+s31+$0x0 ss:$0x1], $0xffff  }
0xc9: {  	v57 =	vld.idx.msk [tilespmem:v2+s31+$0x0 ss:$0x1], $0xffff;
	s31 =	sor.u32 $0x4F0, s29  }
0xca: {  	v59, _, _ =	vpop (xrf2);
	v58 =	vld.idx.msk [tilespmem:v1+s31+$0x0 ss:$0x1], $0xffff  }
0xcb: {  	v60 =	vld.idx.msk [tilespmem:v2+s31+$0x0 ss:$0x1], $0xffff;
	v61, _, _ =	vpop (xrf2);
	[tilespmem:$0x8900] =	vst v59  }
0xcc: {  	s31 =	sor.u32 $0x500, s29;
	[tilespmem:$0x8980] =	vst v61  }
0xcd: {  	v26 =	vld.idx.msk [tilespmem:v1+s31+$0x0 ss:$0x1], $0xffff  }
0xce: {  	v29 =	vld.idx.msk [tilespmem:v2+s31+$0x0 ss:$0x1], $0xffff;
	s31 =	sor.u32 $0x510, s29  }
0xcf: {  	v31 =	vld.idx.msk [tilespmem:v1+s31+$0x0 ss:$0x1], $0xffff  }
0xd0: {  	v34 =	vld.idx.msk [tilespmem:v2+s31+$0x0 ss:$0x1], $0xffff;
	s31 =	sor.u32 $0x520, s29  }
0xd1: {  	v37 =	vld.idx.msk [tilespmem:v1+s31+$0x0 ss:$0x1], $0xffff  }
0xd2: {  	v41 =	vld.idx.msk [tilespmem:v2+s31+$0x0 ss:$0x1], $0xffff;
	s31 =	sor.u32 $0x530, s29  }
0xd3: {  	v27 =	vmul.f32 v30, v27;
	v62 =	vmul.f32 v33, v32;
	v42 =	vld.idx.msk [tilespmem:v1+s31+$0x0 ss:$0x1], $0xffff  }
0xd4: {  	v63 =	vmul.f32 v38, v35;
	v43 =	vmul.f32 v36, v40;
	v32 =	vld.idx.msk [tilespmem:v2+s31+$0x0 ss:$0x1], $0xffff;
	s31 =	sor.u32 $0x540, s29  }
0xd5: {  	v14 =	vmul.f32 v14, v39;
	v12 =	vmul.f32 v12, v17;
	v36 =	vld.idx.msk [tilespmem:v1+s31+$0x0 ss:$0x1], $0xffff  }
0xd6: {  	v8 =	vmul.f32 v18, v8;
	v5 =	vmul.f32 v5, v20;
	v17 =	vld.idx.msk [tilespmem:v2+s31+$0x0 ss:$0x1], $0xffff;
	s31 =	sor.u32 $0x550, s29  }
0xd7: {  	v44 =	vadd.f32 v62, v27;
	v10 =	vmul.f32 v46, v45;
	v9 =	vmul.f32 v48, v47;
	v18 =	vld.idx.msk [tilespmem:v1+s31+$0x0 ss:$0x1], $0xffff  }
0xd8: {  	v12 =	vadd.f32 v12, v14;
	v6 =	vmul.f32 v50, v49;
	v4 =	vmul.f32 v51, v4;
	v11 =	vld.idx.msk [tilespmem:v2+s31+$0x0 ss:$0x1], $0xffff;
	s31 =	sor.u32 $0x560, s29  }
0xd9: {  	v45 =	vadd.f32 v43, v63;
	v46 =	vmul.f32 v53, v52;
	v47 =	vmul.f32 v55, v54;
	v7 =	vld.idx.msk [tilespmem:v1+s31+$0x0 ss:$0x1], $0xffff  }
0xda: {  	v5 =	vadd.f32 v5, v8;
	v48 =	vmul.f32 v57, v56;
	v49 =	vmul.f32 v60, v58;
	v16 =	vld.idx.msk [tilespmem:v2+s31+$0x0 ss:$0x1], $0xffff;
	s31 =	sor.u32 $0x570, s29  }
0xdb: {  	v9 =	vadd.f32 v9, v10;
	v4 =	vadd.f32 v4, v6;
	v21 =	vld.idx.msk [tilespmem:v1+s31+$0x0 ss:$0x1], $0xffff  }
0xdc: {  	v50 =	vadd.f32 v47, v46;
	v8 =	vadd.f32 v49, v48;
	v6 =	vld.idx.msk [tilespmem:v2+s31+$0x0 ss:$0x1], $0xffff;
	s31 =	sor.u32 $0x580, s29  }
0xdd: {  	v5 =	vadd.f32 v5, v12;
	v52 =	vadd.f32 v45, v44;
	v51 =	vld.idx.msk [tilespmem:v1+s31+$0x0 ss:$0x1], $0xffff  }
0xde: {  	v4 =	vadd.f32 v4, v9;
	v8 =	vadd.f32 v8, v50;
	v53 =	vld.idx.msk [tilespmem:v2+s31+$0x0 ss:$0x1], $0xffff;
	s31 =	sor.u32 $0x590, s29  }
0xdf: {  	v5 =	vadd.f32 v5, v52;
	v54 =	vld.idx.msk [tilespmem:v1+s31+$0x0 ss:$0x1], $0xffff  }
0xe0: {  	v55 =	vld.idx.msk [tilespmem:v2+s31+$0x0 ss:$0x1], $0xffff;
	s31 =	sor.u32 $0x5A0, s29;
	v4 =	vadd.f32 v8, v4  }
0xe1: {  	(xrf2) =	vadd.scan.msk.f32 $0xffff, v5;
	v56 =	vld.idx.msk [tilespmem:v1+s31+$0x0 ss:$0x1], $0xffff  }
0xe2: {  	v5 =	vld.idx.msk [tilespmem:v2+s31+$0x0 ss:$0x1], $0xffff;
	s31 =	sor.u32 $0x5B0, s29;
	(xrf2) =	vadd.scan.msk.f32 $0xffff, v4  }
0xe3: {  	v4 =	vld.idx.msk [tilespmem:v1+s31+$0x0 ss:$0x1], $0xffff  }
0xe4: {  	v57 =	vld.idx.msk [tilespmem:v2+s31+$0x0 ss:$0x1], $0xffff;
	s31 =	sor.u32 $0x5C0, s29  }
0xe5: {  	v58 =	vld.idx.msk [tilespmem:v1+s31+$0x0 ss:$0x1], $0xffff  }
0xe6: {  	v59 =	vld.idx.msk [tilespmem:v2+s31+$0x0 ss:$0x1], $0xffff;
	s31 =	sor.u32 $0x5D0, s29  }
0xe7: {  	v60 =	vld.idx.msk [tilespmem:v1+s31+$0x0 ss:$0x1], $0xffff  }
0xe8: {  	v61 =	vld.idx.msk [tilespmem:v2+s31+$0x0 ss:$0x1], $0xffff;
	s31 =	sor.u32 $0x5E0, s29  }
0xe9: {  	v62 =	vld.idx.msk [tilespmem:v1+s31+$0x0 ss:$0x1], $0xffff  }
0xea: {  	v63 =	vld.idx.msk [tilespmem:v2+s31+$0x0 ss:$0x1], $0xffff;
	s31 =	sor.u32 $0x5F0, s29  }
0xeb: {  	v45, _, _ =	vpop (xrf2);
	v44 =	vld.idx.msk [tilespmem:v1+s31+$0x0 ss:$0x1], $0xffff  }
0xec: {  	v46 =	vld.idx.msk [tilespmem:v2+s31+$0x0 ss:$0x1], $0xffff;
	[tilespmem:$0x8A00] =	vst v45;
	v47, _, _ =	vpop (xrf2)  }
0xed: {  	s31 =	sor.u32 $0x600, s29;
	[tilespmem:$0x8A80] =	vst v47  }
0xee: {  	v27 =	vld.idx.msk [tilespmem:v1+s31+$0x0 ss:$0x1], $0xffff  }
0xef: {  	v30 =	vld.idx.msk [tilespmem:v2+s31+$0x0 ss:$0x1], $0xffff;
	s31 =	sor.u32 $0x610, s29  }
0xf0: {  	v33 =	vld.idx.msk [tilespmem:v1+s31+$0x0 ss:$0x1], $0xffff  }
0xf1: {  	v35 =	vld.idx.msk [tilespmem:v2+s31+$0x0 ss:$0x1], $0xffff;
	s31 =	sor.u32 $0x620, s29  }
0xf2: {  	v38 =	vld.idx.msk [tilespmem:v1+s31+$0x0 ss:$0x1], $0xffff  }
0xf3: {  	v39 =	vld.idx.msk [tilespmem:v2+s31+$0x0 ss:$0x1], $0xffff;
	s31 =	sor.u32 $0x630, s29  }
0xf4: {  	v26 =	vmul.f32 v29, v26;
	v48 =	vmul.f32 v34, v31;
	v40 =	vld.idx.msk [tilespmem:v1+s31+$0x0 ss:$0x1], $0xffff  }
0xf5: {  	v49 =	vmul.f32 v41, v37;
	v32 =	vmul.f32 v32, v42;
	v31 =	vld.idx.msk [tilespmem:v2+s31+$0x0 ss:$0x1], $0xffff;
	s31 =	sor.u32 $0x640, s29  }
0xf6: {  	v17 =	vmul.f32 v17, v36;
	v11 =	vmul.f32 v11, v18;
	v37 =	vld.idx.msk [tilespmem:v1+s31+$0x0 ss:$0x1], $0xffff  }
0xf7: {  	v7 =	vmul.f32 v16, v7;
	v6 =	vmul.f32 v6, v21;
	v18 =	vld.idx.msk [tilespmem:v2+s31+$0x0 ss:$0x1], $0xffff;
	s31 =	sor.u32 $0x650, s29  }
0xf8: {  	v50 =	vadd.f32 v48, v26;
	v12 =	vmul.f32 v53, v51;
	v9 =	vmul.f32 v55, v54;
	v16 =	vld.idx.msk [tilespmem:v1+s31+$0x0 ss:$0x1], $0xffff  }
0xf9: {  	v11 =	vadd.f32 v11, v17;
	v5 =	vmul.f32 v5, v56;
	v4 =	vmul.f32 v57, v4;
	v10 =	vld.idx.msk [tilespmem:v2+s31+$0x0 ss:$0x1], $0xffff;
	s31 =	sor.u32 $0x660, s29  }
0xfa: {  	v51 =	vadd.f32 v32, v49;
	v52 =	vmul.f32 v59, v58;
	v53 =	vmul.f32 v61, v60;
	v8 =	vld.idx.msk [tilespmem:v1+s31+$0x0 ss:$0x1], $0xffff  }
0xfb: {  	v6 =	vadd.f32 v6, v7;
	v54 =	vmul.f32 v63, v62;
	v55 =	vmul.f32 v46, v44;
	v17 =	vld.idx.msk [tilespmem:v2+s31+$0x0 ss:$0x1], $0xffff;
	s31 =	sor.u32 $0x670, s29  }
0xfc: {  	v9 =	vadd.f32 v9, v12;
	v4 =	vadd.f32 v4, v5;
	v56 =	vld.idx.msk [tilespmem:v1+s31+$0x0 ss:$0x1], $0xffff  }
0xfd: {  	v57 =	vadd.f32 v53, v52;
	v7 =	vadd.f32 v55, v54;
	v5 =	vld.idx.msk [tilespmem:v2+s31+$0x0 ss:$0x1], $0xffff;
	s31 =	sor.u32 $0x680, s29  }
0xfe: {  	v13 =	vadd.f32 v51, v50;
	v6 =	vadd.f32 v6, v11;
	v14 =	vld.idx.msk [tilespmem:v1+s31+$0x0 ss:$0x1], $0xffff  }
0xff: {  	v4 =	vadd.f32 v4, v9;
	v7 =	vadd.f32 v7, v57;
	v11 =	vld.idx.msk [tilespmem:v2+s31+$0x0 ss:$0x1], $0xffff;
	s31 =	sor.u32 $0x690, s29  }
0x100: {  	v6 =	vadd.f32 v6, v13;
	v9 =	vld.idx.msk [tilespmem:v1+s31+$0x0 ss:$0x1], $0xffff  }
0x101: {  	v4 =	vadd.f32 v7, v4;
	v12 =	vld.idx.msk [tilespmem:v2+s31+$0x0 ss:$0x1], $0xffff;
	s31 =	sor.u32 $0x6A0, s29  }
0x102: {  	(xrf2) =	vadd.scan.msk.f32 $0xffff, v6;
	v7 =	vld.idx.msk [tilespmem:v1+s31+$0x0 ss:$0x1], $0xffff  }
0x103: {  	(xrf2) =	vadd.scan.msk.f32 $0xffff, v4;
	v6 =	vld.idx.msk [tilespmem:v2+s31+$0x0 ss:$0x1], $0xffff;
	s31 =	sor.u32 $0x6B0, s29  }
0x104: {  	v4 =	vld.idx.msk [tilespmem:v1+s31+$0x0 ss:$0x1], $0xffff  }
0x105: {  	v58 =	vld.idx.msk [tilespmem:v2+s31+$0x0 ss:$0x1], $0xffff;
	s31 =	sor.u32 $0x6C0, s29  }
0x106: {  	v15 =	vld.idx.msk [tilespmem:v1+s31+$0x0 ss:$0x1], $0xffff  }
0x107: {  	v59 =	vld.idx.msk [tilespmem:v2+s31+$0x0 ss:$0x1], $0xffff;
	s31 =	sor.u32 $0x6D0, s29  }
0x108: {  	v21 =	vld.idx.msk [tilespmem:v1+s31+$0x0 ss:$0x1], $0xffff  }
0x109: {  	v60 =	vld.idx.msk [tilespmem:v2+s31+$0x0 ss:$0x1], $0xffff;
	s31 =	sor.u32 $0x6E0, s29  }
0x10a: {  	v23 =	vld.idx.msk [tilespmem:v1+s31+$0x0 ss:$0x1], $0xffff  }
0x10b: {  	v61 =	vld.idx.msk [tilespmem:v2+s31+$0x0 ss:$0x1], $0xffff;
	s31 =	sor.u32 $0x6F0, s29  }
0x10c: {  	v62, _, _ =	vpop (xrf2);
	v25 =	vld.idx.msk [tilespmem:v1+s31+$0x0 ss:$0x1], $0xffff  }
0x10d: {  	v63 =	vld.idx.msk [tilespmem:v2+s31+$0x0 ss:$0x1], $0xffff;
	v54, _, _ =	vpop (xrf2);
	[tilespmem:$0x8B00] =	vst v62  }
0x10e: {  	s31 =	sor.u32 $0x700, s29;
	[tilespmem:$0x8B80] =	vst v54  }
0x10f: {  	v26 =	vld.idx.msk [tilespmem:v1+s31+$0x0 ss:$0x1], $0xffff  }
0x110: {  	v29 =	vld.idx.msk [tilespmem:v2+s31+$0x0 ss:$0x1], $0xffff;
	s31 =	sor.u32 $0x710, s29  }
0x111: {  	v32 =	vld.idx.msk [tilespmem:v1+s31+$0x0 ss:$0x1], $0xffff  }
0x112: {  	v34 =	vld.idx.msk [tilespmem:v2+s31+$0x0 ss:$0x1], $0xffff;
	s31 =	sor.u32 $0x720, s29  }
0x113: {  	v36 =	vld.idx.msk [tilespmem:v1+s31+$0x0 ss:$0x1], $0xffff  }
0x114: {  	v41 =	vld.idx.msk [tilespmem:v2+s31+$0x0 ss:$0x1], $0xffff;
	s31 =	sor.u32 $0x730, s29  }
0x115: {  	v42 =	vld.idx.msk [tilespmem:v1+s31+$0x0 ss:$0x1], $0xffff  }
0x116: {  	v43 =	vld.idx.msk [tilespmem:v2+s31+$0x0 ss:$0x1], $0xffff;
	s31 =	sor.u32 $0x740, s29  }
0x117: {  	v44 =	vld.idx.msk [tilespmem:v1+s31+$0x0 ss:$0x1], $0xffff  }
0x118: {  	v45 =	vld.idx.msk [tilespmem:v2+s31+$0x0 ss:$0x1], $0xffff;
	s31 =	sor.u32 $0x750, s29  }
0x119: {  	v46 =	vld.idx.msk [tilespmem:v1+s31+$0x0 ss:$0x1], $0xffff  }
0x11a: {  	v47 =	vld.idx.msk [tilespmem:v2+s31+$0x0 ss:$0x1], $0xffff;
	s31 =	sor.u32 $0x760, s29  }
0x11b: {  	v48 =	vld.idx.msk [tilespmem:v1+s31+$0x0 ss:$0x1], $0xffff  }
0x11c: {  	v49 =	vld.idx.msk [tilespmem:v2+s31+$0x0 ss:$0x1], $0xffff;
	s31 =	sor.u32 $0x770, s29  }
0x11d: {  	v50 =	vld.idx.msk [tilespmem:v1+s31+$0x0 ss:$0x1], $0xffff  }
0x11e: {  	v51 =	vld.idx.msk [tilespmem:v2+s31+$0x0 ss:$0x1], $0xffff;
	s31 =	sor.u32 $0x780, s29  }
0x11f: {  	v52 =	vld.idx.msk [tilespmem:v1+s31+$0x0 ss:$0x1], $0xffff  }
0x120: {  	v53 =	vld.idx.msk [tilespmem:v2+s31+$0x0 ss:$0x1], $0xffff;
	s31 =	sor.u32 $0x790, s29  }
0x121: {  	v27 =	vmul.f32 v30, v27;
	v30 =	vld.idx.msk [tilespmem:v1+s31+$0x0 ss:$0x1], $0xffff  }
0x122: {  	v55 =	vmul.f32 v39, v38;
	v38 =	vld.idx.msk [tilespmem:v2+s31+$0x0 ss:$0x1], $0xffff;
	s31 =	sor.u32 $0x7A0, s29  }
0x123: {  	v33 =	vmul.f32 v35, v33;
	v18 =	vmul.f32 v18, v37;
	v37 =	vld.idx.msk [tilespmem:v1+s31+$0x0 ss:$0x1], $0xffff  }
0x124: {  	v31 =	vmul.f32 v31, v40;
	v10 =	vmul.f32 v10, v16;
	v16 =	vld.idx.msk [tilespmem:v2+s31+$0x0 ss:$0x1], $0xffff;
	s31 =	sor.u32 $0x7B0, s29  }
0x125: {  	v8 =	vmul.f32 v17, v8;
	v5 =	vmul.f32 v5, v56;
	v56 =	vadd.f32 v33, v27;
	v27 =	vld.idx.msk [tilespmem:v1+s31+$0x0 ss:$0x1], $0xffff  }
0x126: {  	v57 =	vadd.f32 v31, v55;
	v10 =	vadd.f32 v10, v18;
	v9 =	vmul.f32 v12, v9;
	v12 =	vld.idx.msk [tilespmem:v2+s31+$0x0 ss:$0x1], $0xffff;
	s31 =	sor.u32 $0x7C0, s29  }
0x127: {  	v11 =	vmul.f32 v11, v14;
	v5 =	vadd.f32 v5, v8;
	v6 =	vmul.f32 v6, v7;
	v7 =	vld.idx.msk [tilespmem:v1+s31+$0x0 ss:$0x1], $0xffff  }
0x128: {  	v4 =	vmul.f32 v58, v4;
	v58 =	vadd.f32 v57, v56;
	v59 =	vmul.f32 v59, v15;
	v15 =	vld.idx.msk [tilespmem:v2+s31+$0x0 ss:$0x1], $0xffff;
	s31 =	sor.u32 $0x7D0, s29  }
0x129: {  	v5 =	vadd.f32 v5, v10;
	v60 =	vmul.f32 v60, v21;
	v62 =	vmul.f32 v63, v25;
	v63 =	vld.idx.msk [tilespmem:v1+s31+$0x0 ss:$0x1], $0xffff  }
0x12a: {  	v9 =	vadd.f32 v9, v11;
	v4 =	vadd.f32 v4, v6;
	v61 =	vmul.f32 v61, v23;
	v28 =	vld.idx.msk [tilespmem:v2+s31+$0x0 ss:$0x1], $0xffff;
	s31 =	sor.u32 $0x7E0, s29  }
0x12b: {  	v5 =	vadd.f32 v5, v58;
	v31 =	vadd.f32 v60, v59;
	v33 =	vld.idx.msk [tilespmem:v1+s31+$0x0 ss:$0x1], $0xffff  }
0x12c: {  	v10 =	vadd.f32 v62, v61;
	v35 =	vmul.f32 v29, v26;
	v39 =	vmul.f32 v34, v32;
	s29 =	sor.u32 $0x7F0, s29;
	v40 =	vld.idx.msk [tilespmem:v2+s31+$0x0 ss:$0x1], $0xffff  }
0x12d: {  	v4 =	vadd.f32 v4, v9;
	v41 =	vmul.f32 v41, v36;
	v42 =	vmul.f32 v43, v42;
	v43 =	vld.idx.msk [tilespmem:v1+s29+$0x0 ss:$0x1], $0xffff  }
0x12e: {  	v10 =	vadd.f32 v10, v31;
	v54 =	vmul.f32 v45, v44;
	v55 =	vmul.f32 v47, v46;
	v56 =	vld.idx.msk [tilespmem:v2+s29+$0x0 ss:$0x1], $0xffff  }
0x12f: {  	v9 =	vadd.f32 v39, v35;
	v57 =	vmul.f32 v49, v48;
	v58 =	vmul.f32 v51, v50  }
0x130: {  	v4 =	vadd.f32 v10, v4;
	v59 =	vmul.f32 v53, v52;
	v60 =	vmul.f32 v38, v30  }
0x131: {  	v11 =	vadd.f32 v42, v41;
	v16 =	vmul.f32 v16, v37;
	v12 =	vmul.f32 v12, v27  }
0x132: {  	v8 =	vadd.f32 v55, v54;
	v7 =	vmul.f32 v15, v7;
	v6 =	vmul.f32 v28, v63  }
0x133: {  	v10 =	vadd.f32 v58, v57;
	v13 =	vmul.f32 v40, v33;
	v61 =	vmul.f32 v56, v43  }
0x134: {  	v14 =	vadd.f32 v60, v59;
	v12 =	vadd.f32 v12, v16  }
0x135: {  	v6 =	vadd.f32 v6, v7;
	v62 =	vadd.f32 v61, v13  }
0x136: {  	v9 =	vadd.f32 v11, v9;
	v8 =	vadd.f32 v10, v8  }
0x137: {  	v63 =	vadd.f32 v12, v14;
	v6 =	vadd.f32 v62, v6  }
0x138: {  	(xrf2) =	vadd.scan.msk.f32 $0xffff, v5;
	v5 =	vadd.f32 v8, v9  }
0x139: {  	(xrf2) =	vadd.scan.msk.f32 $0xffff, v4;
	v4 =	vadd.f32 v6, v63  }
0x13a: {  	(xrf2) =	vadd.scan.msk.f32 $0xffff, v5  }
0x13b: {  	(xrf2) =	vadd.scan.msk.f32 $0xffff, v4;
	_ =	sdelay $0x6  }
0x13c: {  	v4, _, _ =	vpop (xrf2)  }
0x13d: {  	v5, _, _ =	vpop (xrf2);
	[tilespmem:$0x8C00] =	vst v4  }
0x13e: {  	v4, _, _ =	vpop (xrf2);
	[tilespmem:$0x8C80] =	vst v5  }
0x13f: {  	[tilespmem:$0x8D00] =	vst v4;
	v5, _, _ =	vpop (xrf2)  }
0x140: {  	s30 =	rddreg [dreg:$0x6];
	[tilespmem:$0x8D80] =	vst v5  }
0x141: {  	p0 =	sne.s32 s28, $0x3;
	v4 =	vld.idx.msk [tilespmem:v0+s30+$0x0], $0xffff  }
.Ltmp0:
0x142: {  	_ = 	snop;
	(pc) =	sbr.rel @p0 .LBB2_3-.Ltmp0, $4  }
0x143: {  	_ = 	snop  }
0x144: {  	s31 =	sshll.u32 s28, $0x4  }
0x145: {  	s29 =	sand.u32 $0x3FFFFFF0, s31  }
0x146: {  	s28 =	sadd.s32 $0x1, s28;
	[tilespmem:v3+s29+$0x0 ss:$0x1] =	vst.idx.msk $0xffff, v4  }
0x147: {  	p0 =	sgt.u32 s21, $0x5  }
0x148: {  	s28 =	sadd.s32 @!p0 $0x80, s24;
	s29 =	simm.s32 @!p0 $0x40  }
0x149: {  	[tilespmem:s26], [sflag:s22] =	stream.indirect.gather @!p0 [hbm4b:s1+s29], $0x80, s28, s29, $0xb8;
	[tilespmem:$0x8E00] =	vst v63  }
0x14a: {  	s21 =	sadd.s32 $0x1, s21;
	s22 =	sadd.s32 @!p0 $0x280, s24  }
0x14b: {  	[tilespmem:s25], [sflag:s23] =	stream.indirect.gather @!p0 [hbm4b:s2+s29], $0x80, s22, s29, $0xb8;
	[tilespmem:$0x8E00] =	vst v63  }
0x14c: {  	p0 =	sne.s32 s21, $0x8  }
.Ltmp1:
0x14d: {  	_ = 	snop;
	(pc) =	sbr.rel @p0 .LBB2_2-.Ltmp1, $1  }
0x14e: {  	_ =	sdelay $0x3  }
0x14f: {  	s20 =	sadd.s32 $0x1, s20  }
0x150: {  	p0 =	sne.s32 s20, s8  }
.Ltmp2:
0x151: {  	_ = 	snop;
	(pc) =	sbr.rel @p0 .LBB2_1-.Ltmp2, $4  }
0x152: {  	[hbm4b:s7+s4] =	stream.linear.scatter [tilespmem:s18], [sflag:$0x5], $0x200, $0x38;
	[tilespmem:$0x8E00] =	vst v63  }
0x153: {  	_ =	swait.ge [sflag:s19], $0x200  }
0x154: {  	[sflag:s19] =	ssyncset.done $0x0  }
0x155: {  	[sflag:s19] =	ssyncadd.s32 $0xFFFFFE00  }
0x156: {  	_ =	sfence.sel $0x180000  }
0x157: {  	[bflag:$0x0] =	sbarrier.arrive $0xFFFF  }
0x158: {  	p0 =	sne.s32 s3, $0x0;
	_ =	strace $0x90000047  }
0x159: {  	s0 =	sadd.s32 @!p0 $0x100000, s0;
	[bflag:$0x2] =	sbarrier.arrive $0xFFFF  }
0x15a: {  	[sflag:s0] =	ssyncadd.tile.s32 @!p0 $0x1;
	_ =	shalt  }
.Lfunc_end2:
_tile_overlayer_lowered:
.L_overlay_start_2:
0x15b: {  	(tag) =	ssettag $0x2  }
0x15c: {  	s0 =	rddreg [dreg:$0x0];
	s2 =	stileid.u32  }
0x15d: {  	s1 =	rddreg [dreg:$0x1];
	p0 =	sne.s32 s2, $0x0  }
0x15e: {  	s3 =	rddreg [dreg:$0x2];
	[bflag:$0x3] =	sbarrier.arrive $0xFFFF;
	s2 =	simm.s32 @!p0 $0x1C05  }
0x15f: {  	[timem:s3], [sflag:s2] =	dma.local @!p0 [hbm:s0], s1  }
0x160: {  	s0 =	simm.s32 @!p0 $0x5  }
0x161: {  	_ =	swait.ge @!p0 [sflag:s0], s1  }
0x162: {  	s1 =	ssub.s32 @!p0 $0x0, s1;
	[sflag:s0] =	ssyncset.done @!p0 $0x0  }
0x163: {  	[sflag:s0] =	ssyncadd.s32 @!p0 s1  }
0x164: {  	[bflag:$0x3] =	sbarrier.arrive $0xFFFF  }
0x165: {  	_ =	shalt  }

</sc_bundles>
